<compile_context>
chip_gen: v7x
topology: tpu7x:2x2x1
jax: 0.10.2.dev20260603
libtpu: 0.0.44.dev20260713+nightly
codegen_flags: <defaults>
</compile_context>

<pallas_src>
import functools

import jax
import jax.numpy as jnp
from jax import lax
from jax.experimental import pallas as pl
from jax.experimental.pallas import tpu as pltpu
from jax.experimental.pallas import tpu_sc as plsc

N = 50000
E = 800000
D_IN = 58
H = 64
HH = 32
G = 256

BN = 2048
CH = 256
NROW = E // CH
NTILE = 16
NBUF = 3
RPT = 3128

_BASE = NROW // NTILE
_EXTRA = NROW - _BASE * NTILE
_MCH = _BASE + 1


BP = BN // 4
NP = N // 4


def _inproj_body(x_ref, w_ref, b_ref, o_ref):
    acc4 = jax.nn.relu(
        jnp.dot(x_ref[...], w_ref[...], preferred_element_type=jnp.float32)
        + b_ref[...]
    )
    o_ref[0] = jnp.concatenate(
        [acc4[:, 64 * j:64 * j + HH] for j in range(4)], axis=1)
    o_ref[1] = jnp.concatenate(
        [acc4[:, 64 * j + HH:64 * j + H] for j in range(4)], axis=1)


def _input_proj(x4, W4_in, b4_in):
    return pl.pallas_call(
        _inproj_body,
        grid=(pl.cdiv(NP, BP),),
        in_specs=[
            pl.BlockSpec((BP, 4 * D_IN), lambda i: (i, 0)),
            pl.BlockSpec((4 * D_IN, 4 * H), lambda i: (0, 0)),
            pl.BlockSpec((1, 4 * H), lambda i: (0, 0)),
        ],
        out_specs=pl.BlockSpec((2, BP, 128), lambda i: (0, i, 0)),
        out_shape=jax.ShapeDtypeStruct((2, NP, 128), jnp.float32),
    )(x4, W4_in, b4_in)


def _per_tile_slice(s, fn):
    pl.when(s < NTILE - 1)(lambda: fn(s * RPT, RPT))
    pl.when(s == NTILE - 1)(lambda: fn((NTILE - 1) * RPT,
                                       N - (NTILE - 1) * RPT))


def _make_sc_agg():
    mesh = plsc.VectorSubcoreMesh(core_axis_name="c", subcore_axis_name="s")

    scratch = dict(
        sidx=pltpu.VMEM((NBUF, CH), jnp.int32),
        didx=pltpu.VMEM((NBUF, CH), jnp.int32),
        rows=pltpu.VMEM((NBUF, CH, HH), jnp.float32),
        accum=pltpu.VMEM_SHARED((N, HH), jnp.float32),
        isem_s=pltpu.SemaphoreType.DMA((NBUF,)),
        isem_d=pltpu.SemaphoreType.DMA((NBUF,)),
        gsem=pltpu.SemaphoreType.DMA((NBUF,)),
        ssem=pltpu.SemaphoreType.DMA((NBUF,)),
    )

    def body(h_hbm, src2d, dst2d, z32_hbm, s_out,
             sidx, didx, rows, accum, isem_s, isem_d, gsem, ssem):
        c = lax.axis_index("c")
        s = lax.axis_index("s")
        table = h_hbm.at[c]

        _per_tile_slice(s, lambda r0, ln: pltpu.sync_copy(
            z32_hbm.at[pl.ds(r0, ln)], accum.at[pl.ds(r0, ln)]))
        plsc.subcore_barrier()

        nch = _BASE + jnp.where(s < _EXTRA, 1, 0)
        start = s * _BASE + jnp.minimum(s, _EXTRA)

        def issue_idx(k):
            b = lax.rem(k, NBUF)
            row = start + k
            pltpu.async_copy(src2d.at[row], sidx.at[b], isem_s.at[b])
            pltpu.async_copy(dst2d.at[row], didx.at[b], isem_d.at[b])

        def issue_gather(k):
            b = lax.rem(k, NBUF)
            row = start + k
            pltpu.make_async_copy(src2d.at[row], sidx.at[b],
                                  isem_s.at[b]).wait()
            pltpu.async_copy(table.at[sidx.at[b]], rows.at[b], gsem.at[b])

        def issue_scatter(k):
            b = lax.rem(k, NBUF)
            row = start + k
            pltpu.make_async_copy(dst2d.at[row], didx.at[b],
                                  isem_d.at[b]).wait()
            pltpu.make_async_copy(table.at[sidx.at[b]], rows.at[b],
                                  gsem.at[b]).wait()
            pltpu.async_copy(rows.at[b], accum.at[didx.at[b]], ssem.at[b],
                             add=True)

        def drain_scatter(k):
            b = lax.rem(k, NBUF)
            pltpu.make_async_copy(rows.at[b], accum.at[didx.at[b]],
                                  ssem.at[b]).wait()

        def step(k, _):
            pl.when(k < nch)(lambda: issue_idx(k))
            pl.when((k >= 1) & (k - 1 < nch))(lambda: issue_gather(k - 1))
            pl.when((k >= 2) & (k - 2 < nch))(lambda: issue_scatter(k - 2))
            pl.when((k >= 3) & (k - 3 < nch))(lambda: drain_scatter(k - 3))
            return _

        lax.fori_loop(0, _MCH + 3, step, None)

        plsc.subcore_barrier()

        _per_tile_slice(s, lambda r0, ln: pltpu.sync_copy(
            accum.at[pl.ds(r0, ln)], s_out.at[c, pl.ds(r0, ln)]))

    return pl.kernel(
        body,
        out_type=jax.ShapeDtypeStruct((2, N, HH), jnp.float32),
        mesh=mesh,
        scratch_types=scratch,
        compiler_params=pltpu.CompilerParams(use_tc_tiling_on_sc=False),
    )


SLAB = 5
_NSLAB = NROW // SLAB
_NW = 2 * NTILE
_SBASE = _NSLAB // _NW
_SEXTRA = _NSLAB - _SBASE * _NW
_MSL = _SBASE + 1


def _make_sc_counts():
    mesh = plsc.VectorSubcoreMesh(core_axis_name="c", subcore_axis_name="s")

    scratch = dict(
        slab=pltpu.VMEM((NBUF, SLAB, CH), jnp.int32),
        ones_v=pltpu.VMEM((CH, 8), jnp.float32),
        cnt_sh=pltpu.VMEM_SHARED((N, 8), jnp.float32),
        dsem=pltpu.SemaphoreType.DMA((NBUF,)),
        ssem=pltpu.SemaphoreType.DMA((NBUF,)),
    )

    def body(dst2d, z8_hbm, ones_hbm, c_out,
             slab, ones_v, cnt_sh, dsem, ssem):
        c = lax.axis_index("c")
        s = lax.axis_index("s")
        w = c * NTILE + s

        _per_tile_slice(s, lambda r0, ln: pltpu.sync_copy(
            z8_hbm.at[pl.ds(r0, ln)], cnt_sh.at[pl.ds(r0, ln)]))
        pltpu.sync_copy(ones_hbm, ones_v)
        plsc.subcore_barrier()

        nsl = _SBASE + jnp.where(w < _SEXTRA, 1, 0)
        start = w * _SBASE + jnp.minimum(w, _SEXTRA)

        def issue(k):
            b = lax.rem(k, NBUF)
            row0 = (start + k) * SLAB
            pltpu.async_copy(dst2d.at[pl.ds(row0, SLAB)], slab.at[b],
                             dsem.at[b])

        def consume(k):
            b = lax.rem(k, NBUF)
            row0 = (start + k) * SLAB
            pltpu.make_async_copy(dst2d.at[pl.ds(row0, SLAB)], slab.at[b],
                                  dsem.at[b]).wait()
            for j in range(SLAB):
                pltpu.async_copy(ones_v, cnt_sh.at[slab.at[b, j]],
                                 ssem.at[b], add=True)

        def drain(k):
            b = lax.rem(k, NBUF)
            for j in range(SLAB):
                pltpu.make_async_copy(ones_v, cnt_sh.at[slab.at[b, j]],
                                      ssem.at[b]).wait()

        def step(k, _):
            pl.when(k < nsl)(lambda: issue(k))
            pl.when((k >= 1) & (k - 1 < nsl))(lambda: consume(k - 1))
            pl.when((k >= 2) & (k - 2 < nsl))(lambda: drain(k - 2))
            return _

        lax.fori_loop(0, _MSL + 2, step, None)

        plsc.subcore_barrier()

        _per_tile_slice(s, lambda r0, ln: pltpu.sync_copy(
            cnt_sh.at[pl.ds(r0, ln)], c_out.at[c, pl.ds(r0, ln)]))

    return pl.kernel(
        body,
        out_type=jax.ShapeDtypeStruct((2, N, 8), jnp.float32),
        mesh=mesh,
        scratch_types=scratch,
        compiler_params=pltpu.CompilerParams(use_tc_tiling_on_sc=False),
    )


def _layer_body(h_ref, s_ref, c_ref, wa_ref, wb_ref, wc_ref, wd_ref,
                b_ref, o_ref):
    inv = 1.0 / jnp.maximum(c_ref[...], 1.0)
    s0 = s_ref[0] * inv
    s1 = s_ref[1] * inv
    acc4 = jnp.dot(h_ref[0], wa_ref[...], preferred_element_type=jnp.float32)
    acc4 += jnp.dot(h_ref[1], wb_ref[...], preferred_element_type=jnp.float32)
    acc4 += jnp.dot(s0, wc_ref[...], preferred_element_type=jnp.float32)
    acc4 += jnp.dot(s1, wd_ref[...], preferred_element_type=jnp.float32)
    acc4 = jax.nn.relu(acc4 + b_ref[...])
    o_ref[0] = jnp.concatenate(
        [acc4[:, 64 * j:64 * j + HH] for j in range(4)], axis=1)
    o_ref[1] = jnp.concatenate(
        [acc4[:, 64 * j + HH:64 * j + H] for j in range(4)], axis=1)


def _layer_dense(h, summed, c32p, W4s, b4):
    return pl.pallas_call(
        _layer_body,
        grid=(pl.cdiv(NP, BP),),
        in_specs=[
            pl.BlockSpec((2, BP, 128), lambda i: (0, i, 0)),
            pl.BlockSpec((2, BP, 128), lambda i: (0, i, 0)),
            pl.BlockSpec((BP, 128), lambda i: (i, 0)),
            pl.BlockSpec((128, 4 * H), lambda i: (0, 0)),
            pl.BlockSpec((128, 4 * H), lambda i: (0, 0)),
            pl.BlockSpec((128, 4 * H), lambda i: (0, 0)),
            pl.BlockSpec((128, 4 * H), lambda i: (0, 0)),
            pl.BlockSpec((1, 4 * H), lambda i: (0, 0)),
        ],
        out_specs=pl.BlockSpec((2, BP, 128), lambda i: (0, i, 0)),
        out_shape=jax.ShapeDtypeStruct((2, NP, 128), jnp.float32),
    )(h, summed, c32p, *W4s, b4)


def _pool_heads_body(h_ref, b0_ref, b1_ref, b2_ref, b3_ref,
                     wh_ref, bh_ref, o_ref, gs_ref, gc_ref):
    i = pl.program_id(0)

    @pl.when(i == 0)
    def _():
        gs_ref[...] = jnp.zeros_like(gs_ref)
        gc_ref[...] = jnp.zeros_like(gc_ref)

    valid = lax.broadcasted_iota(jnp.int32, (BP, 1), 0) + i * BP < NP
    h0 = jnp.where(valid, h_ref[0], 0.0)
    h1 = jnp.where(valid, h_ref[1], 0.0)
    gid = lax.broadcasted_iota(jnp.int32, (G, BP), 0)
    for j, bj_ref in enumerate((b0_ref, b1_ref, b2_ref, b3_ref)):
        bvals = bj_ref[0, 0]
        oh = (bvals[None, :] == gid).astype(jnp.float32)
        hj = jnp.concatenate([h0[:, HH * j:HH * j + HH],
                              h1[:, HH * j:HH * j + HH]], axis=1)
        gs_ref[...] += jnp.dot(oh, hj, preferred_element_type=jnp.float32)
        gc_ref[...] += jnp.sum(oh, axis=1, keepdims=True)

    @pl.when(i == pl.num_programs(0) - 1)
    def _():
        hg = gs_ref[...] / jnp.maximum(gc_ref[...], 1.0)
        z = jnp.dot(hg, wh_ref[...], preferred_element_type=jnp.float32)
        z += bh_ref[...]
        qed = jax.nn.sigmoid(z[:, 1:2])
        o_ref[...] = jnp.concatenate([z[:, 0:1], qed, z[:, 2:4]], axis=1)


def _pool_heads(h, batch_js, W_heads, b_heads):
    nblk = pl.cdiv(NP, BP)
    return pl.pallas_call(
        _pool_heads_body,
        grid=(nblk,),
        in_specs=[
            pl.BlockSpec((2, BP, 128), lambda i: (0, i, 0)),
            pl.BlockSpec((1, 1, BP), lambda i: (i, 0, 0)),
            pl.BlockSpec((1, 1, BP), lambda i: (i, 0, 0)),
            pl.BlockSpec((1, 1, BP), lambda i: (i, 0, 0)),
            pl.BlockSpec((1, 1, BP), lambda i: (i, 0, 0)),
            pl.BlockSpec((H, 4), lambda i: (0, 0)),
            pl.BlockSpec((1, 4), lambda i: (0, 0)),
        ],
        out_specs=pl.BlockSpec((G, 4), lambda i: (0, 0)),
        out_shape=jax.ShapeDtypeStruct((G, 4), jnp.float32),
        scratch_shapes=[
            pltpu.VMEM((G, H), jnp.float32),
            pltpu.VMEM((G, 1), jnp.float32),
        ],
    )(h, *batch_js, W_heads, b_heads.reshape(1, 4))


def kernel(x, edge_index, batch, W_in, b_in, W1, b1, W2, b2,
           W_aff, b_aff, W_qed, b_qed, W_sa, b_sa, W_tpsa, b_tpsa):
    src2d = edge_index[0].reshape(NROW, CH)
    dst2d = edge_index[1].reshape(NROW, CH)
    z32 = jnp.zeros((N, HH), jnp.float32)
    z8 = jnp.zeros((N, 8), jnp.float32)
    ones_c = jnp.ones((CH, 8), jnp.float32)

    eye4 = jnp.eye(4, dtype=jnp.float32)
    x4 = x.reshape(NP, 4 * D_IN)
    W4_in = jnp.kron(eye4, W_in)
    b4_in = jnp.tile(b_in, 4).reshape(1, 4 * H)

    def w4s(W):
        return tuple(jnp.kron(eye4, W[HH * j:HH * (j + 1)]) for j in range(4))

    nblk = pl.cdiv(NP, BP)
    batch_pad = jnp.pad(batch, (0, nblk * BP * 4 - N), constant_values=G)
    batch_js = [batch_pad[j::4].reshape(nblk, 1, BP) for j in range(4)]

    h = _input_proj(x4, W4_in, b4_in)
    cnt = _make_sc_counts()(dst2d, z8, ones_c)
    c = cnt[0, :, 0] + cnt[1, :, 0]
    c32p = jnp.broadcast_to(c[:, None], (N, HH)).reshape(NP, 128)

    agg = _make_sc_agg()
    s1 = agg(h.reshape(2, N, HH), src2d, dst2d, z32)
    h = _layer_dense(h, s1.reshape(2, NP, 128), c32p, w4s(W1),
                     jnp.tile(b1, 4).reshape(1, 4 * H))

    s2 = agg(h.reshape(2, N, HH), src2d, dst2d, z32)
    h = _layer_dense(h, s2.reshape(2, NP, 128), c32p, w4s(W2),
                     jnp.tile(b2, 4).reshape(1, 4 * H))

    W_heads = jnp.concatenate([W_aff, W_qed, W_sa, W_tpsa], axis=1)
    b_heads = jnp.concatenate([b_aff, b_qed, b_sa, b_tpsa])
    out = _pool_heads(h, batch_js, W_heads, b_heads)
    return (out[:, 0], out[:, 1], out[:, 2], out[:, 3])

# --- scband reference (transcript-rebuilt; emitter-appended) ---
"""Pipeline reference for scband-gnnproxy-65798898974909 (READ-ONLY COPY).

The authoritative reference and input builder live on the scoring server;
editing this copy changes nothing except your own understanding.
"""

import jax, jax.numpy as jnp
import numpy as np

N = 50000
E = 800000
D_IN = 58
H = 64
G = 256


def setup_inputs(seed: int = 0) -> dict:
    key = jax.random.key(seed)
    ks = jax.random.split(key, 20)
    x = jax.random.normal(ks[0], (N, D_IN), dtype=jnp.float32)
    edge_index = jax.random.randint(ks[1], (2, E), 0, N, dtype=jnp.int32)
    batch = jnp.sort(jax.random.randint(ks[2], (N,), 0, G, dtype=jnp.int32))
    s = 1.0 / np.sqrt(H)
    W_in = jax.random.normal(ks[3], (D_IN, H), dtype=jnp.float32) * (1.0 / np.sqrt(D_IN))
    b_in = jnp.zeros((H,), dtype=jnp.float32)
    W1 = jax.random.normal(ks[4], (2 * H, H), dtype=jnp.float32) * s
    b1 = jnp.zeros((H,), dtype=jnp.float32)
    W2 = jax.random.normal(ks[5], (2 * H, H), dtype=jnp.float32) * s
    b2 = jnp.zeros((H,), dtype=jnp.float32)
    W_aff = jax.random.normal(ks[6], (H, 1), dtype=jnp.float32) * s
    b_aff = jnp.zeros((1,), dtype=jnp.float32)
    W_qed = jax.random.normal(ks[7], (H, 1), dtype=jnp.float32) * s
    b_qed = jnp.zeros((1,), dtype=jnp.float32)
    W_sa = jax.random.normal(ks[8], (H, 1), dtype=jnp.float32) * s
    b_sa = jnp.zeros((1,), dtype=jnp.float32)
    W_tpsa = jax.random.normal(ks[9], (H, 1), dtype=jnp.float32) * s
    b_tpsa = jnp.zeros((1,), dtype=jnp.float32)
    return {"x": x, "edge_index": edge_index, "batch": batch,
            "W_in": W_in, "b_in": b_in, "W1": W1, "b1": b1, "W2": W2, "b2": b2,
            "W_aff": W_aff, "b_aff": b_aff, "W_qed": W_qed, "b_qed": b_qed,
            "W_sa": W_sa, "b_sa": b_sa, "W_tpsa": W_tpsa, "b_tpsa": b_tpsa}


def _mp_layer(h, src, dst, W, b):
    msg = h[src]
    summed = jax.ops.segment_sum(msg, dst, num_segments=N)
    cnt = jax.ops.segment_sum(jnp.ones((msg.shape[0], 1), dtype=h.dtype), dst, num_segments=N)
    agg = summed / jnp.maximum(cnt, 1.0)
    return jax.nn.relu(jnp.concatenate([h, agg], axis=-1) @ W + b)


def reference(x, edge_index, batch, W_in, b_in, W1, b1, W2, b2,
              W_aff, b_aff, W_qed, b_qed, W_sa, b_sa, W_tpsa, b_tpsa):
    src = edge_index[0]
    dst = edge_index[1]
    # CrossGVP backbone surrogate: input proj + 2 message-passing layers (mean aggregation)
    h = jax.nn.relu(x @ W_in + b_in)
    h = _mp_layer(h, src, dst, W1, b1)
    h = _mp_layer(h, src, dst, W2, b2)
    # scatter_mean graph pooling over data.batch
    gs = jax.ops.segment_sum(h, batch, num_segments=G)
    gc = jax.ops.segment_sum(jnp.ones((N, 1), dtype=h.dtype), batch, num_segments=G)
    h_graph = gs / jnp.maximum(gc, 1.0)
    affinity = (h_graph @ W_aff + b_aff).squeeze(-1)
    qed = jax.nn.sigmoid(h_graph @ W_qed + b_qed).squeeze(-1)
    sa = (h_graph @ W_sa + b_sa).squeeze(-1)
    tpsa = (h_graph @ W_tpsa + b_tpsa).squeeze(-1)
    return (affinity, qed, sa, tpsa)

if __name__ == "__main__":
    import jax
    _d = setup_inputs()
    print(jax.jit(kernel)(*tuple(_d.values())))

</pallas_src>

<mosaic_0001>
#map = affine_map<(d0, d1) -> (0, 0, 0)>
#map1 = affine_map<(d0, d1) -> (0, 0)>
module attributes {stable_mosaic.version = 14 : i64} {
  func.func @body(%arg0: i32, %arg1: i32, %arg2: memref<2x50000x32xf32, #tpu.memory_space<hbm>>, %arg3: memref<3125x256xi32, #tpu.memory_space<hbm>>, %arg4: memref<3125x256xi32, #tpu.memory_space<hbm>>, %arg5: memref<50000x32xf32, #tpu.memory_space<hbm>>, %arg6: memref<2x50000x32xf32, #tpu.memory_space<hbm>>, %arg7: memref<50000x32xf32, #tpu.memory_space<vmem_shared>>, %arg8: memref<3x256xi32, #tpu.memory_space<vmem>>, %arg9: memref<3x!tpu.dma_semaphore, #tpu.memory_space<semaphore_mem>>, %arg10: memref<3x!tpu.dma_semaphore, #tpu.memory_space<semaphore_mem>>, %arg11: memref<3x!tpu.dma_semaphore, #tpu.memory_space<semaphore_mem>>, %arg12: memref<3x256x32xf32, #tpu.memory_space<vmem>>, %arg13: memref<3x256xi32, #tpu.memory_space<vmem>>, %arg14: memref<3x!tpu.dma_semaphore, #tpu.memory_space<semaphore_mem>>) attributes {dimension_semantics = [#tpu.dimension_semantics<core_parallel>, #tpu.dimension_semantics<subcore_parallel>], iteration_bounds = array<i64: 2, 16>, scalar_prefetch = 0 : i64, scratch_operands = 8 : i64, tpu.core_type = #tpu.core_type<sc_vector_subcore>, window_params = [{transform_indices = #map}, {transform_indices = #map1}, {transform_indices = #map1}, {transform_indices = #map1}, {transform_indices = #map}]} {
    %lt3A = arith.constant 15 : i32
    %lt3A_0 = arith.cmpi slt, %arg1, %lt3A : i32
    %convert_element_type3A = arith.extui %lt3A_0 : i1 to i32
    %cond3A = arith.constant 0 : i32
    %cond3A_1 = arith.cmpi ne, %convert_element_type3A, %cond3A : i32
    scf.if %cond3A_1 {
      %mul3A_28 = arith.constant 3128 : i32
      %mul3A_29 = arith.muli %arg1, %mul3A_28 : i32
      "tpu.region"() ({
        %run_scoped3A = tpu.sem_alloc : memref<!tpu.dma_semaphore, #tpu.memory_space<semaphore_mem>>
        %dma_start3A = arith.constant 0 : i32
        %dma_start3A_30 = tpu.memref_slice %arg7[%mul3A_29, %dma_start3A] : memref<50000x32xf32, #tpu.memory_space<vmem_shared>> -> memref<3128x32xf32, #tpu.memory_space<vmem_shared>>
        %dma_start3A_31 = arith.constant 0 : i32
        %dma_start3A_32 = tpu.memref_slice %arg5[%mul3A_29, %dma_start3A_31] : memref<50000x32xf32, #tpu.memory_space<hbm>> -> memref<3128x32xf32, #tpu.memory_space<hbm>>
        tpu.enqueue_dma source(%dma_start3A_32 : memref<3128x32xf32, #tpu.memory_space<hbm>>) target(%dma_start3A_30 : memref<3128x32xf32, #tpu.memory_space<vmem_shared>>) target_semaphore(%run_scoped3A : memref<!tpu.dma_semaphore, #tpu.memory_space<semaphore_mem>>)
        %dma_wait3A = arith.constant 0 : i32
        %dma_wait3A_33 = tpu.memref_slice %arg7[%mul3A_29, %dma_wait3A] : memref<50000x32xf32, #tpu.memory_space<vmem_shared>> -> memref<3128x32xf32, #tpu.memory_space<vmem_shared>>
        %dma_wait3A_34 = arith.constant 0 : i32
        %dma_wait3A_35 = tpu.memref_slice %arg5[%mul3A_29, %dma_wait3A_34] : memref<50000x32xf32, #tpu.memory_space<hbm>> -> memref<3128x32xf32, #tpu.memory_space<hbm>>
        tpu.wait_dma2 semaphore(%run_scoped3A : memref<!tpu.dma_semaphore, #tpu.memory_space<semaphore_mem>>) src(%dma_wait3A_35 : memref<3128x32xf32, #tpu.memory_space<hbm>>) dst(%dma_wait3A_33 : memref<3128x32xf32, #tpu.memory_space<vmem_shared>>)
        tpu.yield
      }) : () -> ()
    } else {
    }
    %eq3A = arith.constant 15 : i32
    %eq3A_2 = arith.cmpi eq, %arg1, %eq3A : i32
    %convert_element_type3A_3 = arith.extui %eq3A_2 : i1 to i32
    %cond3A_4 = arith.constant 0 : i32
    %cond3A_5 = arith.cmpi ne, %convert_element_type3A_3, %cond3A_4 : i32
    scf.if %cond3A_5 {
      "tpu.region"() ({
        %run_scoped3A = tpu.sem_alloc : memref<!tpu.dma_semaphore, #tpu.memory_space<semaphore_mem>>
        %dma_start3A = arith.constant 46920 : i32
        %dma_start3A_28 = arith.constant 0 : i32
        %dma_start3A_29 = tpu.memref_slice %arg7[%dma_start3A, %dma_start3A_28] : memref<50000x32xf32, #tpu.memory_space<vmem_shared>> -> memref<3080x32xf32, #tpu.memory_space<vmem_shared>>
        %dma_start3A_30 = arith.constant 46920 : i32
        %dma_start3A_31 = arith.constant 0 : i32
        %dma_start3A_32 = tpu.memref_slice %arg5[%dma_start3A_30, %dma_start3A_31] : memref<50000x32xf32, #tpu.memory_space<hbm>> -> memref<3080x32xf32, #tpu.memory_space<hbm>>
        tpu.enqueue_dma source(%dma_start3A_32 : memref<3080x32xf32, #tpu.memory_space<hbm>>) target(%dma_start3A_29 : memref<3080x32xf32, #tpu.memory_space<vmem_shared>>) target_semaphore(%run_scoped3A : memref<!tpu.dma_semaphore, #tpu.memory_space<semaphore_mem>>)
        %dma_wait3A = arith.constant 46920 : i32
        %dma_wait3A_33 = arith.constant 0 : i32
        %dma_wait3A_34 = tpu.memref_slice %arg7[%dma_wait3A, %dma_wait3A_33] : memref<50000x32xf32, #tpu.memory_space<vmem_shared>> -> memref<3080x32xf32, #tpu.memory_space<vmem_shared>>
        %dma_wait3A_35 = arith.constant 46920 : i32
        %dma_wait3A_36 = arith.constant 0 : i32
        %dma_wait3A_37 = tpu.memref_slice %arg5[%dma_wait3A_35, %dma_wait3A_36] : memref<50000x32xf32, #tpu.memory_space<hbm>> -> memref<3080x32xf32, #tpu.memory_space<hbm>>
        tpu.wait_dma2 semaphore(%run_scoped3A : memref<!tpu.dma_semaphore, #tpu.memory_space<semaphore_mem>>) src(%dma_wait3A_37 : memref<3080x32xf32, #tpu.memory_space<hbm>>) dst(%dma_wait3A_34 : memref<3080x32xf32, #tpu.memory_space<vmem_shared>>)
        tpu.yield
      }) : () -> ()
    } else {
    }
    %barrier3A = arith.constant 0 : index
    tpu.barrier barrier_id(%barrier3A)
    %lt3A_6 = arith.constant 5 : i32
    %lt3A_7 = arith.cmpi slt, %arg1, %lt3A_6 : i32
    %jit3A = arith.constant 1 : i32
    %jit3A_8 = arith.constant 0 : i32
    %select_n3A = arith.select %lt3A_7, %jit3A, %jit3A_8 : i32
    %add3A = arith.constant 195 : i32
    %add3A_9 = arith.addi %add3A, %select_n3A : i32
    %mul3A = arith.constant 195 : i32
    %mul3A_10 = arith.muli %arg1, %mul3A : i32
    %min3A = arith.constant 5 : i32
    %min3A_11 = arith.minsi %arg1, %min3A : i32
    %add3A_12 = arith.addi %mul3A_10, %min3A_11 : i32
    %scan3A = arith.constant 0 : i32
    %scan3A_13 = arith.constant 199 : i32
    %scan3A_14 = arith.addi %scan3A, %scan3A_13 : i32
    %scan3A_15 = arith.constant 1 : i32
    scf.for %scan3A_28 = %scan3A to %scan3A_14 step %scan3A_15  : i32 {
      %lt3A_29 = arith.cmpi slt, %scan3A_28, %add3A_9 : i32
      %convert_element_type3A_30 = arith.extui %lt3A_29 : i1 to i32
      %cond3A_31 = arith.constant 0 : i32
      %cond3A_32 = arith.cmpi ne, %convert_element_type3A_30, %cond3A_31 : i32
      scf.if %cond3A_32 {
        %rem3A = arith.constant 3 : i32
        %rem3A_57 = arith.remsi %scan3A_28, %rem3A : i32
        %add3A_58 = arith.addi %add3A_12, %scan3A_28 : i32
        %dma_start3A = arith.constant 0 : i32
        %dma_start3A_59 = tpu.memref_slice %arg13[%rem3A_57, %dma_start3A] : memref<3x256xi32, #tpu.memory_space<vmem>> -> memref<1x256xi32, #tpu.memory_space<vmem>>
        %dma_start3A_60 = tpu.memref_squeeze %dma_start3A_59 : memref<1x256xi32, #tpu.memory_space<vmem>> -> memref<256xi32, #tpu.memory_space<vmem>>
        %dma_start3A_61 = arith.constant 0 : i32
        %dma_start3A_62 = tpu.memref_slice %arg3[%add3A_58, %dma_start3A_61] : memref<3125x256xi32, #tpu.memory_space<hbm>> -> memref<1x256xi32, #tpu.memory_space<hbm>>
        %dma_start3A_63 = tpu.memref_squeeze %dma_start3A_62 : memref<1x256xi32, #tpu.memory_space<hbm>> -> memref<256xi32, #tpu.memory_space<hbm>>
        %dma_start3A_64 = tpu.memref_slice %arg11[%rem3A_57] : memref<3x!tpu.dma_semaphore, #tpu.memory_space<semaphore_mem>> -> memref<1x!tpu.dma_semaphore, #tpu.memory_space<semaphore_mem>>
        %dma_start3A_65 = tpu.memref_squeeze %dma_start3A_64 : memref<1x!tpu.dma_semaphore, #tpu.memory_space<semaphore_mem>> -> memref<!tpu.dma_semaphore, #tpu.memory_space<semaphore_mem>>
        %dma_start3A_66 = arith.constant 0 : i32
        %dma_start3A_67 = tpu.memref_slice %arg13[%rem3A_57, %dma_start3A_66] : memref<3x256xi32, #tpu.memory_space<vmem>> -> memref<1x256xi32, #tpu.memory_space<vmem>>
        %dma_start3A_68 = tpu.memref_squeeze %dma_start3A_67 : memref<1x256xi32, #tpu.memory_space<vmem>> -> memref<256xi32, #tpu.memory_space<vmem>>
        %dma_start3A_69 = arith.constant 0 : i32
        %dma_start3A_70 = tpu.memref_slice %arg3[%add3A_58, %dma_start3A_69] : memref<3125x256xi32, #tpu.memory_space<hbm>> -> memref<1x256xi32, #tpu.memory_space<hbm>>
        %dma_start3A_71 = tpu.memref_squeeze %dma_start3A_70 : memref<1x256xi32, #tpu.memory_space<hbm>> -> memref<256xi32, #tpu.memory_space<hbm>>
        tpu.enqueue_dma source(%dma_start3A_71 : memref<256xi32, #tpu.memory_space<hbm>>) target(%dma_start3A_68 : memref<256xi32, #tpu.memory_space<vmem>>) target_semaphore(%dma_start3A_65 : memref<!tpu.dma_semaphore, #tpu.memory_space<semaphore_mem>>)
        %dma_start3A_72 = arith.constant 0 : i32
        %dma_start3A_73 = tpu.memref_slice %arg8[%rem3A_57, %dma_start3A_72] : memref<3x256xi32, #tpu.memory_space<vmem>> -> memref<1x256xi32, #tpu.memory_space<vmem>>
        %dma_start3A_74 = tpu.memref_squeeze %dma_start3A_73 : memref<1x256xi32, #tpu.memory_space<vmem>> -> memref<256xi32, #tpu.memory_space<vmem>>
        %dma_start3A_75 = arith.constant 0 : i32
        %dma_start3A_76 = tpu.memref_slice %arg4[%add3A_58, %dma_start3A_75] : memref<3125x256xi32, #tpu.memory_space<hbm>> -> memref<1x256xi32, #tpu.memory_space<hbm>>
        %dma_start3A_77 = tpu.memref_squeeze %dma_start3A_76 : memref<1x256xi32, #tpu.memory_space<hbm>> -> memref<256xi32, #tpu.memory_space<hbm>>
        %dma_start3A_78 = tpu.memref_slice %arg10[%rem3A_57] : memref<3x!tpu.dma_semaphore, #tpu.memory_space<semaphore_mem>> -> memref<1x!tpu.dma_semaphore, #tpu.memory_space<semaphore_mem>>
        %dma_start3A_79 = tpu.memref_squeeze %dma_start3A_78 : memref<1x!tpu.dma_semaphore, #tpu.memory_space<semaphore_mem>> -> memref<!tpu.dma_semaphore, #tpu.memory_space<semaphore_mem>>
        %dma_start3A_80 = arith.constant 0 : i32
        %dma_start3A_81 = tpu.memref_slice %arg8[%rem3A_57, %dma_start3A_80] : memref<3x256xi32, #tpu.memory_space<vmem>> -> memref<1x256xi32, #tpu.memory_space<vmem>>
        %dma_start3A_82 = tpu.memref_squeeze %dma_start3A_81 : memref<1x256xi32, #tpu.memory_space<vmem>> -> memref<256xi32, #tpu.memory_space<vmem>>
        %dma_start3A_83 = arith.constant 0 : i32
        %dma_start3A_84 = tpu.memref_slice %arg4[%add3A_58, %dma_start3A_83] : memref<3125x256xi32, #tpu.memory_space<hbm>> -> memref<1x256xi32, #tpu.memory_space<hbm>>
        %dma_start3A_85 = tpu.memref_squeeze %dma_start3A_84 : memref<1x256xi32, #tpu.memory_space<hbm>> -> memref<256xi32, #tpu.memory_space<hbm>>
        tpu.enqueue_dma source(%dma_start3A_85 : memref<256xi32, #tpu.memory_space<hbm>>) target(%dma_start3A_82 : memref<256xi32, #tpu.memory_space<vmem>>) target_semaphore(%dma_start3A_79 : memref<!tpu.dma_semaphore, #tpu.memory_space<semaphore_mem>>)
      } else {
      }
      %ge3A = arith.constant 1 : i32
      %ge3A_33 = arith.cmpi sge, %scan3A_28, %ge3A : i32
      %sub3A = arith.constant 1 : i32
      %sub3A_34 = arith.subi %scan3A_28, %sub3A : i32
      %lt3A_35 = arith.cmpi slt, %sub3A_34, %add3A_9 : i32
      %and3A = arith.andi %ge3A_33, %lt3A_35 : i1
      %convert_element_type3A_36 = arith.extui %and3A : i1 to i32
      %cond3A_37 = arith.constant 0 : i32
      %cond3A_38 = arith.cmpi ne, %convert_element_type3A_36, %cond3A_37 : i32
      scf.if %cond3A_38 {
        %sub3A_57 = arith.constant 1 : i32
        %sub3A_58 = arith.subi %scan3A_28, %sub3A_57 : i32
        %rem3A = arith.constant 3 : i32
        %rem3A_59 = arith.remsi %sub3A_58, %rem3A : i32
        %add3A_60 = arith.addi %add3A_12, %sub3A_58 : i32
        %dma_wait3A = arith.constant 0 : i32
        %dma_wait3A_61 = tpu.memref_slice %arg13[%rem3A_59, %dma_wait3A] : memref<3x256xi32, #tpu.memory_space<vmem>> -> memref<1x256xi32, #tpu.memory_space<vmem>>
        %dma_wait3A_62 = tpu.memref_squeeze %dma_wait3A_61 : memref<1x256xi32, #tpu.memory_space<vmem>> -> memref<256xi32, #tpu.memory_space<vmem>>
        %dma_wait3A_63 = arith.constant 0 : i32
        %dma_wait3A_64 = tpu.memref_slice %arg3[%add3A_60, %dma_wait3A_63] : memref<3125x256xi32, #tpu.memory_space<hbm>> -> memref<1x256xi32, #tpu.memory_space<hbm>>
        %dma_wait3A_65 = tpu.memref_squeeze %dma_wait3A_64 : memref<1x256xi32, #tpu.memory_space<hbm>> -> memref<256xi32, #tpu.memory_space<hbm>>
        %dma_wait3A_66 = tpu.memref_slice %arg11[%rem3A_59] : memref<3x!tpu.dma_semaphore, #tpu.memory_space<semaphore_mem>> -> memref<1x!tpu.dma_semaphore, #tpu.memory_space<semaphore_mem>>
        %dma_wait3A_67 = tpu.memref_squeeze %dma_wait3A_66 : memref<1x!tpu.dma_semaphore, #tpu.memory_space<semaphore_mem>> -> memref<!tpu.dma_semaphore, #tpu.memory_space<semaphore_mem>>
        %dma_wait3A_68 = arith.constant 0 : i32
        %dma_wait3A_69 = tpu.memref_slice %arg13[%rem3A_59, %dma_wait3A_68] : memref<3x256xi32, #tpu.memory_space<vmem>> -> memref<1x256xi32, #tpu.memory_space<vmem>>
        %dma_wait3A_70 = tpu.memref_squeeze %dma_wait3A_69 : memref<1x256xi32, #tpu.memory_space<vmem>> -> memref<256xi32, #tpu.memory_space<vmem>>
        %dma_wait3A_71 = arith.constant 0 : i32
        %dma_wait3A_72 = tpu.memref_slice %arg3[%add3A_60, %dma_wait3A_71] : memref<3125x256xi32, #tpu.memory_space<hbm>> -> memref<1x256xi32, #tpu.memory_space<hbm>>
        %dma_wait3A_73 = tpu.memref_squeeze %dma_wait3A_72 : memref<1x256xi32, #tpu.memory_space<hbm>> -> memref<256xi32, #tpu.memory_space<hbm>>
        tpu.wait_dma2 semaphore(%dma_wait3A_67 : memref<!tpu.dma_semaphore, #tpu.memory_space<semaphore_mem>>) src(%dma_wait3A_73 : memref<256xi32, #tpu.memory_space<hbm>>) dst(%dma_wait3A_70 : memref<256xi32, #tpu.memory_space<vmem>>)
        %dma_start3A = arith.constant 0 : i32
        %dma_start3A_74 = arith.constant 0 : i32
        %dma_start3A_75 = tpu.memref_slice %arg12[%rem3A_59, %dma_start3A, %dma_start3A_74] : memref<3x256x32xf32, #tpu.memory_space<vmem>> -> memref<1x256x32xf32, #tpu.memory_space<vmem>>
        %dma_start3A_76 = tpu.memref_squeeze %dma_start3A_75 : memref<1x256x32xf32, #tpu.memory_space<vmem>> -> memref<256x32xf32, #tpu.memory_space<vmem>>
        %dma_start3A_77 = arith.constant 0 : i32
        %dma_start3A_78 = tpu.memref_slice %arg13[%rem3A_59, %dma_start3A_77] : memref<3x256xi32, #tpu.memory_space<vmem>> -> memref<1x256xi32, #tpu.memory_space<vmem>>
        %dma_start3A_79 = tpu.memref_squeeze %dma_start3A_78 : memref<1x256xi32, #tpu.memory_space<vmem>> -> memref<256xi32, #tpu.memory_space<vmem>>
        %dma_start3A_80 = arith.constant 0 : i32
        %dma_start3A_81 = arith.constant 0 : i32
        %dma_start3A_82 = tpu.memref_slice %arg2[%arg0, %dma_start3A_80, %dma_start3A_81] : memref<2x50000x32xf32, #tpu.memory_space<hbm>> -> memref<1x50000x32xf32, #tpu.memory_space<hbm>>
        %dma_start3A_83 = tpu.memref_squeeze %dma_start3A_82 : memref<1x50000x32xf32, #tpu.memory_space<hbm>> -> memref<50000x32xf32, #tpu.memory_space<hbm>>
        %dma_start3A_84 = arith.constant 0 : i32
        %dma_start3A_85 = arith.constant 0 : i32
        %dma_start3A_86 = tpu.memref_slice %dma_start3A_83[%dma_start3A_84, %dma_start3A_85] : memref<50000x32xf32, #tpu.memory_space<hbm>> -> memref<50000x32xf32, #tpu.memory_space<hbm>>
        %dma_start3A_87 = tpu.memref_slice %arg9[%rem3A_59] : memref<3x!tpu.dma_semaphore, #tpu.memory_space<semaphore_mem>> -> memref<1x!tpu.dma_semaphore, #tpu.memory_space<semaphore_mem>>
        %dma_start3A_88 = tpu.memref_squeeze %dma_start3A_87 : memref<1x!tpu.dma_semaphore, #tpu.memory_space<semaphore_mem>> -> memref<!tpu.dma_semaphore, #tpu.memory_space<semaphore_mem>>
        tpu.enqueue_indirect_dma source(%dma_start3A_86 : memref<50000x32xf32, #tpu.memory_space<hbm>>) target(%dma_start3A_76 : memref<256x32xf32, #tpu.memory_space<vmem>>) offsets(%dma_start3A_79 : memref<256xi32, #tpu.memory_space<vmem>>) semaphore(%dma_start3A_88 : memref<!tpu.dma_semaphore, #tpu.memory_space<semaphore_mem>>)
      } else {
      }
      %ge3A_39 = arith.constant 2 : i32
      %ge3A_40 = arith.cmpi sge, %scan3A_28, %ge3A_39 : i32
      %sub3A_41 = arith.constant 2 : i32
      %sub3A_42 = arith.subi %scan3A_28, %sub3A_41 : i32
      %lt3A_43 = arith.cmpi slt, %sub3A_42, %add3A_9 : i32
      %and3A_44 = arith.andi %ge3A_40, %lt3A_43 : i1
      %convert_element_type3A_45 = arith.extui %and3A_44 : i1 to i32
      %cond3A_46 = arith.constant 0 : i32
      %cond3A_47 = arith.cmpi ne, %convert_element_type3A_45, %cond3A_46 : i32
      scf.if %cond3A_47 {
        %sub3A_57 = arith.constant 2 : i32
        %sub3A_58 = arith.subi %scan3A_28, %sub3A_57 : i32
        %rem3A = arith.constant 3 : i32
        %rem3A_59 = arith.remsi %sub3A_58, %rem3A : i32
        %add3A_60 = arith.addi %add3A_12, %sub3A_58 : i32
        %dma_wait3A = arith.constant 0 : i32
        %dma_wait3A_61 = tpu.memref_slice %arg8[%rem3A_59, %dma_wait3A] : memref<3x256xi32, #tpu.memory_space<vmem>> -> memref<1x256xi32, #tpu.memory_space<vmem>>
        %dma_wait3A_62 = tpu.memref_squeeze %dma_wait3A_61 : memref<1x256xi32, #tpu.memory_space<vmem>> -> memref<256xi32, #tpu.memory_space<vmem>>
        %dma_wait3A_63 = arith.constant 0 : i32
        %dma_wait3A_64 = tpu.memref_slice %arg4[%add3A_60, %dma_wait3A_63] : memref<3125x256xi32, #tpu.memory_space<hbm>> -> memref<1x256xi32, #tpu.memory_space<hbm>>
        %dma_wait3A_65 = tpu.memref_squeeze %dma_wait3A_64 : memref<1x256xi32, #tpu.memory_space<hbm>> -> memref<256xi32, #tpu.memory_space<hbm>>
        %dma_wait3A_66 = tpu.memref_slice %arg10[%rem3A_59] : memref<3x!tpu.dma_semaphore, #tpu.memory_space<semaphore_mem>> -> memref<1x!tpu.dma_semaphore, #tpu.memory_space<semaphore_mem>>
        %dma_wait3A_67 = tpu.memref_squeeze %dma_wait3A_66 : memref<1x!tpu.dma_semaphore, #tpu.memory_space<semaphore_mem>> -> memref<!tpu.dma_semaphore, #tpu.memory_space<semaphore_mem>>
        %dma_wait3A_68 = arith.constant 0 : i32
        %dma_wait3A_69 = tpu.memref_slice %arg8[%rem3A_59, %dma_wait3A_68] : memref<3x256xi32, #tpu.memory_space<vmem>> -> memref<1x256xi32, #tpu.memory_space<vmem>>
        %dma_wait3A_70 = tpu.memref_squeeze %dma_wait3A_69 : memref<1x256xi32, #tpu.memory_space<vmem>> -> memref<256xi32, #tpu.memory_space<vmem>>
        %dma_wait3A_71 = arith.constant 0 : i32
        %dma_wait3A_72 = tpu.memref_slice %arg4[%add3A_60, %dma_wait3A_71] : memref<3125x256xi32, #tpu.memory_space<hbm>> -> memref<1x256xi32, #tpu.memory_space<hbm>>
        %dma_wait3A_73 = tpu.memref_squeeze %dma_wait3A_72 : memref<1x256xi32, #tpu.memory_space<hbm>> -> memref<256xi32, #tpu.memory_space<hbm>>
        tpu.wait_dma2 semaphore(%dma_wait3A_67 : memref<!tpu.dma_semaphore, #tpu.memory_space<semaphore_mem>>) src(%dma_wait3A_73 : memref<256xi32, #tpu.memory_space<hbm>>) dst(%dma_wait3A_70 : memref<256xi32, #tpu.memory_space<vmem>>)
        %dma_wait3A_74 = arith.constant 0 : i32
        %dma_wait3A_75 = arith.constant 0 : i32
        %dma_wait3A_76 = tpu.memref_slice %arg12[%rem3A_59, %dma_wait3A_74, %dma_wait3A_75] : memref<3x256x32xf32, #tpu.memory_space<vmem>> -> memref<1x256x32xf32, #tpu.memory_space<vmem>>
        %dma_wait3A_77 = tpu.memref_squeeze %dma_wait3A_76 : memref<1x256x32xf32, #tpu.memory_space<vmem>> -> memref<256x32xf32, #tpu.memory_space<vmem>>
        %dma_wait3A_78 = arith.constant 0 : i32
        %dma_wait3A_79 = tpu.memref_slice %arg13[%rem3A_59, %dma_wait3A_78] : memref<3x256xi32, #tpu.memory_space<vmem>> -> memref<1x256xi32, #tpu.memory_space<vmem>>
        %dma_wait3A_80 = tpu.memref_squeeze %dma_wait3A_79 : memref<1x256xi32, #tpu.memory_space<vmem>> -> memref<256xi32, #tpu.memory_space<vmem>>
        %dma_wait3A_81 = arith.constant 0 : i32
        %dma_wait3A_82 = arith.constant 0 : i32
        %dma_wait3A_83 = tpu.memref_slice %arg2[%arg0, %dma_wait3A_81, %dma_wait3A_82] : memref<2x50000x32xf32, #tpu.memory_space<hbm>> -> memref<1x50000x32xf32, #tpu.memory_space<hbm>>
        %dma_wait3A_84 = tpu.memref_squeeze %dma_wait3A_83 : memref<1x50000x32xf32, #tpu.memory_space<hbm>> -> memref<50000x32xf32, #tpu.memory_space<hbm>>
        %dma_wait3A_85 = arith.constant 0 : i32
        %dma_wait3A_86 = arith.constant 0 : i32
        %dma_wait3A_87 = tpu.memref_slice %dma_wait3A_84[%dma_wait3A_85, %dma_wait3A_86] : memref<50000x32xf32, #tpu.memory_space<hbm>> -> memref<50000x32xf32, #tpu.memory_space<hbm>>
        %dma_wait3A_88 = tpu.memref_slice %arg9[%rem3A_59] : memref<3x!tpu.dma_semaphore, #tpu.memory_space<semaphore_mem>> -> memref<1x!tpu.dma_semaphore, #tpu.memory_space<semaphore_mem>>
        %dma_wait3A_89 = tpu.memref_squeeze %dma_wait3A_88 : memref<1x!tpu.dma_semaphore, #tpu.memory_space<semaphore_mem>> -> memref<!tpu.dma_semaphore, #tpu.memory_space<semaphore_mem>>
        tpu.wait_indirect_dma semaphore(%dma_wait3A_89 : memref<!tpu.dma_semaphore, #tpu.memory_space<semaphore_mem>>) src(%dma_wait3A_87 : memref<50000x32xf32, #tpu.memory_space<hbm>>) dst(%dma_wait3A_77 : memref<256x32xf32, #tpu.memory_space<vmem>>)
        %dma_start3A = arith.constant 0 : i32
        %dma_start3A_90 = arith.constant 0 : i32
        %dma_start3A_91 = tpu.memref_slice %arg12[%rem3A_59, %dma_start3A, %dma_start3A_90] : memref<3x256x32xf32, #tpu.memory_space<vmem>> -> memref<1x256x32xf32, #tpu.memory_space<vmem>>
        %dma_start3A_92 = tpu.memref_squeeze %dma_start3A_91 : memref<1x256x32xf32, #tpu.memory_space<vmem>> -> memref<256x32xf32, #tpu.memory_space<vmem>>
        %dma_start3A_93 = arith.constant 0 : i32
        %dma_start3A_94 = tpu.memref_slice %arg8[%rem3A_59, %dma_start3A_93] : memref<3x256xi32, #tpu.memory_space<vmem>> -> memref<1x256xi32, #tpu.memory_space<vmem>>
        %dma_start3A_95 = tpu.memref_squeeze %dma_start3A_94 : memref<1x256xi32, #tpu.memory_space<vmem>> -> memref<256xi32, #tpu.memory_space<vmem>>
        %dma_start3A_96 = arith.constant 0 : i32
        %dma_start3A_97 = arith.constant 0 : i32
        %dma_start3A_98 = tpu.memref_slice %arg7[%dma_start3A_96, %dma_start3A_97] : memref<50000x32xf32, #tpu.memory_space<vmem_shared>> -> memref<50000x32xf32, #tpu.memory_space<vmem_shared>>
        %dma_start3A_99 = tpu.memref_slice %arg14[%rem3A_59] : memref<3x!tpu.dma_semaphore, #tpu.memory_space<semaphore_mem>> -> memref<1x!tpu.dma_semaphore, #tpu.memory_space<semaphore_mem>>
        %dma_start3A_100 = tpu.memref_squeeze %dma_start3A_99 : memref<1x!tpu.dma_semaphore, #tpu.memory_space<semaphore_mem>> -> memref<!tpu.dma_semaphore, #tpu.memory_space<semaphore_mem>>
        tpu.enqueue_indirect_dma source(%dma_start3A_92 : memref<256x32xf32, #tpu.memory_space<vmem>>) target(%dma_start3A_98 : memref<50000x32xf32, #tpu.memory_space<vmem_shared>>) offsets(%dma_start3A_95 : memref<256xi32, #tpu.memory_space<vmem>>) semaphore(%dma_start3A_100 : memref<!tpu.dma_semaphore, #tpu.memory_space<semaphore_mem>>) {add = true}
      } else {
      }
      %ge3A_48 = arith.constant 3 : i32
      %ge3A_49 = arith.cmpi sge, %scan3A_28, %ge3A_48 : i32
      %sub3A_50 = arith.constant 3 : i32
      %sub3A_51 = arith.subi %scan3A_28, %sub3A_50 : i32
      %lt3A_52 = arith.cmpi slt, %sub3A_51, %add3A_9 : i32
      %and3A_53 = arith.andi %ge3A_49, %lt3A_52 : i1
      %convert_element_type3A_54 = arith.extui %and3A_53 : i1 to i32
      %cond3A_55 = arith.constant 0 : i32
      %cond3A_56 = arith.cmpi ne, %convert_element_type3A_54, %cond3A_55 : i32
      scf.if %cond3A_56 {
        %sub3A_57 = arith.constant 3 : i32
        %sub3A_58 = arith.subi %scan3A_28, %sub3A_57 : i32
        %rem3A = arith.constant 3 : i32
        %rem3A_59 = arith.remsi %sub3A_58, %rem3A : i32
        %dma_wait3A = arith.constant 0 : i32
        %dma_wait3A_60 = arith.constant 0 : i32
        %dma_wait3A_61 = tpu.memref_slice %arg12[%rem3A_59, %dma_wait3A, %dma_wait3A_60] : memref<3x256x32xf32, #tpu.memory_space<vmem>> -> memref<1x256x32xf32, #tpu.memory_space<vmem>>
        %dma_wait3A_62 = tpu.memref_squeeze %dma_wait3A_61 : memref<1x256x32xf32, #tpu.memory_space<vmem>> -> memref<256x32xf32, #tpu.memory_space<vmem>>
        %dma_wait3A_63 = arith.constant 0 : i32
        %dma_wait3A_64 = tpu.memref_slice %arg8[%rem3A_59, %dma_wait3A_63] : memref<3x256xi32, #tpu.memory_space<vmem>> -> memref<1x256xi32, #tpu.memory_space<vmem>>
        %dma_wait3A_65 = tpu.memref_squeeze %dma_wait3A_64 : memref<1x256xi32, #tpu.memory_space<vmem>> -> memref<256xi32, #tpu.memory_space<vmem>>
        %dma_wait3A_66 = arith.constant 0 : i32
        %dma_wait3A_67 = arith.constant 0 : i32
        %dma_wait3A_68 = tpu.memref_slice %arg7[%dma_wait3A_66, %dma_wait3A_67] : memref<50000x32xf32, #tpu.memory_space<vmem_shared>> -> memref<50000x32xf32, #tpu.memory_space<vmem_shared>>
        %dma_wait3A_69 = tpu.memref_slice %arg14[%rem3A_59] : memref<3x!tpu.dma_semaphore, #tpu.memory_space<semaphore_mem>> -> memref<1x!tpu.dma_semaphore, #tpu.memory_space<semaphore_mem>>
        %dma_wait3A_70 = tpu.memref_squeeze %dma_wait3A_69 : memref<1x!tpu.dma_semaphore, #tpu.memory_space<semaphore_mem>> -> memref<!tpu.dma_semaphore, #tpu.memory_space<semaphore_mem>>
        tpu.wait_indirect_dma semaphore(%dma_wait3A_70 : memref<!tpu.dma_semaphore, #tpu.memory_space<semaphore_mem>>) src(%dma_wait3A_62 : memref<256x32xf32, #tpu.memory_space<vmem>>) dst(%dma_wait3A_68 : memref<50000x32xf32, #tpu.memory_space<vmem_shared>>)
      } else {
      }
    }
    %scan3A_16 = arith.constant 199 : i32
    %barrier3A_17 = arith.constant 0 : index
    tpu.barrier barrier_id(%barrier3A_17)
    %lt3A_18 = arith.constant 15 : i32
    %lt3A_19 = arith.cmpi slt, %arg1, %lt3A_18 : i32
    %convert_element_type3A_20 = arith.extui %lt3A_19 : i1 to i32
    %cond3A_21 = arith.constant 0 : i32
    %cond3A_22 = arith.cmpi ne, %convert_element_type3A_20, %cond3A_21 : i32
    scf.if %cond3A_22 {
      %mul3A_28 = arith.constant 3128 : i32
      %mul3A_29 = arith.muli %arg1, %mul3A_28 : i32
      "tpu.region"() ({
        %run_scoped3A = tpu.sem_alloc : memref<!tpu.dma_semaphore, #tpu.memory_space<semaphore_mem>>
        %dma_start3A = arith.constant 0 : i32
        %dma_start3A_30 = tpu.memref_slice %arg6[%arg0, %mul3A_29, %dma_start3A] : memref<2x50000x32xf32, #tpu.memory_space<hbm>> -> memref<1x3128x32xf32, #tpu.memory_space<hbm>>
        %dma_start3A_31 = tpu.memref_squeeze %dma_start3A_30 : memref<1x3128x32xf32, #tpu.memory_space<hbm>> -> memref<3128x32xf32, #tpu.memory_space<hbm>>
        %dma_start3A_32 = arith.constant 0 : i32
        %dma_start3A_33 = tpu.memref_slice %arg7[%mul3A_29, %dma_start3A_32] : memref<50000x32xf32, #tpu.memory_space<vmem_shared>> -> memref<3128x32xf32, #tpu.memory_space<vmem_shared>>
        tpu.enqueue_dma source(%dma_start3A_33 : memref<3128x32xf32, #tpu.memory_space<vmem_shared>>) target(%dma_start3A_31 : memref<3128x32xf32, #tpu.memory_space<hbm>>) target_semaphore(%run_scoped3A : memref<!tpu.dma_semaphore, #tpu.memory_space<semaphore_mem>>)
        %dma_wait3A = arith.constant 0 : i32
        %dma_wait3A_34 = tpu.memref_slice %arg6[%arg0, %mul3A_29, %dma_wait3A] : memref<2x50000x32xf32, #tpu.memory_space<hbm>> -> memref<1x3128x32xf32, #tpu.memory_space<hbm>>
        %dma_wait3A_35 = tpu.memref_squeeze %dma_wait3A_34 : memref<1x3128x32xf32, #tpu.memory_space<hbm>> -> memref<3128x32xf32, #tpu.memory_space<hbm>>
        %dma_wait3A_36 = arith.constant 0 : i32
        %dma_wait3A_37 = tpu.memref_slice %arg7[%mul3A_29, %dma_wait3A_36] : memref<50000x32xf32, #tpu.memory_space<vmem_shared>> -> memref<3128x32xf32, #tpu.memory_space<vmem_shared>>
        tpu.wait_dma2 semaphore(%run_scoped3A : memref<!tpu.dma_semaphore, #tpu.memory_space<semaphore_mem>>) src(%dma_wait3A_37 : memref<3128x32xf32, #tpu.memory_space<vmem_shared>>) dst(%dma_wait3A_35 : memref<3128x32xf32, #tpu.memory_space<hbm>>)
        tpu.yield
      }) : () -> ()
    } else {
    }
    %eq3A_23 = arith.constant 15 : i32
    %eq3A_24 = arith.cmpi eq, %arg1, %eq3A_23 : i32
    %convert_element_type3A_25 = arith.extui %eq3A_24 : i1 to i32
    %cond3A_26 = arith.constant 0 : i32
    %cond3A_27 = arith.cmpi ne, %convert_element_type3A_25, %cond3A_26 : i32
    scf.if %cond3A_27 {
      "tpu.region"() ({
        %run_scoped3A = tpu.sem_alloc : memref<!tpu.dma_semaphore, #tpu.memory_space<semaphore_mem>>
        %dma_start3A = arith.constant 46920 : i32
        %dma_start3A_28 = arith.constant 0 : i32
        %dma_start3A_29 = tpu.memref_slice %arg6[%arg0, %dma_start3A, %dma_start3A_28] : memref<2x50000x32xf32, #tpu.memory_space<hbm>> -> memref<1x3080x32xf32, #tpu.memory_space<hbm>>
        %dma_start3A_30 = tpu.memref_squeeze %dma_start3A_29 : memref<1x3080x32xf32, #tpu.memory_space<hbm>> -> memref<3080x32xf32, #tpu.memory_space<hbm>>
        %dma_start3A_31 = arith.constant 46920 : i32
        %dma_start3A_32 = arith.constant 0 : i32
        %dma_start3A_33 = tpu.memref_slice %arg7[%dma_start3A_31, %dma_start3A_32] : memref<50000x32xf32, #tpu.memory_space<vmem_shared>> -> memref<3080x32xf32, #tpu.memory_space<vmem_shared>>
        tpu.enqueue_dma source(%dma_start3A_33 : memref<3080x32xf32, #tpu.memory_space<vmem_shared>>) target(%dma_start3A_30 : memref<3080x32xf32, #tpu.memory_space<hbm>>) target_semaphore(%run_scoped3A : memref<!tpu.dma_semaphore, #tpu.memory_space<semaphore_mem>>)
        %dma_wait3A = arith.constant 46920 : i32
        %dma_wait3A_34 = arith.constant 0 : i32
        %dma_wait3A_35 = tpu.memref_slice %arg6[%arg0, %dma_wait3A, %dma_wait3A_34] : memref<2x50000x32xf32, #tpu.memory_space<hbm>> -> memref<1x3080x32xf32, #tpu.memory_space<hbm>>
        %dma_wait3A_36 = tpu.memref_squeeze %dma_wait3A_35 : memref<1x3080x32xf32, #tpu.memory_space<hbm>> -> memref<3080x32xf32, #tpu.memory_space<hbm>>
        %dma_wait3A_37 = arith.constant 46920 : i32
        %dma_wait3A_38 = arith.constant 0 : i32
        %dma_wait3A_39 = tpu.memref_slice %arg7[%dma_wait3A_37, %dma_wait3A_38] : memref<50000x32xf32, #tpu.memory_space<vmem_shared>> -> memref<3080x32xf32, #tpu.memory_space<vmem_shared>>
        tpu.wait_dma2 semaphore(%run_scoped3A : memref<!tpu.dma_semaphore, #tpu.memory_space<semaphore_mem>>) src(%dma_wait3A_39 : memref<3080x32xf32, #tpu.memory_space<vmem_shared>>) dst(%dma_wait3A_36 : memref<3080x32xf32, #tpu.memory_space<hbm>>)
        tpu.yield
      }) : () -> ()
    } else {
    }
    return
  }
}

#map = affine_map<(d0, d1) -> (0, 0)>
#map1 = affine_map<(d0, d1) -> (0, 0, 0)>
module attributes {stable_mosaic.version = 14 : i64} {
  func.func @body(%arg0: i32, %arg1: i32, %arg2: memref<3125x256xi32, #tpu.memory_space<hbm>>, %arg3: memref<50000x8xf32, #tpu.memory_space<hbm>>, %arg4: memref<256x8xf32, #tpu.memory_space<hbm>>, %arg5: memref<2x50000x8xf32, #tpu.memory_space<hbm>>, %arg6: memref<50000x8xf32, #tpu.memory_space<vmem_shared>>, %arg7: memref<3x!tpu.dma_semaphore, #tpu.memory_space<semaphore_mem>>, %arg8: memref<256x8xf32, #tpu.memory_space<vmem>>, %arg9: memref<3x5x256xi32, #tpu.memory_space<vmem>>, %arg10: memref<3x!tpu.dma_semaphore, #tpu.memory_space<semaphore_mem>>) attributes {dimension_semantics = [#tpu.dimension_semantics<core_parallel>, #tpu.dimension_semantics<subcore_parallel>], iteration_bounds = array<i64: 2, 16>, scalar_prefetch = 0 : i64, scratch_operands = 5 : i64, tpu.core_type = #tpu.core_type<sc_vector_subcore>, window_params = [{transform_indices = #map}, {transform_indices = #map}, {transform_indices = #map}, {transform_indices = #map1}]} {
    %mul3A = arith.constant 16 : i32
    %mul3A_0 = arith.muli %arg0, %mul3A : i32
    %add3A = arith.addi %mul3A_0, %arg1 : i32
    %lt3A = arith.constant 15 : i32
    %lt3A_1 = arith.cmpi slt, %arg1, %lt3A : i32
    %convert_element_type3A = arith.extui %lt3A_1 : i1 to i32
    %cond3A = arith.constant 0 : i32
    %cond3A_2 = arith.cmpi ne, %convert_element_type3A, %cond3A : i32
    scf.if %cond3A_2 {
      %mul3A_31 = arith.constant 3128 : i32
      %mul3A_32 = arith.muli %arg1, %mul3A_31 : i32
      "tpu.region"() ({
        %run_scoped3A = tpu.sem_alloc : memref<!tpu.dma_semaphore, #tpu.memory_space<semaphore_mem>>
        %dma_start3A = arith.constant 0 : i32
        %dma_start3A_33 = tpu.memref_slice %arg6[%mul3A_32, %dma_start3A] : memref<50000x8xf32, #tpu.memory_space<vmem_shared>> -> memref<3128x8xf32, #tpu.memory_space<vmem_shared>>
        %dma_start3A_34 = arith.constant 0 : i32
        %dma_start3A_35 = tpu.memref_slice %arg3[%mul3A_32, %dma_start3A_34] : memref<50000x8xf32, #tpu.memory_space<hbm>> -> memref<3128x8xf32, #tpu.memory_space<hbm>>
        tpu.enqueue_dma source(%dma_start3A_35 : memref<3128x8xf32, #tpu.memory_space<hbm>>) target(%dma_start3A_33 : memref<3128x8xf32, #tpu.memory_space<vmem_shared>>) target_semaphore(%run_scoped3A : memref<!tpu.dma_semaphore, #tpu.memory_space<semaphore_mem>>)
        %dma_wait3A = arith.constant 0 : i32
        %dma_wait3A_36 = tpu.memref_slice %arg6[%mul3A_32, %dma_wait3A] : memref<50000x8xf32, #tpu.memory_space<vmem_shared>> -> memref<3128x8xf32, #tpu.memory_space<vmem_shared>>
        %dma_wait3A_37 = arith.constant 0 : i32
        %dma_wait3A_38 = tpu.memref_slice %arg3[%mul3A_32, %dma_wait3A_37] : memref<50000x8xf32, #tpu.memory_space<hbm>> -> memref<3128x8xf32, #tpu.memory_space<hbm>>
        tpu.wait_dma2 semaphore(%run_scoped3A : memref<!tpu.dma_semaphore, #tpu.memory_space<semaphore_mem>>) src(%dma_wait3A_38 : memref<3128x8xf32, #tpu.memory_space<hbm>>) dst(%dma_wait3A_36 : memref<3128x8xf32, #tpu.memory_space<vmem_shared>>)
        tpu.yield
      }) : () -> ()
    } else {
    }
    %eq3A = arith.constant 15 : i32
    %eq3A_3 = arith.cmpi eq, %arg1, %eq3A : i32
    %convert_element_type3A_4 = arith.extui %eq3A_3 : i1 to i32
    %cond3A_5 = arith.constant 0 : i32
    %cond3A_6 = arith.cmpi ne, %convert_element_type3A_4, %cond3A_5 : i32
    scf.if %cond3A_6 {
      "tpu.region"() ({
        %run_scoped3A = tpu.sem_alloc : memref<!tpu.dma_semaphore, #tpu.memory_space<semaphore_mem>>
        %dma_start3A = arith.constant 46920 : i32
        %dma_start3A_31 = arith.constant 0 : i32
        %dma_start3A_32 = tpu.memref_slice %arg6[%dma_start3A, %dma_start3A_31] : memref<50000x8xf32, #tpu.memory_space<vmem_shared>> -> memref<3080x8xf32, #tpu.memory_space<vmem_shared>>
        %dma_start3A_33 = arith.constant 46920 : i32
        %dma_start3A_34 = arith.constant 0 : i32
        %dma_start3A_35 = tpu.memref_slice %arg3[%dma_start3A_33, %dma_start3A_34] : memref<50000x8xf32, #tpu.memory_space<hbm>> -> memref<3080x8xf32, #tpu.memory_space<hbm>>
        tpu.enqueue_dma source(%dma_start3A_35 : memref<3080x8xf32, #tpu.memory_space<hbm>>) target(%dma_start3A_32 : memref<3080x8xf32, #tpu.memory_space<vmem_shared>>) target_semaphore(%run_scoped3A : memref<!tpu.dma_semaphore, #tpu.memory_space<semaphore_mem>>)
        %dma_wait3A = arith.constant 46920 : i32
        %dma_wait3A_36 = arith.constant 0 : i32
        %dma_wait3A_37 = tpu.memref_slice %arg6[%dma_wait3A, %dma_wait3A_36] : memref<50000x8xf32, #tpu.memory_space<vmem_shared>> -> memref<3080x8xf32, #tpu.memory_space<vmem_shared>>
        %dma_wait3A_38 = arith.constant 46920 : i32
        %dma_wait3A_39 = arith.constant 0 : i32
        %dma_wait3A_40 = tpu.memref_slice %arg3[%dma_wait3A_38, %dma_wait3A_39] : memref<50000x8xf32, #tpu.memory_space<hbm>> -> memref<3080x8xf32, #tpu.memory_space<hbm>>
        tpu.wait_dma2 semaphore(%run_scoped3A : memref<!tpu.dma_semaphore, #tpu.memory_space<semaphore_mem>>) src(%dma_wait3A_40 : memref<3080x8xf32, #tpu.memory_space<hbm>>) dst(%dma_wait3A_37 : memref<3080x8xf32, #tpu.memory_space<vmem_shared>>)
        tpu.yield
      }) : () -> ()
    } else {
    }
    "tpu.region"() ({
      %run_scoped3A = tpu.sem_alloc : memref<!tpu.dma_semaphore, #tpu.memory_space<semaphore_mem>>
      tpu.enqueue_dma source(%arg4 : memref<256x8xf32, #tpu.memory_space<hbm>>) target(%arg8 : memref<256x8xf32, #tpu.memory_space<vmem>>) target_semaphore(%run_scoped3A : memref<!tpu.dma_semaphore, #tpu.memory_space<semaphore_mem>>)
      tpu.wait_dma2 semaphore(%run_scoped3A : memref<!tpu.dma_semaphore, #tpu.memory_space<semaphore_mem>>) src(%arg4 : memref<256x8xf32, #tpu.memory_space<hbm>>) dst(%arg8 : memref<256x8xf32, #tpu.memory_space<vmem>>)
      tpu.yield
    }) : () -> ()
    %barrier3A = arith.constant 0 : index
    tpu.barrier barrier_id(%barrier3A)
    %lt3A_7 = arith.constant 17 : i32
    %lt3A_8 = arith.cmpi slt, %add3A, %lt3A_7 : i32
    %jit3A = arith.constant 1 : i32
    %jit3A_9 = arith.constant 0 : i32
    %select_n3A = arith.select %lt3A_8, %jit3A, %jit3A_9 : i32
    %add3A_10 = arith.constant 19 : i32
    %add3A_11 = arith.addi %add3A_10, %select_n3A : i32
    %mul3A_12 = arith.constant 19 : i32
    %mul3A_13 = arith.muli %add3A, %mul3A_12 : i32
    %min3A = arith.constant 17 : i32
    %min3A_14 = arith.minsi %add3A, %min3A : i32
    %add3A_15 = arith.addi %mul3A_13, %min3A_14 : i32
    %scan3A = arith.constant 0 : i32
    %scan3A_16 = arith.constant 22 : i32
    %scan3A_17 = arith.addi %scan3A, %scan3A_16 : i32
    %scan3A_18 = arith.constant 1 : i32
    scf.for %scan3A_31 = %scan3A to %scan3A_17 step %scan3A_18  : i32 {
      %lt3A_32 = arith.cmpi slt, %scan3A_31, %add3A_11 : i32
      %convert_element_type3A_33 = arith.extui %lt3A_32 : i1 to i32
      %cond3A_34 = arith.constant 0 : i32
      %cond3A_35 = arith.cmpi ne, %convert_element_type3A_33, %cond3A_34 : i32
      scf.if %cond3A_35 {
        %rem3A = arith.constant 3 : i32
        %rem3A_51 = arith.remsi %scan3A_31, %rem3A : i32
        %add3A_52 = arith.addi %add3A_15, %scan3A_31 : i32
        %mul3A_53 = arith.constant 5 : i32
        %mul3A_54 = arith.muli %add3A_52, %mul3A_53 : i32
        %dma_start3A = arith.constant 0 : i32
        %dma_start3A_55 = arith.constant 0 : i32
        %dma_start3A_56 = tpu.memref_slice %arg9[%rem3A_51, %dma_start3A, %dma_start3A_55] : memref<3x5x256xi32, #tpu.memory_space<vmem>> -> memref<1x5x256xi32, #tpu.memory_space<vmem>>
        %dma_start3A_57 = tpu.memref_squeeze %dma_start3A_56 : memref<1x5x256xi32, #tpu.memory_space<vmem>> -> memref<5x256xi32, #tpu.memory_space<vmem>>
        %dma_start3A_58 = arith.constant 0 : i32
        %dma_start3A_59 = tpu.memref_slice %arg2[%mul3A_54, %dma_start3A_58] : memref<3125x256xi32, #tpu.memory_space<hbm>> -> memref<5x256xi32, #tpu.memory_space<hbm>>
        %dma_start3A_60 = tpu.memref_slice %arg7[%rem3A_51] : memref<3x!tpu.dma_semaphore, #tpu.memory_space<semaphore_mem>> -> memref<1x!tpu.dma_semaphore, #tpu.memory_space<semaphore_mem>>
        %dma_start3A_61 = tpu.memref_squeeze %dma_start3A_60 : memref<1x!tpu.dma_semaphore, #tpu.memory_space<semaphore_mem>> -> memref<!tpu.dma_semaphore, #tpu.memory_space<semaphore_mem>>
        %dma_start3A_62 = arith.constant 0 : i32
        %dma_start3A_63 = arith.constant 0 : i32
        %dma_start3A_64 = tpu.memref_slice %arg9[%rem3A_51, %dma_start3A_62, %dma_start3A_63] : memref<3x5x256xi32, #tpu.memory_space<vmem>> -> memref<1x5x256xi32, #tpu.memory_space<vmem>>
        %dma_start3A_65 = tpu.memref_squeeze %dma_start3A_64 : memref<1x5x256xi32, #tpu.memory_space<vmem>> -> memref<5x256xi32, #tpu.memory_space<vmem>>
        %dma_start3A_66 = arith.constant 0 : i32
        %dma_start3A_67 = tpu.memref_slice %arg2[%mul3A_54, %dma_start3A_66] : memref<3125x256xi32, #tpu.memory_space<hbm>> -> memref<5x256xi32, #tpu.memory_space<hbm>>
        tpu.enqueue_dma source(%dma_start3A_67 : memref<5x256xi32, #tpu.memory_space<hbm>>) target(%dma_start3A_65 : memref<5x256xi32, #tpu.memory_space<vmem>>) target_semaphore(%dma_start3A_61 : memref<!tpu.dma_semaphore, #tpu.memory_space<semaphore_mem>>)
      } else {
      }
      %ge3A = arith.constant 1 : i32
      %ge3A_36 = arith.cmpi sge, %scan3A_31, %ge3A : i32
      %sub3A = arith.constant 1 : i32
      %sub3A_37 = arith.subi %scan3A_31, %sub3A : i32
      %lt3A_38 = arith.cmpi slt, %sub3A_37, %add3A_11 : i32
      %and3A = arith.andi %ge3A_36, %lt3A_38 : i1
      %convert_element_type3A_39 = arith.extui %and3A : i1 to i32
      %cond3A_40 = arith.constant 0 : i32
      %cond3A_41 = arith.cmpi ne, %convert_element_type3A_39, %cond3A_40 : i32
      scf.if %cond3A_41 {
        %sub3A_51 = arith.constant 1 : i32
        %sub3A_52 = arith.subi %scan3A_31, %sub3A_51 : i32
        %rem3A = arith.constant 3 : i32
        %rem3A_53 = arith.remsi %sub3A_52, %rem3A : i32
        %add3A_54 = arith.addi %add3A_15, %sub3A_52 : i32
        %mul3A_55 = arith.constant 5 : i32
        %mul3A_56 = arith.muli %add3A_54, %mul3A_55 : i32
        %dma_wait3A = arith.constant 0 : i32
        %dma_wait3A_57 = arith.constant 0 : i32
        %dma_wait3A_58 = tpu.memref_slice %arg9[%rem3A_53, %dma_wait3A, %dma_wait3A_57] : memref<3x5x256xi32, #tpu.memory_space<vmem>> -> memref<1x5x256xi32, #tpu.memory_space<vmem>>
        %dma_wait3A_59 = tpu.memref_squeeze %dma_wait3A_58 : memref<1x5x256xi32, #tpu.memory_space<vmem>> -> memref<5x256xi32, #tpu.memory_space<vmem>>
        %dma_wait3A_60 = arith.constant 0 : i32
        %dma_wait3A_61 = tpu.memref_slice %arg2[%mul3A_56, %dma_wait3A_60] : memref<3125x256xi32, #tpu.memory_space<hbm>> -> memref<5x256xi32, #tpu.memory_space<hbm>>
        %dma_wait3A_62 = tpu.memref_slice %arg7[%rem3A_53] : memref<3x!tpu.dma_semaphore, #tpu.memory_space<semaphore_mem>> -> memref<1x!tpu.dma_semaphore, #tpu.memory_space<semaphore_mem>>
        %dma_wait3A_63 = tpu.memref_squeeze %dma_wait3A_62 : memref<1x!tpu.dma_semaphore, #tpu.memory_space<semaphore_mem>> -> memref<!tpu.dma_semaphore, #tpu.memory_space<semaphore_mem>>
        %dma_wait3A_64 = arith.constant 0 : i32
        %dma_wait3A_65 = arith.constant 0 : i32
        %dma_wait3A_66 = tpu.memref_slice %arg9[%rem3A_53, %dma_wait3A_64, %dma_wait3A_65] : memref<3x5x256xi32, #tpu.memory_space<vmem>> -> memref<1x5x256xi32, #tpu.memory_space<vmem>>
        %dma_wait3A_67 = tpu.memref_squeeze %dma_wait3A_66 : memref<1x5x256xi32, #tpu.memory_space<vmem>> -> memref<5x256xi32, #tpu.memory_space<vmem>>
        %dma_wait3A_68 = arith.constant 0 : i32
        %dma_wait3A_69 = tpu.memref_slice %arg2[%mul3A_56, %dma_wait3A_68] : memref<3125x256xi32, #tpu.memory_space<hbm>> -> memref<5x256xi32, #tpu.memory_space<hbm>>
        tpu.wait_dma2 semaphore(%dma_wait3A_63 : memref<!tpu.dma_semaphore, #tpu.memory_space<semaphore_mem>>) src(%dma_wait3A_69 : memref<5x256xi32, #tpu.memory_space<hbm>>) dst(%dma_wait3A_67 : memref<5x256xi32, #tpu.memory_space<vmem>>)
        %dma_start3A = arith.constant 0 : i32
        %dma_start3A_70 = arith.constant 0 : i32
        %dma_start3A_71 = tpu.memref_slice %arg9[%rem3A_53, %dma_start3A, %dma_start3A_70] : memref<3x5x256xi32, #tpu.memory_space<vmem>> -> memref<1x1x256xi32, #tpu.memory_space<vmem>>
        %dma_start3A_72 = tpu.memref_squeeze %dma_start3A_71 : memref<1x1x256xi32, #tpu.memory_space<vmem>> -> memref<256xi32, #tpu.memory_space<vmem>>
        %dma_start3A_73 = arith.constant 0 : i32
        %dma_start3A_74 = arith.constant 0 : i32
        %dma_start3A_75 = tpu.memref_slice %arg6[%dma_start3A_73, %dma_start3A_74] : memref<50000x8xf32, #tpu.memory_space<vmem_shared>> -> memref<50000x8xf32, #tpu.memory_space<vmem_shared>>
        %dma_start3A_76 = tpu.memref_slice %arg10[%rem3A_53] : memref<3x!tpu.dma_semaphore, #tpu.memory_space<semaphore_mem>> -> memref<1x!tpu.dma_semaphore, #tpu.memory_space<semaphore_mem>>
        %dma_start3A_77 = tpu.memref_squeeze %dma_start3A_76 : memref<1x!tpu.dma_semaphore, #tpu.memory_space<semaphore_mem>> -> memref<!tpu.dma_semaphore, #tpu.memory_space<semaphore_mem>>
        tpu.enqueue_indirect_dma source(%arg8 : memref<256x8xf32, #tpu.memory_space<vmem>>) target(%dma_start3A_75 : memref<50000x8xf32, #tpu.memory_space<vmem_shared>>) offsets(%dma_start3A_72 : memref<256xi32, #tpu.memory_space<vmem>>) semaphore(%dma_start3A_77 : memref<!tpu.dma_semaphore, #tpu.memory_space<semaphore_mem>>) {add = true}
        %dma_start3A_78 = arith.constant 1 : i32
        %dma_start3A_79 = arith.constant 0 : i32
        %dma_start3A_80 = tpu.memref_slice %arg9[%rem3A_53, %dma_start3A_78, %dma_start3A_79] : memref<3x5x256xi32, #tpu.memory_space<vmem>> -> memref<1x1x256xi32, #tpu.memory_space<vmem>>
        %dma_start3A_81 = tpu.memref_squeeze %dma_start3A_80 : memref<1x1x256xi32, #tpu.memory_space<vmem>> -> memref<256xi32, #tpu.memory_space<vmem>>
        %dma_start3A_82 = arith.constant 0 : i32
        %dma_start3A_83 = arith.constant 0 : i32
        %dma_start3A_84 = tpu.memref_slice %arg6[%dma_start3A_82, %dma_start3A_83] : memref<50000x8xf32, #tpu.memory_space<vmem_shared>> -> memref<50000x8xf32, #tpu.memory_space<vmem_shared>>
        %dma_start3A_85 = tpu.memref_slice %arg10[%rem3A_53] : memref<3x!tpu.dma_semaphore, #tpu.memory_space<semaphore_mem>> -> memref<1x!tpu.dma_semaphore, #tpu.memory_space<semaphore_mem>>
        %dma_start3A_86 = tpu.memref_squeeze %dma_start3A_85 : memref<1x!tpu.dma_semaphore, #tpu.memory_space<semaphore_mem>> -> memref<!tpu.dma_semaphore, #tpu.memory_space<semaphore_mem>>
        tpu.enqueue_indirect_dma source(%arg8 : memref<256x8xf32, #tpu.memory_space<vmem>>) target(%dma_start3A_84 : memref<50000x8xf32, #tpu.memory_space<vmem_shared>>) offsets(%dma_start3A_81 : memref<256xi32, #tpu.memory_space<vmem>>) semaphore(%dma_start3A_86 : memref<!tpu.dma_semaphore, #tpu.memory_space<semaphore_mem>>) {add = true}
        %dma_start3A_87 = arith.constant 2 : i32
        %dma_start3A_88 = arith.constant 0 : i32
        %dma_start3A_89 = tpu.memref_slice %arg9[%rem3A_53, %dma_start3A_87, %dma_start3A_88] : memref<3x5x256xi32, #tpu.memory_space<vmem>> -> memref<1x1x256xi32, #tpu.memory_space<vmem>>
        %dma_start3A_90 = tpu.memref_squeeze %dma_start3A_89 : memref<1x1x256xi32, #tpu.memory_space<vmem>> -> memref<256xi32, #tpu.memory_space<vmem>>
        %dma_start3A_91 = arith.constant 0 : i32
        %dma_start3A_92 = arith.constant 0 : i32
        %dma_start3A_93 = tpu.memref_slice %arg6[%dma_start3A_91, %dma_start3A_92] : memref<50000x8xf32, #tpu.memory_space<vmem_shared>> -> memref<50000x8xf32, #tpu.memory_space<vmem_shared>>
        %dma_start3A_94 = tpu.memref_slice %arg10[%rem3A_53] : memref<3x!tpu.dma_semaphore, #tpu.memory_space<semaphore_mem>> -> memref<1x!tpu.dma_semaphore, #tpu.memory_space<semaphore_mem>>
        %dma_start3A_95 = tpu.memref_squeeze %dma_start3A_94 : memref<1x!tpu.dma_semaphore, #tpu.memory_space<semaphore_mem>> -> memref<!tpu.dma_semaphore, #tpu.memory_space<semaphore_mem>>
        tpu.enqueue_indirect_dma source(%arg8 : memref<256x8xf32, #tpu.memory_space<vmem>>) target(%dma_start3A_93 : memref<50000x8xf32, #tpu.memory_space<vmem_shared>>) offsets(%dma_start3A_90 : memref<256xi32, #tpu.memory_space<vmem>>) semaphore(%dma_start3A_95 : memref<!tpu.dma_semaphore, #tpu.memory_space<semaphore_mem>>) {add = true}
        %dma_start3A_96 = arith.constant 3 : i32
        %dma_start3A_97 = arith.constant 0 : i32
        %dma_start3A_98 = tpu.memref_slice %arg9[%rem3A_53, %dma_start3A_96, %dma_start3A_97] : memref<3x5x256xi32, #tpu.memory_space<vmem>> -> memref<1x1x256xi32, #tpu.memory_space<vmem>>
        %dma_start3A_99 = tpu.memref_squeeze %dma_start3A_98 : memref<1x1x256xi32, #tpu.memory_space<vmem>> -> memref<256xi32, #tpu.memory_space<vmem>>
        %dma_start3A_100 = arith.constant 0 : i32
        %dma_start3A_101 = arith.constant 0 : i32
        %dma_start3A_102 = tpu.memref_slice %arg6[%dma_start3A_100, %dma_start3A_101] : memref<50000x8xf32, #tpu.memory_space<vmem_shared>> -> memref<50000x8xf32, #tpu.memory_space<vmem_shared>>
        %dma_start3A_103 = tpu.memref_slice %arg10[%rem3A_53] : memref<3x!tpu.dma_semaphore, #tpu.memory_space<semaphore_mem>> -> memref<1x!tpu.dma_semaphore, #tpu.memory_space<semaphore_mem>>
        %dma_start3A_104 = tpu.memref_squeeze %dma_start3A_103 : memref<1x!tpu.dma_semaphore, #tpu.memory_space<semaphore_mem>> -> memref<!tpu.dma_semaphore, #tpu.memory_space<semaphore_mem>>
        tpu.enqueue_indirect_dma source(%arg8 : memref<256x8xf32, #tpu.memory_space<vmem>>) target(%dma_start3A_102 : memref<50000x8xf32, #tpu.memory_space<vmem_shared>>) offsets(%dma_start3A_99 : memref<256xi32, #tpu.memory_space<vmem>>) semaphore(%dma_start3A_104 : memref<!tpu.dma_semaphore, #tpu.memory_space<semaphore_mem>>) {add = true}
        %dma_start3A_105 = arith.constant 4 : i32
        %dma_start3A_106 = arith.constant 0 : i32
        %dma_start3A_107 = tpu.memref_slice %arg9[%rem3A_53, %dma_start3A_105, %dma_start3A_106] : memref<3x5x256xi32, #tpu.memory_space<vmem>> -> memref<1x1x256xi32, #tpu.memory_space<vmem>>
        %dma_start3A_108 = tpu.memref_squeeze %dma_start3A_107 : memref<1x1x256xi32, #tpu.memory_space<vmem>> -> memref<256xi32, #tpu.memory_space<vmem>>
        %dma_start3A_109 = arith.constant 0 : i32
        %dma_start3A_110 = arith.constant 0 : i32
        %dma_start3A_111 = tpu.memref_slice %arg6[%dma_start3A_109, %dma_start3A_110] : memref<50000x8xf32, #tpu.memory_space<vmem_shared>> -> memref<50000x8xf32, #tpu.memory_space<vmem_shared>>
        %dma_start3A_112 = tpu.memref_slice %arg10[%rem3A_53] : memref<3x!tpu.dma_semaphore, #tpu.memory_space<semaphore_mem>> -> memref<1x!tpu.dma_semaphore, #tpu.memory_space<semaphore_mem>>
        %dma_start3A_113 = tpu.memref_squeeze %dma_start3A_112 : memref<1x!tpu.dma_semaphore, #tpu.memory_space<semaphore_mem>> -> memref<!tpu.dma_semaphore, #tpu.memory_space<semaphore_mem>>
        tpu.enqueue_indirect_dma source(%arg8 : memref<256x8xf32, #tpu.memory_space<vmem>>) target(%dma_start3A_111 : memref<50000x8xf32, #tpu.memory_space<vmem_shared>>) offsets(%dma_start3A_108 : memref<256xi32, #tpu.memory_space<vmem>>) semaphore(%dma_start3A_113 : memref<!tpu.dma_semaphore, #tpu.memory_space<semaphore_mem>>) {add = true}
      } else {
      }
      %ge3A_42 = arith.constant 2 : i32
      %ge3A_43 = arith.cmpi sge, %scan3A_31, %ge3A_42 : i32
      %sub3A_44 = arith.constant 2 : i32
      %sub3A_45 = arith.subi %scan3A_31, %sub3A_44 : i32
      %lt3A_46 = arith.cmpi slt, %sub3A_45, %add3A_11 : i32
      %and3A_47 = arith.andi %ge3A_43, %lt3A_46 : i1
      %convert_element_type3A_48 = arith.extui %and3A_47 : i1 to i32
      %cond3A_49 = arith.constant 0 : i32
      %cond3A_50 = arith.cmpi ne, %convert_element_type3A_48, %cond3A_49 : i32
      scf.if %cond3A_50 {
        %sub3A_51 = arith.constant 2 : i32
        %sub3A_52 = arith.subi %scan3A_31, %sub3A_51 : i32
        %rem3A = arith.constant 3 : i32
        %rem3A_53 = arith.remsi %sub3A_52, %rem3A : i32
        %dma_wait3A = arith.constant 0 : i32
        %dma_wait3A_54 = arith.constant 0 : i32
        %dma_wait3A_55 = tpu.memref_slice %arg9[%rem3A_53, %dma_wait3A, %dma_wait3A_54] : memref<3x5x256xi32, #tpu.memory_space<vmem>> -> memref<1x1x256xi32, #tpu.memory_space<vmem>>
        %dma_wait3A_56 = tpu.memref_squeeze %dma_wait3A_55 : memref<1x1x256xi32, #tpu.memory_space<vmem>> -> memref<256xi32, #tpu.memory_space<vmem>>
        %dma_wait3A_57 = arith.constant 0 : i32
        %dma_wait3A_58 = arith.constant 0 : i32
        %dma_wait3A_59 = tpu.memref_slice %arg6[%dma_wait3A_57, %dma_wait3A_58] : memref<50000x8xf32, #tpu.memory_space<vmem_shared>> -> memref<50000x8xf32, #tpu.memory_space<vmem_shared>>
        %dma_wait3A_60 = tpu.memref_slice %arg10[%rem3A_53] : memref<3x!tpu.dma_semaphore, #tpu.memory_space<semaphore_mem>> -> memref<1x!tpu.dma_semaphore, #tpu.memory_space<semaphore_mem>>
        %dma_wait3A_61 = tpu.memref_squeeze %dma_wait3A_60 : memref<1x!tpu.dma_semaphore, #tpu.memory_space<semaphore_mem>> -> memref<!tpu.dma_semaphore, #tpu.memory_space<semaphore_mem>>
        tpu.wait_indirect_dma semaphore(%dma_wait3A_61 : memref<!tpu.dma_semaphore, #tpu.memory_space<semaphore_mem>>) src(%arg8 : memref<256x8xf32, #tpu.memory_space<vmem>>) dst(%dma_wait3A_59 : memref<50000x8xf32, #tpu.memory_space<vmem_shared>>)
        %dma_wait3A_62 = arith.constant 1 : i32
        %dma_wait3A_63 = arith.constant 0 : i32
        %dma_wait3A_64 = tpu.memref_slice %arg9[%rem3A_53, %dma_wait3A_62, %dma_wait3A_63] : memref<3x5x256xi32, #tpu.memory_space<vmem>> -> memref<1x1x256xi32, #tpu.memory_space<vmem>>
        %dma_wait3A_65 = tpu.memref_squeeze %dma_wait3A_64 : memref<1x1x256xi32, #tpu.memory_space<vmem>> -> memref<256xi32, #tpu.memory_space<vmem>>
        %dma_wait3A_66 = arith.constant 0 : i32
        %dma_wait3A_67 = arith.constant 0 : i32
        %dma_wait3A_68 = tpu.memref_slice %arg6[%dma_wait3A_66, %dma_wait3A_67] : memref<50000x8xf32, #tpu.memory_space<vmem_shared>> -> memref<50000x8xf32, #tpu.memory_space<vmem_shared>>
        %dma_wait3A_69 = tpu.memref_slice %arg10[%rem3A_53] : memref<3x!tpu.dma_semaphore, #tpu.memory_space<semaphore_mem>> -> memref<1x!tpu.dma_semaphore, #tpu.memory_space<semaphore_mem>>
        %dma_wait3A_70 = tpu.memref_squeeze %dma_wait3A_69 : memref<1x!tpu.dma_semaphore, #tpu.memory_space<semaphore_mem>> -> memref<!tpu.dma_semaphore, #tpu.memory_space<semaphore_mem>>
        tpu.wait_indirect_dma semaphore(%dma_wait3A_70 : memref<!tpu.dma_semaphore, #tpu.memory_space<semaphore_mem>>) src(%arg8 : memref<256x8xf32, #tpu.memory_space<vmem>>) dst(%dma_wait3A_68 : memref<50000x8xf32, #tpu.memory_space<vmem_shared>>)
        %dma_wait3A_71 = arith.constant 2 : i32
        %dma_wait3A_72 = arith.constant 0 : i32
        %dma_wait3A_73 = tpu.memref_slice %arg9[%rem3A_53, %dma_wait3A_71, %dma_wait3A_72] : memref<3x5x256xi32, #tpu.memory_space<vmem>> -> memref<1x1x256xi32, #tpu.memory_space<vmem>>
        %dma_wait3A_74 = tpu.memref_squeeze %dma_wait3A_73 : memref<1x1x256xi32, #tpu.memory_space<vmem>> -> memref<256xi32, #tpu.memory_space<vmem>>
        %dma_wait3A_75 = arith.constant 0 : i32
        %dma_wait3A_76 = arith.constant 0 : i32
        %dma_wait3A_77 = tpu.memref_slice %arg6[%dma_wait3A_75, %dma_wait3A_76] : memref<50000x8xf32, #tpu.memory_space<vmem_shared>> -> memref<50000x8xf32, #tpu.memory_space<vmem_shared>>
        %dma_wait3A_78 = tpu.memref_slice %arg10[%rem3A_53] : memref<3x!tpu.dma_semaphore, #tpu.memory_space<semaphore_mem>> -> memref<1x!tpu.dma_semaphore, #tpu.memory_space<semaphore_mem>>
        %dma_wait3A_79 = tpu.memref_squeeze %dma_wait3A_78 : memref<1x!tpu.dma_semaphore, #tpu.memory_space<semaphore_mem>> -> memref<!tpu.dma_semaphore, #tpu.memory_space<semaphore_mem>>
        tpu.wait_indirect_dma semaphore(%dma_wait3A_79 : memref<!tpu.dma_semaphore, #tpu.memory_space<semaphore_mem>>) src(%arg8 : memref<256x8xf32, #tpu.memory_space<vmem>>) dst(%dma_wait3A_77 : memref<50000x8xf32, #tpu.memory_space<vmem_shared>>)
        %dma_wait3A_80 = arith.constant 3 : i32
        %dma_wait3A_81 = arith.constant 0 : i32
        %dma_wait3A_82 = tpu.memref_slice %arg9[%rem3A_53, %dma_wait3A_80, %dma_wait3A_81] : memref<3x5x256xi32, #tpu.memory_space<vmem>> -> memref<1x1x256xi32, #tpu.memory_space<vmem>>
        %dma_wait3A_83 = tpu.memref_squeeze %dma_wait3A_82 : memref<1x1x256xi32, #tpu.memory_space<vmem>> -> memref<256xi32, #tpu.memory_space<vmem>>
        %dma_wait3A_84 = arith.constant 0 : i32
        %dma_wait3A_85 = arith.constant 0 : i32
        %dma_wait3A_86 = tpu.memref_slice %arg6[%dma_wait3A_84, %dma_wait3A_85] : memref<50000x8xf32, #tpu.memory_space<vmem_shared>> -> memref<50000x8xf32, #tpu.memory_space<vmem_shared>>
        %dma_wait3A_87 = tpu.memref_slice %arg10[%rem3A_53] : memref<3x!tpu.dma_semaphore, #tpu.memory_space<semaphore_mem>> -> memref<1x!tpu.dma_semaphore, #tpu.memory_space<semaphore_mem>>
        %dma_wait3A_88 = tpu.memref_squeeze %dma_wait3A_87 : memref<1x!tpu.dma_semaphore, #tpu.memory_space<semaphore_mem>> -> memref<!tpu.dma_semaphore, #tpu.memory_space<semaphore_mem>>
        tpu.wait_indirect_dma semaphore(%dma_wait3A_88 : memref<!tpu.dma_semaphore, #tpu.memory_space<semaphore_mem>>) src(%arg8 : memref<256x8xf32, #tpu.memory_space<vmem>>) dst(%dma_wait3A_86 : memref<50000x8xf32, #tpu.memory_space<vmem_shared>>)
        %dma_wait3A_89 = arith.constant 4 : i32
        %dma_wait3A_90 = arith.constant 0 : i32
        %dma_wait3A_91 = tpu.memref_slice %arg9[%rem3A_53, %dma_wait3A_89, %dma_wait3A_90] : memref<3x5x256xi32, #tpu.memory_space<vmem>> -> memref<1x1x256xi32, #tpu.memory_space<vmem>>
        %dma_wait3A_92 = tpu.memref_squeeze %dma_wait3A_91 : memref<1x1x256xi32, #tpu.memory_space<vmem>> -> memref<256xi32, #tpu.memory_space<vmem>>
        %dma_wait3A_93 = arith.constant 0 : i32
        %dma_wait3A_94 = arith.constant 0 : i32
        %dma_wait3A_95 = tpu.memref_slice %arg6[%dma_wait3A_93, %dma_wait3A_94] : memref<50000x8xf32, #tpu.memory_space<vmem_shared>> -> memref<50000x8xf32, #tpu.memory_space<vmem_shared>>
        %dma_wait3A_96 = tpu.memref_slice %arg10[%rem3A_53] : memref<3x!tpu.dma_semaphore, #tpu.memory_space<semaphore_mem>> -> memref<1x!tpu.dma_semaphore, #tpu.memory_space<semaphore_mem>>
        %dma_wait3A_97 = tpu.memref_squeeze %dma_wait3A_96 : memref<1x!tpu.dma_semaphore, #tpu.memory_space<semaphore_mem>> -> memref<!tpu.dma_semaphore, #tpu.memory_space<semaphore_mem>>
        tpu.wait_indirect_dma semaphore(%dma_wait3A_97 : memref<!tpu.dma_semaphore, #tpu.memory_space<semaphore_mem>>) src(%arg8 : memref<256x8xf32, #tpu.memory_space<vmem>>) dst(%dma_wait3A_95 : memref<50000x8xf32, #tpu.memory_space<vmem_shared>>)
      } else {
      }
    }
    %scan3A_19 = arith.constant 22 : i32
    %barrier3A_20 = arith.constant 0 : index
    tpu.barrier barrier_id(%barrier3A_20)
    %lt3A_21 = arith.constant 15 : i32
    %lt3A_22 = arith.cmpi slt, %arg1, %lt3A_21 : i32
    %convert_element_type3A_23 = arith.extui %lt3A_22 : i1 to i32
    %cond3A_24 = arith.constant 0 : i32
    %cond3A_25 = arith.cmpi ne, %convert_element_type3A_23, %cond3A_24 : i32
    scf.if %cond3A_25 {
      %mul3A_31 = arith.constant 3128 : i32
      %mul3A_32 = arith.muli %arg1, %mul3A_31 : i32
      "tpu.region"() ({
        %run_scoped3A = tpu.sem_alloc : memref<!tpu.dma_semaphore, #tpu.memory_space<semaphore_mem>>
        %dma_start3A = arith.constant 0 : i32
        %dma_start3A_33 = tpu.memref_slice %arg5[%arg0, %mul3A_32, %dma_start3A] : memref<2x50000x8xf32, #tpu.memory_space<hbm>> -> memref<1x3128x8xf32, #tpu.memory_space<hbm>>
        %dma_start3A_34 = tpu.memref_squeeze %dma_start3A_33 : memref<1x3128x8xf32, #tpu.memory_space<hbm>> -> memref<3128x8xf32, #tpu.memory_space<hbm>>
        %dma_start3A_35 = arith.constant 0 : i32
        %dma_start3A_36 = tpu.memref_slice %arg6[%mul3A_32, %dma_start3A_35] : memref<50000x8xf32, #tpu.memory_space<vmem_shared>> -> memref<3128x8xf32, #tpu.memory_space<vmem_shared>>
        tpu.enqueue_dma source(%dma_start3A_36 : memref<3128x8xf32, #tpu.memory_space<vmem_shared>>) target(%dma_start3A_34 : memref<3128x8xf32, #tpu.memory_space<hbm>>) target_semaphore(%run_scoped3A : memref<!tpu.dma_semaphore, #tpu.memory_space<semaphore_mem>>)
        %dma_wait3A = arith.constant 0 : i32
        %dma_wait3A_37 = tpu.memref_slice %arg5[%arg0, %mul3A_32, %dma_wait3A] : memref<2x50000x8xf32, #tpu.memory_space<hbm>> -> memref<1x3128x8xf32, #tpu.memory_space<hbm>>
        %dma_wait3A_38 = tpu.memref_squeeze %dma_wait3A_37 : memref<1x3128x8xf32, #tpu.memory_space<hbm>> -> memref<3128x8xf32, #tpu.memory_space<hbm>>
        %dma_wait3A_39 = arith.constant 0 : i32
        %dma_wait3A_40 = tpu.memref_slice %arg6[%mul3A_32, %dma_wait3A_39] : memref<50000x8xf32, #tpu.memory_space<vmem_shared>> -> memref<3128x8xf32, #tpu.memory_space<vmem_shared>>
        tpu.wait_dma2 semaphore(%run_scoped3A : memref<!tpu.dma_semaphore, #tpu.memory_space<semaphore_mem>>) src(%dma_wait3A_40 : memref<3128x8xf32, #tpu.memory_space<vmem_shared>>) dst(%dma_wait3A_38 : memref<3128x8xf32, #tpu.memory_space<hbm>>)
        tpu.yield
      }) : () -> ()
    } else {
    }
    %eq3A_26 = arith.constant 15 : i32
    %eq3A_27 = arith.cmpi eq, %arg1, %eq3A_26 : i32
    %convert_element_type3A_28 = arith.extui %eq3A_27 : i1 to i32
    %cond3A_29 = arith.constant 0 : i32
    %cond3A_30 = arith.cmpi ne, %convert_element_type3A_28, %cond3A_29 : i32
    scf.if %cond3A_30 {
      "tpu.region"() ({
        %run_scoped3A = tpu.sem_alloc : memref<!tpu.dma_semaphore, #tpu.memory_space<semaphore_mem>>
        %dma_start3A = arith.constant 46920 : i32
        %dma_start3A_31 = arith.constant 0 : i32
        %dma_start3A_32 = tpu.memref_slice %arg5[%arg0, %dma_start3A, %dma_start3A_31] : memref<2x50000x8xf32, #tpu.memory_space<hbm>> -> memref<1x3080x8xf32, #tpu.memory_space<hbm>>
        %dma_start3A_33 = tpu.memref_squeeze %dma_start3A_32 : memref<1x3080x8xf32, #tpu.memory_space<hbm>> -> memref<3080x8xf32, #tpu.memory_space<hbm>>
        %dma_start3A_34 = arith.constant 46920 : i32
        %dma_start3A_35 = arith.constant 0 : i32
        %dma_start3A_36 = tpu.memref_slice %arg6[%dma_start3A_34, %dma_start3A_35] : memref<50000x8xf32, #tpu.memory_space<vmem_shared>> -> memref<3080x8xf32, #tpu.memory_space<vmem_shared>>
        tpu.enqueue_dma source(%dma_start3A_36 : memref<3080x8xf32, #tpu.memory_space<vmem_shared>>) target(%dma_start3A_33 : memref<3080x8xf32, #tpu.memory_space<hbm>>) target_semaphore(%run_scoped3A : memref<!tpu.dma_semaphore, #tpu.memory_space<semaphore_mem>>)
        %dma_wait3A = arith.constant 46920 : i32
        %dma_wait3A_37 = arith.constant 0 : i32
        %dma_wait3A_38 = tpu.memref_slice %arg5[%arg0, %dma_wait3A, %dma_wait3A_37] : memref<2x50000x8xf32, #tpu.memory_space<hbm>> -> memref<1x3080x8xf32, #tpu.memory_space<hbm>>
        %dma_wait3A_39 = tpu.memref_squeeze %dma_wait3A_38 : memref<1x3080x8xf32, #tpu.memory_space<hbm>> -> memref<3080x8xf32, #tpu.memory_space<hbm>>
        %dma_wait3A_40 = arith.constant 46920 : i32
        %dma_wait3A_41 = arith.constant 0 : i32
        %dma_wait3A_42 = tpu.memref_slice %arg6[%dma_wait3A_40, %dma_wait3A_41] : memref<50000x8xf32, #tpu.memory_space<vmem_shared>> -> memref<3080x8xf32, #tpu.memory_space<vmem_shared>>
        tpu.wait_dma2 semaphore(%run_scoped3A : memref<!tpu.dma_semaphore, #tpu.memory_space<semaphore_mem>>) src(%dma_wait3A_42 : memref<3080x8xf32, #tpu.memory_space<vmem_shared>>) dst(%dma_wait3A_39 : memref<3080x8xf32, #tpu.memory_space<hbm>>)
        tpu.yield
      }) : () -> ()
    } else {
    }
    return
  }
}

#map = affine_map<(d0, d1) -> (0, 0, 0)>
#map1 = affine_map<(d0, d1) -> (0, 0)>
module attributes {stable_mosaic.version = 14 : i64} {
  func.func @body(%arg0: i32, %arg1: i32, %arg2: memref<2x50000x32xf32, #tpu.memory_space<hbm>>, %arg3: memref<3125x256xi32, #tpu.memory_space<hbm>>, %arg4: memref<3125x256xi32, #tpu.memory_space<hbm>>, %arg5: memref<50000x32xf32, #tpu.memory_space<hbm>>, %arg6: memref<2x50000x32xf32, #tpu.memory_space<hbm>>, %arg7: memref<50000x32xf32, #tpu.memory_space<vmem_shared>>, %arg8: memref<3x256xi32, #tpu.memory_space<vmem>>, %arg9: memref<3x!tpu.dma_semaphore, #tpu.memory_space<semaphore_mem>>, %arg10: memref<3x!tpu.dma_semaphore, #tpu.memory_space<semaphore_mem>>, %arg11: memref<3x!tpu.dma_semaphore, #tpu.memory_space<semaphore_mem>>, %arg12: memref<3x256x32xf32, #tpu.memory_space<vmem>>, %arg13: memref<3x256xi32, #tpu.memory_space<vmem>>, %arg14: memref<3x!tpu.dma_semaphore, #tpu.memory_space<semaphore_mem>>) attributes {dimension_semantics = [#tpu.dimension_semantics<core_parallel>, #tpu.dimension_semantics<subcore_parallel>], iteration_bounds = array<i64: 2, 16>, scalar_prefetch = 0 : i64, scratch_operands = 8 : i64, tpu.core_type = #tpu.core_type<sc_vector_subcore>, window_params = [{transform_indices = #map}, {transform_indices = #map1}, {transform_indices = #map1}, {transform_indices = #map1}, {transform_indices = #map}]} {
    %lt3A = arith.constant 15 : i32
    %lt3A_0 = arith.cmpi slt, %arg1, %lt3A : i32
    %convert_element_type3A = arith.extui %lt3A_0 : i1 to i32
    %cond3A = arith.constant 0 : i32
    %cond3A_1 = arith.cmpi ne, %convert_element_type3A, %cond3A : i32
    scf.if %cond3A_1 {
      %mul3A_28 = arith.constant 3128 : i32
      %mul3A_29 = arith.muli %arg1, %mul3A_28 : i32
      "tpu.region"() ({
        %run_scoped3A = tpu.sem_alloc : memref<!tpu.dma_semaphore, #tpu.memory_space<semaphore_mem>>
        %dma_start3A = arith.constant 0 : i32
        %dma_start3A_30 = tpu.memref_slice %arg7[%mul3A_29, %dma_start3A] : memref<50000x32xf32, #tpu.memory_space<vmem_shared>> -> memref<3128x32xf32, #tpu.memory_space<vmem_shared>>
        %dma_start3A_31 = arith.constant 0 : i32
        %dma_start3A_32 = tpu.memref_slice %arg5[%mul3A_29, %dma_start3A_31] : memref<50000x32xf32, #tpu.memory_space<hbm>> -> memref<3128x32xf32, #tpu.memory_space<hbm>>
        tpu.enqueue_dma source(%dma_start3A_32 : memref<3128x32xf32, #tpu.memory_space<hbm>>) target(%dma_start3A_30 : memref<3128x32xf32, #tpu.memory_space<vmem_shared>>) target_semaphore(%run_scoped3A : memref<!tpu.dma_semaphore, #tpu.memory_space<semaphore_mem>>)
        %dma_wait3A = arith.constant 0 : i32
        %dma_wait3A_33 = tpu.memref_slice %arg7[%mul3A_29, %dma_wait3A] : memref<50000x32xf32, #tpu.memory_space<vmem_shared>> -> memref<3128x32xf32, #tpu.memory_space<vmem_shared>>
        %dma_wait3A_34 = arith.constant 0 : i32
        %dma_wait3A_35 = tpu.memref_slice %arg5[%mul3A_29, %dma_wait3A_34] : memref<50000x32xf32, #tpu.memory_space<hbm>> -> memref<3128x32xf32, #tpu.memory_space<hbm>>
        tpu.wait_dma2 semaphore(%run_scoped3A : memref<!tpu.dma_semaphore, #tpu.memory_space<semaphore_mem>>) src(%dma_wait3A_35 : memref<3128x32xf32, #tpu.memory_space<hbm>>) dst(%dma_wait3A_33 : memref<3128x32xf32, #tpu.memory_space<vmem_shared>>)
        tpu.yield
      }) : () -> ()
    } else {
    }
    %eq3A = arith.constant 15 : i32
    %eq3A_2 = arith.cmpi eq, %arg1, %eq3A : i32
    %convert_element_type3A_3 = arith.extui %eq3A_2 : i1 to i32
    %cond3A_4 = arith.constant 0 : i32
    %cond3A_5 = arith.cmpi ne, %convert_element_type3A_3, %cond3A_4 : i32
    scf.if %cond3A_5 {
      "tpu.region"() ({
        %run_scoped3A = tpu.sem_alloc : memref<!tpu.dma_semaphore, #tpu.memory_space<semaphore_mem>>
        %dma_start3A = arith.constant 46920 : i32
        %dma_start3A_28 = arith.constant 0 : i32
        %dma_start3A_29 = tpu.memref_slice %arg7[%dma_start3A, %dma_start3A_28] : memref<50000x32xf32, #tpu.memory_space<vmem_shared>> -> memref<3080x32xf32, #tpu.memory_space<vmem_shared>>
        %dma_start3A_30 = arith.constant 46920 : i32
        %dma_start3A_31 = arith.constant 0 : i32
        %dma_start3A_32 = tpu.memref_slice %arg5[%dma_start3A_30, %dma_start3A_31] : memref<50000x32xf32, #tpu.memory_space<hbm>> -> memref<3080x32xf32, #tpu.memory_space<hbm>>
        tpu.enqueue_dma source(%dma_start3A_32 : memref<3080x32xf32, #tpu.memory_space<hbm>>) target(%dma_start3A_29 : memref<3080x32xf32, #tpu.memory_space<vmem_shared>>) target_semaphore(%run_scoped3A : memref<!tpu.dma_semaphore, #tpu.memory_space<semaphore_mem>>)
        %dma_wait3A = arith.constant 46920 : i32
        %dma_wait3A_33 = arith.constant 0 : i32
        %dma_wait3A_34 = tpu.memref_slice %arg7[%dma_wait3A, %dma_wait3A_33] : memref<50000x32xf32, #tpu.memory_space<vmem_shared>> -> memref<3080x32xf32, #tpu.memory_space<vmem_shared>>
        %dma_wait3A_35 = arith.constant 46920 : i32
        %dma_wait3A_36 = arith.constant 0 : i32
        %dma_wait3A_37 = tpu.memref_slice %arg5[%dma_wait3A_35, %dma_wait3A_36] : memref<50000x32xf32, #tpu.memory_space<hbm>> -> memref<3080x32xf32, #tpu.memory_space<hbm>>
        tpu.wait_dma2 semaphore(%run_scoped3A : memref<!tpu.dma_semaphore, #tpu.memory_space<semaphore_mem>>) src(%dma_wait3A_37 : memref<3080x32xf32, #tpu.memory_space<hbm>>) dst(%dma_wait3A_34 : memref<3080x32xf32, #tpu.memory_space<vmem_shared>>)
        tpu.yield
      }) : () -> ()
    } else {
    }
    %barrier3A = arith.constant 0 : index
    tpu.barrier barrier_id(%barrier3A)
    %lt3A_6 = arith.constant 5 : i32
    %lt3A_7 = arith.cmpi slt, %arg1, %lt3A_6 : i32
    %jit3A = arith.constant 1 : i32
    %jit3A_8 = arith.constant 0 : i32
    %select_n3A = arith.select %lt3A_7, %jit3A, %jit3A_8 : i32
    %add3A = arith.constant 195 : i32
    %add3A_9 = arith.addi %add3A, %select_n3A : i32
    %mul3A = arith.constant 195 : i32
    %mul3A_10 = arith.muli %arg1, %mul3A : i32
    %min3A = arith.constant 5 : i32
    %min3A_11 = arith.minsi %arg1, %min3A : i32
    %add3A_12 = arith.addi %mul3A_10, %min3A_11 : i32
    %scan3A = arith.constant 0 : i32
    %scan3A_13 = arith.constant 199 : i32
    %scan3A_14 = arith.addi %scan3A, %scan3A_13 : i32
    %scan3A_15 = arith.constant 1 : i32
    scf.for %scan3A_28 = %scan3A to %scan3A_14 step %scan3A_15  : i32 {
      %lt3A_29 = arith.cmpi slt, %scan3A_28, %add3A_9 : i32
      %convert_element_type3A_30 = arith.extui %lt3A_29 : i1 to i32
      %cond3A_31 = arith.constant 0 : i32
      %cond3A_32 = arith.cmpi ne, %convert_element_type3A_30, %cond3A_31 : i32
      scf.if %cond3A_32 {
        %rem3A = arith.constant 3 : i32
        %rem3A_57 = arith.remsi %scan3A_28, %rem3A : i32
        %add3A_58 = arith.addi %add3A_12, %scan3A_28 : i32
        %dma_start3A = arith.constant 0 : i32
        %dma_start3A_59 = tpu.memref_slice %arg13[%rem3A_57, %dma_start3A] : memref<3x256xi32, #tpu.memory_space<vmem>> -> memref<1x256xi32, #tpu.memory_space<vmem>>
        %dma_start3A_60 = tpu.memref_squeeze %dma_start3A_59 : memref<1x256xi32, #tpu.memory_space<vmem>> -> memref<256xi32, #tpu.memory_space<vmem>>
        %dma_start3A_61 = arith.constant 0 : i32
        %dma_start3A_62 = tpu.memref_slice %arg3[%add3A_58, %dma_start3A_61] : memref<3125x256xi32, #tpu.memory_space<hbm>> -> memref<1x256xi32, #tpu.memory_space<hbm>>
        %dma_start3A_63 = tpu.memref_squeeze %dma_start3A_62 : memref<1x256xi32, #tpu.memory_space<hbm>> -> memref<256xi32, #tpu.memory_space<hbm>>
        %dma_start3A_64 = tpu.memref_slice %arg11[%rem3A_57] : memref<3x!tpu.dma_semaphore, #tpu.memory_space<semaphore_mem>> -> memref<1x!tpu.dma_semaphore, #tpu.memory_space<semaphore_mem>>
        %dma_start3A_65 = tpu.memref_squeeze %dma_start3A_64 : memref<1x!tpu.dma_semaphore, #tpu.memory_space<semaphore_mem>> -> memref<!tpu.dma_semaphore, #tpu.memory_space<semaphore_mem>>
        %dma_start3A_66 = arith.constant 0 : i32
        %dma_start3A_67 = tpu.memref_slice %arg13[%rem3A_57, %dma_start3A_66] : memref<3x256xi32, #tpu.memory_space<vmem>> -> memref<1x256xi32, #tpu.memory_space<vmem>>
        %dma_start3A_68 = tpu.memref_squeeze %dma_start3A_67 : memref<1x256xi32, #tpu.memory_space<vmem>> -> memref<256xi32, #tpu.memory_space<vmem>>
        %dma_start3A_69 = arith.constant 0 : i32
        %dma_start3A_70 = tpu.memref_slice %arg3[%add3A_58, %dma_start3A_69] : memref<3125x256xi32, #tpu.memory_space<hbm>> -> memref<1x256xi32, #tpu.memory_space<hbm>>
        %dma_start3A_71 = tpu.memref_squeeze %dma_start3A_70 : memref<1x256xi32, #tpu.memory_space<hbm>> -> memref<256xi32, #tpu.memory_space<hbm>>
        tpu.enqueue_dma source(%dma_start3A_71 : memref<256xi32, #tpu.memory_space<hbm>>) target(%dma_start3A_68 : memref<256xi32, #tpu.memory_space<vmem>>) target_semaphore(%dma_start3A_65 : memref<!tpu.dma_semaphore, #tpu.memory_space<semaphore_mem>>)
        %dma_start3A_72 = arith.constant 0 : i32
        %dma_start3A_73 = tpu.memref_slice %arg8[%rem3A_57, %dma_start3A_72] : memref<3x256xi32, #tpu.memory_space<vmem>> -> memref<1x256xi32, #tpu.memory_space<vmem>>
        %dma_start3A_74 = tpu.memref_squeeze %dma_start3A_73 : memref<1x256xi32, #tpu.memory_space<vmem>> -> memref<256xi32, #tpu.memory_space<vmem>>
        %dma_start3A_75 = arith.constant 0 : i32
        %dma_start3A_76 = tpu.memref_slice %arg4[%add3A_58, %dma_start3A_75] : memref<3125x256xi32, #tpu.memory_space<hbm>> -> memref<1x256xi32, #tpu.memory_space<hbm>>
        %dma_start3A_77 = tpu.memref_squeeze %dma_start3A_76 : memref<1x256xi32, #tpu.memory_space<hbm>> -> memref<256xi32, #tpu.memory_space<hbm>>
        %dma_start3A_78 = tpu.memref_slice %arg10[%rem3A_57] : memref<3x!tpu.dma_semaphore, #tpu.memory_space<semaphore_mem>> -> memref<1x!tpu.dma_semaphore, #tpu.memory_space<semaphore_mem>>
        %dma_start3A_79 = tpu.memref_squeeze %dma_start3A_78 : memref<1x!tpu.dma_semaphore, #tpu.memory_space<semaphore_mem>> -> memref<!tpu.dma_semaphore, #tpu.memory_space<semaphore_mem>>
        %dma_start3A_80 = arith.constant 0 : i32
        %dma_start3A_81 = tpu.memref_slice %arg8[%rem3A_57, %dma_start3A_80] : memref<3x256xi32, #tpu.memory_space<vmem>> -> memref<1x256xi32, #tpu.memory_space<vmem>>
        %dma_start3A_82 = tpu.memref_squeeze %dma_start3A_81 : memref<1x256xi32, #tpu.memory_space<vmem>> -> memref<256xi32, #tpu.memory_space<vmem>>
        %dma_start3A_83 = arith.constant 0 : i32
        %dma_start3A_84 = tpu.memref_slice %arg4[%add3A_58, %dma_start3A_83] : memref<3125x256xi32, #tpu.memory_space<hbm>> -> memref<1x256xi32, #tpu.memory_space<hbm>>
        %dma_start3A_85 = tpu.memref_squeeze %dma_start3A_84 : memref<1x256xi32, #tpu.memory_space<hbm>> -> memref<256xi32, #tpu.memory_space<hbm>>
        tpu.enqueue_dma source(%dma_start3A_85 : memref<256xi32, #tpu.memory_space<hbm>>) target(%dma_start3A_82 : memref<256xi32, #tpu.memory_space<vmem>>) target_semaphore(%dma_start3A_79 : memref<!tpu.dma_semaphore, #tpu.memory_space<semaphore_mem>>)
      } else {
      }
      %ge3A = arith.constant 1 : i32
      %ge3A_33 = arith.cmpi sge, %scan3A_28, %ge3A : i32
      %sub3A = arith.constant 1 : i32
      %sub3A_34 = arith.subi %scan3A_28, %sub3A : i32
      %lt3A_35 = arith.cmpi slt, %sub3A_34, %add3A_9 : i32
      %and3A = arith.andi %ge3A_33, %lt3A_35 : i1
      %convert_element_type3A_36 = arith.extui %and3A : i1 to i32
      %cond3A_37 = arith.constant 0 : i32
      %cond3A_38 = arith.cmpi ne, %convert_element_type3A_36, %cond3A_37 : i32
      scf.if %cond3A_38 {
        %sub3A_57 = arith.constant 1 : i32
        %sub3A_58 = arith.subi %scan3A_28, %sub3A_57 : i32
        %rem3A = arith.constant 3 : i32
        %rem3A_59 = arith.remsi %sub3A_58, %rem3A : i32
        %add3A_60 = arith.addi %add3A_12, %sub3A_58 : i32
        %dma_wait3A = arith.constant 0 : i32
        %dma_wait3A_61 = tpu.memref_slice %arg13[%rem3A_59, %dma_wait3A] : memref<3x256xi32, #tpu.memory_space<vmem>> -> memref<1x256xi32, #tpu.memory_space<vmem>>
        %dma_wait3A_62 = tpu.memref_squeeze %dma_wait3A_61 : memref<1x256xi32, #tpu.memory_space<vmem>> -> memref<256xi32, #tpu.memory_space<vmem>>
        %dma_wait3A_63 = arith.constant 0 : i32
        %dma_wait3A_64 = tpu.memref_slice %arg3[%add3A_60, %dma_wait3A_63] : memref<3125x256xi32, #tpu.memory_space<hbm>> -> memref<1x256xi32, #tpu.memory_space<hbm>>
        %dma_wait3A_65 = tpu.memref_squeeze %dma_wait3A_64 : memref<1x256xi32, #tpu.memory_space<hbm>> -> memref<256xi32, #tpu.memory_space<hbm>>
        %dma_wait3A_66 = tpu.memref_slice %arg11[%rem3A_59] : memref<3x!tpu.dma_semaphore, #tpu.memory_space<semaphore_mem>> -> memref<1x!tpu.dma_semaphore, #tpu.memory_space<semaphore_mem>>
        %dma_wait3A_67 = tpu.memref_squeeze %dma_wait3A_66 : memref<1x!tpu.dma_semaphore, #tpu.memory_space<semaphore_mem>> -> memref<!tpu.dma_semaphore, #tpu.memory_space<semaphore_mem>>
        %dma_wait3A_68 = arith.constant 0 : i32
        %dma_wait3A_69 = tpu.memref_slice %arg13[%rem3A_59, %dma_wait3A_68] : memref<3x256xi32, #tpu.memory_space<vmem>> -> memref<1x256xi32, #tpu.memory_space<vmem>>
        %dma_wait3A_70 = tpu.memref_squeeze %dma_wait3A_69 : memref<1x256xi32, #tpu.memory_space<vmem>> -> memref<256xi32, #tpu.memory_space<vmem>>
        %dma_wait3A_71 = arith.constant 0 : i32
        %dma_wait3A_72 = tpu.memref_slice %arg3[%add3A_60, %dma_wait3A_71] : memref<3125x256xi32, #tpu.memory_space<hbm>> -> memref<1x256xi32, #tpu.memory_space<hbm>>
        %dma_wait3A_73 = tpu.memref_squeeze %dma_wait3A_72 : memref<1x256xi32, #tpu.memory_space<hbm>> -> memref<256xi32, #tpu.memory_space<hbm>>
        tpu.wait_dma2 semaphore(%dma_wait3A_67 : memref<!tpu.dma_semaphore, #tpu.memory_space<semaphore_mem>>) src(%dma_wait3A_73 : memref<256xi32, #tpu.memory_space<hbm>>) dst(%dma_wait3A_70 : memref<256xi32, #tpu.memory_space<vmem>>)
        %dma_start3A = arith.constant 0 : i32
        %dma_start3A_74 = arith.constant 0 : i32
        %dma_start3A_75 = tpu.memref_slice %arg12[%rem3A_59, %dma_start3A, %dma_start3A_74] : memref<3x256x32xf32, #tpu.memory_space<vmem>> -> memref<1x256x32xf32, #tpu.memory_space<vmem>>
        %dma_start3A_76 = tpu.memref_squeeze %dma_start3A_75 : memref<1x256x32xf32, #tpu.memory_space<vmem>> -> memref<256x32xf32, #tpu.memory_space<vmem>>
        %dma_start3A_77 = arith.constant 0 : i32
        %dma_start3A_78 = tpu.memref_slice %arg13[%rem3A_59, %dma_start3A_77] : memref<3x256xi32, #tpu.memory_space<vmem>> -> memref<1x256xi32, #tpu.memory_space<vmem>>
        %dma_start3A_79 = tpu.memref_squeeze %dma_start3A_78 : memref<1x256xi32, #tpu.memory_space<vmem>> -> memref<256xi32, #tpu.memory_space<vmem>>
        %dma_start3A_80 = arith.constant 0 : i32
        %dma_start3A_81 = arith.constant 0 : i32
        %dma_start3A_82 = tpu.memref_slice %arg2[%arg0, %dma_start3A_80, %dma_start3A_81] : memref<2x50000x32xf32, #tpu.memory_space<hbm>> -> memref<1x50000x32xf32, #tpu.memory_space<hbm>>
        %dma_start3A_83 = tpu.memref_squeeze %dma_start3A_82 : memref<1x50000x32xf32, #tpu.memory_space<hbm>> -> memref<50000x32xf32, #tpu.memory_space<hbm>>
        %dma_start3A_84 = arith.constant 0 : i32
        %dma_start3A_85 = arith.constant 0 : i32
        %dma_start3A_86 = tpu.memref_slice %dma_start3A_83[%dma_start3A_84, %dma_start3A_85] : memref<50000x32xf32, #tpu.memory_space<hbm>> -> memref<50000x32xf32, #tpu.memory_space<hbm>>
        %dma_start3A_87 = tpu.memref_slice %arg9[%rem3A_59] : memref<3x!tpu.dma_semaphore, #tpu.memory_space<semaphore_mem>> -> memref<1x!tpu.dma_semaphore, #tpu.memory_space<semaphore_mem>>
        %dma_start3A_88 = tpu.memref_squeeze %dma_start3A_87 : memref<1x!tpu.dma_semaphore, #tpu.memory_space<semaphore_mem>> -> memref<!tpu.dma_semaphore, #tpu.memory_space<semaphore_mem>>
        tpu.enqueue_indirect_dma source(%dma_start3A_86 : memref<50000x32xf32, #tpu.memory_space<hbm>>) target(%dma_start3A_76 : memref<256x32xf32, #tpu.memory_space<vmem>>) offsets(%dma_start3A_79 : memref<256xi32, #tpu.memory_space<vmem>>) semaphore(%dma_start3A_88 : memref<!tpu.dma_semaphore, #tpu.memory_space<semaphore_mem>>)
      } else {
      }
      %ge3A_39 = arith.constant 2 : i32
      %ge3A_40 = arith.cmpi sge, %scan3A_28, %ge3A_39 : i32
      %sub3A_41 = arith.constant 2 : i32
      %sub3A_42 = arith.subi %scan3A_28, %sub3A_41 : i32
      %lt3A_43 = arith.cmpi slt, %sub3A_42, %add3A_9 : i32
      %and3A_44 = arith.andi %ge3A_40, %lt3A_43 : i1
      %convert_element_type3A_45 = arith.extui %and3A_44 : i1 to i32
      %cond3A_46 = arith.constant 0 : i32
      %cond3A_47 = arith.cmpi ne, %convert_element_type3A_45, %cond3A_46 : i32
      scf.if %cond3A_47 {
        %sub3A_57 = arith.constant 2 : i32
        %sub3A_58 = arith.subi %scan3A_28, %sub3A_57 : i32
        %rem3A = arith.constant 3 : i32
        %rem3A_59 = arith.remsi %sub3A_58, %rem3A : i32
        %add3A_60 = arith.addi %add3A_12, %sub3A_58 : i32
        %dma_wait3A = arith.constant 0 : i32
        %dma_wait3A_61 = tpu.memref_slice %arg8[%rem3A_59, %dma_wait3A] : memref<3x256xi32, #tpu.memory_space<vmem>> -> memref<1x256xi32, #tpu.memory_space<vmem>>
        %dma_wait3A_62 = tpu.memref_squeeze %dma_wait3A_61 : memref<1x256xi32, #tpu.memory_space<vmem>> -> memref<256xi32, #tpu.memory_space<vmem>>
        %dma_wait3A_63 = arith.constant 0 : i32
        %dma_wait3A_64 = tpu.memref_slice %arg4[%add3A_60, %dma_wait3A_63] : memref<3125x256xi32, #tpu.memory_space<hbm>> -> memref<1x256xi32, #tpu.memory_space<hbm>>
        %dma_wait3A_65 = tpu.memref_squeeze %dma_wait3A_64 : memref<1x256xi32, #tpu.memory_space<hbm>> -> memref<256xi32, #tpu.memory_space<hbm>>
        %dma_wait3A_66 = tpu.memref_slice %arg10[%rem3A_59] : memref<3x!tpu.dma_semaphore, #tpu.memory_space<semaphore_mem>> -> memref<1x!tpu.dma_semaphore, #tpu.memory_space<semaphore_mem>>
        %dma_wait3A_67 = tpu.memref_squeeze %dma_wait3A_66 : memref<1x!tpu.dma_semaphore, #tpu.memory_space<semaphore_mem>> -> memref<!tpu.dma_semaphore, #tpu.memory_space<semaphore_mem>>
        %dma_wait3A_68 = arith.constant 0 : i32
        %dma_wait3A_69 = tpu.memref_slice %arg8[%rem3A_59, %dma_wait3A_68] : memref<3x256xi32, #tpu.memory_space<vmem>> -> memref<1x256xi32, #tpu.memory_space<vmem>>
        %dma_wait3A_70 = tpu.memref_squeeze %dma_wait3A_69 : memref<1x256xi32, #tpu.memory_space<vmem>> -> memref<256xi32, #tpu.memory_space<vmem>>
        %dma_wait3A_71 = arith.constant 0 : i32
        %dma_wait3A_72 = tpu.memref_slice %arg4[%add3A_60, %dma_wait3A_71] : memref<3125x256xi32, #tpu.memory_space<hbm>> -> memref<1x256xi32, #tpu.memory_space<hbm>>
        %dma_wait3A_73 = tpu.memref_squeeze %dma_wait3A_72 : memref<1x256xi32, #tpu.memory_space<hbm>> -> memref<256xi32, #tpu.memory_space<hbm>>
        tpu.wait_dma2 semaphore(%dma_wait3A_67 : memref<!tpu.dma_semaphore, #tpu.memory_space<semaphore_mem>>) src(%dma_wait3A_73 : memref<256xi32, #tpu.memory_space<hbm>>) dst(%dma_wait3A_70 : memref<256xi32, #tpu.memory_space<vmem>>)
        %dma_wait3A_74 = arith.constant 0 : i32
        %dma_wait3A_75 = arith.constant 0 : i32
        %dma_wait3A_76 = tpu.memref_slice %arg12[%rem3A_59, %dma_wait3A_74, %dma_wait3A_75] : memref<3x256x32xf32, #tpu.memory_space<vmem>> -> memref<1x256x32xf32, #tpu.memory_space<vmem>>
        %dma_wait3A_77 = tpu.memref_squeeze %dma_wait3A_76 : memref<1x256x32xf32, #tpu.memory_space<vmem>> -> memref<256x32xf32, #tpu.memory_space<vmem>>
        %dma_wait3A_78 = arith.constant 0 : i32
        %dma_wait3A_79 = tpu.memref_slice %arg13[%rem3A_59, %dma_wait3A_78] : memref<3x256xi32, #tpu.memory_space<vmem>> -> memref<1x256xi32, #tpu.memory_space<vmem>>
        %dma_wait3A_80 = tpu.memref_squeeze %dma_wait3A_79 : memref<1x256xi32, #tpu.memory_space<vmem>> -> memref<256xi32, #tpu.memory_space<vmem>>
        %dma_wait3A_81 = arith.constant 0 : i32
        %dma_wait3A_82 = arith.constant 0 : i32
        %dma_wait3A_83 = tpu.memref_slice %arg2[%arg0, %dma_wait3A_81, %dma_wait3A_82] : memref<2x50000x32xf32, #tpu.memory_space<hbm>> -> memref<1x50000x32xf32, #tpu.memory_space<hbm>>
        %dma_wait3A_84 = tpu.memref_squeeze %dma_wait3A_83 : memref<1x50000x32xf32, #tpu.memory_space<hbm>> -> memref<50000x32xf32, #tpu.memory_space<hbm>>
        %dma_wait3A_85 = arith.constant 0 : i32
        %dma_wait3A_86 = arith.constant 0 : i32
        %dma_wait3A_87 = tpu.memref_slice %dma_wait3A_84[%dma_wait3A_85, %dma_wait3A_86] : memref<50000x32xf32, #tpu.memory_space<hbm>> -> memref<50000x32xf32, #tpu.memory_space<hbm>>
        %dma_wait3A_88 = tpu.memref_slice %arg9[%rem3A_59] : memref<3x!tpu.dma_semaphore, #tpu.memory_space<semaphore_mem>> -> memref<1x!tpu.dma_semaphore, #tpu.memory_space<semaphore_mem>>
        %dma_wait3A_89 = tpu.memref_squeeze %dma_wait3A_88 : memref<1x!tpu.dma_semaphore, #tpu.memory_space<semaphore_mem>> -> memref<!tpu.dma_semaphore, #tpu.memory_space<semaphore_mem>>
        tpu.wait_indirect_dma semaphore(%dma_wait3A_89 : memref<!tpu.dma_semaphore, #tpu.memory_space<semaphore_mem>>) src(%dma_wait3A_87 : memref<50000x32xf32, #tpu.memory_space<hbm>>) dst(%dma_wait3A_77 : memref<256x32xf32, #tpu.memory_space<vmem>>)
        %dma_start3A = arith.constant 0 : i32
        %dma_start3A_90 = arith.constant 0 : i32
        %dma_start3A_91 = tpu.memref_slice %arg12[%rem3A_59, %dma_start3A, %dma_start3A_90] : memref<3x256x32xf32, #tpu.memory_space<vmem>> -> memref<1x256x32xf32, #tpu.memory_space<vmem>>
        %dma_start3A_92 = tpu.memref_squeeze %dma_start3A_91 : memref<1x256x32xf32, #tpu.memory_space<vmem>> -> memref<256x32xf32, #tpu.memory_space<vmem>>
        %dma_start3A_93 = arith.constant 0 : i32
        %dma_start3A_94 = tpu.memref_slice %arg8[%rem3A_59, %dma_start3A_93] : memref<3x256xi32, #tpu.memory_space<vmem>> -> memref<1x256xi32, #tpu.memory_space<vmem>>
        %dma_start3A_95 = tpu.memref_squeeze %dma_start3A_94 : memref<1x256xi32, #tpu.memory_space<vmem>> -> memref<256xi32, #tpu.memory_space<vmem>>
        %dma_start3A_96 = arith.constant 0 : i32
        %dma_start3A_97 = arith.constant 0 : i32
        %dma_start3A_98 = tpu.memref_slice %arg7[%dma_start3A_96, %dma_start3A_97] : memref<50000x32xf32, #tpu.memory_space<vmem_shared>> -> memref<50000x32xf32, #tpu.memory_space<vmem_shared>>
        %dma_start3A_99 = tpu.memref_slice %arg14[%rem3A_59] : memref<3x!tpu.dma_semaphore, #tpu.memory_space<semaphore_mem>> -> memref<1x!tpu.dma_semaphore, #tpu.memory_space<semaphore_mem>>
        %dma_start3A_100 = tpu.memref_squeeze %dma_start3A_99 : memref<1x!tpu.dma_semaphore, #tpu.memory_space<semaphore_mem>> -> memref<!tpu.dma_semaphore, #tpu.memory_space<semaphore_mem>>
        tpu.enqueue_indirect_dma source(%dma_start3A_92 : memref<256x32xf32, #tpu.memory_space<vmem>>) target(%dma_start3A_98 : memref<50000x32xf32, #tpu.memory_space<vmem_shared>>) offsets(%dma_start3A_95 : memref<256xi32, #tpu.memory_space<vmem>>) semaphore(%dma_start3A_100 : memref<!tpu.dma_semaphore, #tpu.memory_space<semaphore_mem>>) {add = true}
      } else {
      }
      %ge3A_48 = arith.constant 3 : i32
      %ge3A_49 = arith.cmpi sge, %scan3A_28, %ge3A_48 : i32
      %sub3A_50 = arith.constant 3 : i32
      %sub3A_51 = arith.subi %scan3A_28, %sub3A_50 : i32
      %lt3A_52 = arith.cmpi slt, %sub3A_51, %add3A_9 : i32
      %and3A_53 = arith.andi %ge3A_49, %lt3A_52 : i1
      %convert_element_type3A_54 = arith.extui %and3A_53 : i1 to i32
      %cond3A_55 = arith.constant 0 : i32
      %cond3A_56 = arith.cmpi ne, %convert_element_type3A_54, %cond3A_55 : i32
      scf.if %cond3A_56 {
        %sub3A_57 = arith.constant 3 : i32
        %sub3A_58 = arith.subi %scan3A_28, %sub3A_57 : i32
        %rem3A = arith.constant 3 : i32
        %rem3A_59 = arith.remsi %sub3A_58, %rem3A : i32
        %dma_wait3A = arith.constant 0 : i32
        %dma_wait3A_60 = arith.constant 0 : i32
        %dma_wait3A_61 = tpu.memref_slice %arg12[%rem3A_59, %dma_wait3A, %dma_wait3A_60] : memref<3x256x32xf32, #tpu.memory_space<vmem>> -> memref<1x256x32xf32, #tpu.memory_space<vmem>>
        %dma_wait3A_62 = tpu.memref_squeeze %dma_wait3A_61 : memref<1x256x32xf32, #tpu.memory_space<vmem>> -> memref<256x32xf32, #tpu.memory_space<vmem>>
        %dma_wait3A_63 = arith.constant 0 : i32
        %dma_wait3A_64 = tpu.memref_slice %arg8[%rem3A_59, %dma_wait3A_63] : memref<3x256xi32, #tpu.memory_space<vmem>> -> memref<1x256xi32, #tpu.memory_space<vmem>>
        %dma_wait3A_65 = tpu.memref_squeeze %dma_wait3A_64 : memref<1x256xi32, #tpu.memory_space<vmem>> -> memref<256xi32, #tpu.memory_space<vmem>>
        %dma_wait3A_66 = arith.constant 0 : i32
        %dma_wait3A_67 = arith.constant 0 : i32
        %dma_wait3A_68 = tpu.memref_slice %arg7[%dma_wait3A_66, %dma_wait3A_67] : memref<50000x32xf32, #tpu.memory_space<vmem_shared>> -> memref<50000x32xf32, #tpu.memory_space<vmem_shared>>
        %dma_wait3A_69 = tpu.memref_slice %arg14[%rem3A_59] : memref<3x!tpu.dma_semaphore, #tpu.memory_space<semaphore_mem>> -> memref<1x!tpu.dma_semaphore, #tpu.memory_space<semaphore_mem>>
        %dma_wait3A_70 = tpu.memref_squeeze %dma_wait3A_69 : memref<1x!tpu.dma_semaphore, #tpu.memory_space<semaphore_mem>> -> memref<!tpu.dma_semaphore, #tpu.memory_space<semaphore_mem>>
        tpu.wait_indirect_dma semaphore(%dma_wait3A_70 : memref<!tpu.dma_semaphore, #tpu.memory_space<semaphore_mem>>) src(%dma_wait3A_62 : memref<256x32xf32, #tpu.memory_space<vmem>>) dst(%dma_wait3A_68 : memref<50000x32xf32, #tpu.memory_space<vmem_shared>>)
      } else {
      }
    }
    %scan3A_16 = arith.constant 199 : i32
    %barrier3A_17 = arith.constant 0 : index
    tpu.barrier barrier_id(%barrier3A_17)
    %lt3A_18 = arith.constant 15 : i32
    %lt3A_19 = arith.cmpi slt, %arg1, %lt3A_18 : i32
    %convert_element_type3A_20 = arith.extui %lt3A_19 : i1 to i32
    %cond3A_21 = arith.constant 0 : i32
    %cond3A_22 = arith.cmpi ne, %convert_element_type3A_20, %cond3A_21 : i32
    scf.if %cond3A_22 {
      %mul3A_28 = arith.constant 3128 : i32
      %mul3A_29 = arith.muli %arg1, %mul3A_28 : i32
      "tpu.region"() ({
        %run_scoped3A = tpu.sem_alloc : memref<!tpu.dma_semaphore, #tpu.memory_space<semaphore_mem>>
        %dma_start3A = arith.constant 0 : i32
        %dma_start3A_30 = tpu.memref_slice %arg6[%arg0, %mul3A_29, %dma_start3A] : memref<2x50000x32xf32, #tpu.memory_space<hbm>> -> memref<1x3128x32xf32, #tpu.memory_space<hbm>>
        %dma_start3A_31 = tpu.memref_squeeze %dma_start3A_30 : memref<1x3128x32xf32, #tpu.memory_space<hbm>> -> memref<3128x32xf32, #tpu.memory_space<hbm>>
        %dma_start3A_32 = arith.constant 0 : i32
        %dma_start3A_33 = tpu.memref_slice %arg7[%mul3A_29, %dma_start3A_32] : memref<50000x32xf32, #tpu.memory_space<vmem_shared>> -> memref<3128x32xf32, #tpu.memory_space<vmem_shared>>
        tpu.enqueue_dma source(%dma_start3A_33 : memref<3128x32xf32, #tpu.memory_space<vmem_shared>>) target(%dma_start3A_31 : memref<3128x32xf32, #tpu.memory_space<hbm>>) target_semaphore(%run_scoped3A : memref<!tpu.dma_semaphore, #tpu.memory_space<semaphore_mem>>)
        %dma_wait3A = arith.constant 0 : i32
        %dma_wait3A_34 = tpu.memref_slice %arg6[%arg0, %mul3A_29, %dma_wait3A] : memref<2x50000x32xf32, #tpu.memory_space<hbm>> -> memref<1x3128x32xf32, #tpu.memory_space<hbm>>
        %dma_wait3A_35 = tpu.memref_squeeze %dma_wait3A_34 : memref<1x3128x32xf32, #tpu.memory_space<hbm>> -> memref<3128x32xf32, #tpu.memory_space<hbm>>
        %dma_wait3A_36 = arith.constant 0 : i32
        %dma_wait3A_37 = tpu.memref_slice %arg7[%mul3A_29, %dma_wait3A_36] : memref<50000x32xf32, #tpu.memory_space<vmem_shared>> -> memref<3128x32xf32, #tpu.memory_space<vmem_shared>>
        tpu.wait_dma2 semaphore(%run_scoped3A : memref<!tpu.dma_semaphore, #tpu.memory_space<semaphore_mem>>) src(%dma_wait3A_37 : memref<3128x32xf32, #tpu.memory_space<vmem_shared>>) dst(%dma_wait3A_35 : memref<3128x32xf32, #tpu.memory_space<hbm>>)
        tpu.yield
      }) : () -> ()
    } else {
    }
    %eq3A_23 = arith.constant 15 : i32
    %eq3A_24 = arith.cmpi eq, %arg1, %eq3A_23 : i32
    %convert_element_type3A_25 = arith.extui %eq3A_24 : i1 to i32
    %cond3A_26 = arith.constant 0 : i32
    %cond3A_27 = arith.cmpi ne, %convert_element_type3A_25, %cond3A_26 : i32
    scf.if %cond3A_27 {
      "tpu.region"() ({
        %run_scoped3A = tpu.sem_alloc : memref<!tpu.dma_semaphore, #tpu.memory_space<semaphore_mem>>
        %dma_start3A = arith.constant 46920 : i32
        %dma_start3A_28 = arith.constant 0 : i32
        %dma_start3A_29 = tpu.memref_slice %arg6[%arg0, %dma_start3A, %dma_start3A_28] : memref<2x50000x32xf32, #tpu.memory_space<hbm>> -> memref<1x3080x32xf32, #tpu.memory_space<hbm>>
        %dma_start3A_30 = tpu.memref_squeeze %dma_start3A_29 : memref<1x3080x32xf32, #tpu.memory_space<hbm>> -> memref<3080x32xf32, #tpu.memory_space<hbm>>
        %dma_start3A_31 = arith.constant 46920 : i32
        %dma_start3A_32 = arith.constant 0 : i32
        %dma_start3A_33 = tpu.memref_slice %arg7[%dma_start3A_31, %dma_start3A_32] : memref<50000x32xf32, #tpu.memory_space<vmem_shared>> -> memref<3080x32xf32, #tpu.memory_space<vmem_shared>>
        tpu.enqueue_dma source(%dma_start3A_33 : memref<3080x32xf32, #tpu.memory_space<vmem_shared>>) target(%dma_start3A_30 : memref<3080x32xf32, #tpu.memory_space<hbm>>) target_semaphore(%run_scoped3A : memref<!tpu.dma_semaphore, #tpu.memory_space<semaphore_mem>>)
        %dma_wait3A = arith.constant 46920 : i32
        %dma_wait3A_34 = arith.constant 0 : i32
        %dma_wait3A_35 = tpu.memref_slice %arg6[%arg0, %dma_wait3A, %dma_wait3A_34] : memref<2x50000x32xf32, #tpu.memory_space<hbm>> -> memref<1x3080x32xf32, #tpu.memory_space<hbm>>
        %dma_wait3A_36 = tpu.memref_squeeze %dma_wait3A_35 : memref<1x3080x32xf32, #tpu.memory_space<hbm>> -> memref<3080x32xf32, #tpu.memory_space<hbm>>
        %dma_wait3A_37 = arith.constant 46920 : i32
        %dma_wait3A_38 = arith.constant 0 : i32
        %dma_wait3A_39 = tpu.memref_slice %arg7[%dma_wait3A_37, %dma_wait3A_38] : memref<50000x32xf32, #tpu.memory_space<vmem_shared>> -> memref<3080x32xf32, #tpu.memory_space<vmem_shared>>
        tpu.wait_dma2 semaphore(%run_scoped3A : memref<!tpu.dma_semaphore, #tpu.memory_space<semaphore_mem>>) src(%dma_wait3A_39 : memref<3080x32xf32, #tpu.memory_space<vmem_shared>>) dst(%dma_wait3A_36 : memref<3080x32xf32, #tpu.memory_space<hbm>>)
        tpu.yield
      }) : () -> ()
    } else {
    }
    return
  }
}

module attributes {stable_mosaic.version = 14 : i64} {
  func.func @_inproj_body(%arg0: i32, %arg1: memref<512x232xf32, #tpu.memory_space<vmem>>, %arg2: memref<232x256xf32, #tpu.memory_space<vmem>>, %arg3: memref<1x256xf32, #tpu.memory_space<vmem>>, %arg4: memref<2x512x128xf32, #tpu.memory_space<vmem>>) attributes {dimension_semantics = [#tpu.dimension_semantics<arbitrary>], iteration_bounds = array<i64: 25>, scalar_prefetch = 0 : i64, scratch_operands = 0 : i64, tpu.core_type = #tpu.core_type<tc>, window_params = [{transform_indices = @transform_0, window_bounds = array<i64: 512, 232>}, {pipeline_mode = #tpu.pipeline_mode<synchronous>, transform_indices = @transform_1, window_bounds = array<i64: 232, 256>}, {pipeline_mode = #tpu.pipeline_mode<synchronous>, transform_indices = @transform_2, window_bounds = array<i64: 1, 256>}, {transform_indices = @transform_3, window_bounds = array<i64: 2, 512, 128>}]} {
    %get3A = arith.constant 0 : index
    %get3A_0 = arith.constant 0 : index
    %get3A_1 = vector.load %arg1[%get3A, %get3A_0] : memref<512x232xf32, #tpu.memory_space<vmem>>, vector<512x232xf32>
    %get3A_2 = arith.constant 0 : index
    %get3A_3 = arith.constant 0 : index
    %get3A_4 = vector.load %arg2[%get3A_2, %get3A_3] : memref<232x256xf32, #tpu.memory_space<vmem>>, vector<232x256xf32>
    %dot_general3A = arith.constant dense<0.000000e+00> : vector<512x256xf32>
    %dot_general3A_5 = tpu.matmul %get3A_1, %get3A_4, %dot_general3A {dimension_numbers = #tpu.dot_dimension_numbers<[1], [0], [0], [1], [0, 0, 1, 1], [], []>, transpose_lhs_hint = false} : vector<512x232xf32>, vector<232x256xf32>, vector<512x256xf32> -> vector<512x256xf32>
    %get3A_6 = arith.constant 0 : index
    %get3A_7 = arith.constant 0 : index
    %get3A_8 = vector.load %arg3[%get3A_6, %get3A_7] : memref<1x256xf32, #tpu.memory_space<vmem>>, vector<1x256xf32>
    %add3A = vector.broadcast %get3A_8 : vector<1x256xf32> to vector<512x256xf32>
    %add3A_9 = arith.addf %dot_general3A_5, %add3A : vector<512x256xf32>
    %max3A = arith.constant 0.000000e+00 : f32
    %max3A_10 = vector.broadcast %max3A : f32 to vector<512x256xf32>
    %max3A_11 = arith.maximumf %add3A_9, %max3A_10 : vector<512x256xf32>
    %slice3A = vector.extract_strided_slice %max3A_11 {offsets = [0, 0], sizes = [512, 32], strides = [1, 1]} : vector<512x256xf32> to vector<512x32xf32>
    %slice3A_12 = vector.extract_strided_slice %max3A_11 {offsets = [0, 64], sizes = [512, 32], strides = [1, 1]} : vector<512x256xf32> to vector<512x32xf32>
    %slice3A_13 = vector.extract_strided_slice %max3A_11 {offsets = [0, 128], sizes = [512, 32], strides = [1, 1]} : vector<512x256xf32> to vector<512x32xf32>
    %slice3A_14 = vector.extract_strided_slice %max3A_11 {offsets = [0, 192], sizes = [512, 32], strides = [1, 1]} : vector<512x256xf32> to vector<512x32xf32>
    %concatenate3A = tpu.concatenate %slice3A, %slice3A_12, %slice3A_13, %slice3A_14 in 1 : vector<512x32xf32>, vector<512x32xf32>, vector<512x32xf32>, vector<512x32xf32> -> vector<512x128xf32>
    %swap3A = arith.constant 0 : index
    %swap3A_15 = arith.constant 0 : index
    %swap3A_16 = arith.constant 0 : index
    %swap3A_17 = vector.load %arg4[%swap3A, %swap3A_15, %swap3A_16] : memref<2x512x128xf32, #tpu.memory_space<vmem>>, vector<1x512x128xf32>
    %swap3A_18 = vector.shape_cast %swap3A_17 : vector<1x512x128xf32> to vector<512x128xf32>
    %swap3A_19 = vector.shape_cast %concatenate3A : vector<512x128xf32> to vector<1x512x128xf32>
    tpu.vector_store %arg4[%swap3A, %swap3A_15, %swap3A_16], %swap3A_19 {strides = array<i32>} : memref<2x512x128xf32, #tpu.memory_space<vmem>>, vector<1x512x128xf32>,
    %slice3A_20 = vector.extract_strided_slice %max3A_11 {offsets = [0, 32], sizes = [512, 32], strides = [1, 1]} : vector<512x256xf32> to vector<512x32xf32>
    %slice3A_21 = vector.extract_strided_slice %max3A_11 {offsets = [0, 96], sizes = [512, 32], strides = [1, 1]} : vector<512x256xf32> to vector<512x32xf32>
    %slice3A_22 = vector.extract_strided_slice %max3A_11 {offsets = [0, 160], sizes = [512, 32], strides = [1, 1]} : vector<512x256xf32> to vector<512x32xf32>
    %slice3A_23 = vector.extract_strided_slice %max3A_11 {offsets = [0, 224], sizes = [512, 32], strides = [1, 1]} : vector<512x256xf32> to vector<512x32xf32>
    %concatenate3A_24 = tpu.concatenate %slice3A_20, %slice3A_21, %slice3A_22, %slice3A_23 in 1 : vector<512x32xf32>, vector<512x32xf32>, vector<512x32xf32>, vector<512x32xf32> -> vector<512x128xf32>
    %swap3A_25 = arith.constant 1 : index
    %swap3A_26 = arith.constant 0 : index
    %swap3A_27 = arith.constant 0 : index
    %swap3A_28 = vector.load %arg4[%swap3A_25, %swap3A_26, %swap3A_27] : memref<2x512x128xf32, #tpu.memory_space<vmem>>, vector<1x512x128xf32>
    %swap3A_29 = vector.shape_cast %swap3A_28 : vector<1x512x128xf32> to vector<512x128xf32>
    %swap3A_30 = vector.shape_cast %concatenate3A_24 : vector<512x128xf32> to vector<1x512x128xf32>
    tpu.vector_store %arg4[%swap3A_25, %swap3A_26, %swap3A_27], %swap3A_30 {strides = array<i32>} : memref<2x512x128xf32, #tpu.memory_space<vmem>>, vector<1x512x128xf32>,
    return
  }
  func.func @transform_0(%arg0: i32) -> (i32, i32) {
    %c0_i32 = arith.constant 0 : i32
    %c0_i32_0 = arith.constant 0 : i32
    return %arg0, %c0_i32 : i32, i32
  }
  func.func @transform_1(%arg0: i32) -> (i32, i32) {
    %c0_i32 = arith.constant 0 : i32
    %c0_i32_0 = arith.constant 0 : i32
    %c0_i32_1 = arith.constant 0 : i32
    return %c0_i32, %c0_i32_0 : i32, i32
  }
  func.func @transform_2(%arg0: i32) -> (i32, i32) {
    %c0_i32 = arith.constant 0 : i32
    %c0_i32_0 = arith.constant 0 : i32
    %c0_i32_1 = arith.constant 0 : i32
    return %c0_i32, %c0_i32_0 : i32, i32
  }
  func.func @transform_3(%arg0: i32) -> (i32, i32, i32) {
    %c0_i32 = arith.constant 0 : i32
    %c0_i32_0 = arith.constant 0 : i32
    %c0_i32_1 = arith.constant 0 : i32
    return %c0_i32, %arg0, %c0_i32_0 : i32, i32, i32
  }
}

module attributes {stable_mosaic.version = 14 : i64} {
  func.func @_layer_body(%arg0: i32, %arg1: memref<2x512x128xf32, #tpu.memory_space<vmem>>, %arg2: memref<2x512x128xf32, #tpu.memory_space<vmem>>, %arg3: memref<512x128xf32, #tpu.memory_space<vmem>>, %arg4: memref<128x256xf32, #tpu.memory_space<vmem>>, %arg5: memref<128x256xf32, #tpu.memory_space<vmem>>, %arg6: memref<128x256xf32, #tpu.memory_space<vmem>>, %arg7: memref<128x256xf32, #tpu.memory_space<vmem>>, %arg8: memref<1x256xf32, #tpu.memory_space<vmem>>, %arg9: memref<2x512x128xf32, #tpu.memory_space<vmem>>) attributes {dimension_semantics = [#tpu.dimension_semantics<arbitrary>], iteration_bounds = array<i64: 25>, scalar_prefetch = 0 : i64, scratch_operands = 0 : i64, tpu.core_type = #tpu.core_type<tc>, window_params = [{transform_indices = @transform_0, window_bounds = array<i64: 2, 512, 128>}, {transform_indices = @transform_1, window_bounds = array<i64: 2, 512, 128>}, {transform_indices = @transform_2, window_bounds = array<i64: 512, 128>}, {pipeline_mode = #tpu.pipeline_mode<synchronous>, transform_indices = @transform_3, window_bounds = array<i64: 128, 256>}, {pipeline_mode = #tpu.pipeline_mode<synchronous>, transform_indices = @transform_4, window_bounds = array<i64: 128, 256>}, {pipeline_mode = #tpu.pipeline_mode<synchronous>, transform_indices = @transform_5, window_bounds = array<i64: 128, 256>}, {pipeline_mode = #tpu.pipeline_mode<synchronous>, transform_indices = @transform_6, window_bounds = array<i64: 128, 256>}, {pipeline_mode = #tpu.pipeline_mode<synchronous>, transform_indices = @transform_7, window_bounds = array<i64: 1, 256>}, {transform_indices = @transform_8, window_bounds = array<i64: 2, 512, 128>}]} {
    %get3A = arith.constant 0 : index
    %get3A_0 = arith.constant 0 : index
    %get3A_1 = vector.load %arg3[%get3A, %get3A_0] : memref<512x128xf32, #tpu.memory_space<vmem>>, vector<512x128xf32>
    %max3A = arith.constant 1.000000e+00 : f32
    %max3A_2 = vector.broadcast %max3A : f32 to vector<512x128xf32>
    %max3A_3 = arith.maximumf %get3A_1, %max3A_2 : vector<512x128xf32>
    %div3A = arith.constant 1.000000e+00 : f32
    %div3A_4 = vector.broadcast %div3A : f32 to vector<512x128xf32>
    %div3A_5 = arith.divf %div3A_4, %max3A_3 : vector<512x128xf32>
    %get3A_6 = arith.constant 0 : index
    %get3A_7 = arith.constant 0 : index
    %get3A_8 = arith.constant 0 : index
    %get3A_9 = vector.load %arg2[%get3A_6, %get3A_7, %get3A_8] : memref<2x512x128xf32, #tpu.memory_space<vmem>>, vector<1x512x128xf32>
    %get3A_10 = vector.shape_cast %get3A_9 : vector<1x512x128xf32> to vector<512x128xf32>
    %mul3A = arith.mulf %get3A_10, %div3A_5 : vector<512x128xf32>
    %get3A_11 = arith.constant 1 : index
    %get3A_12 = arith.constant 0 : index
    %get3A_13 = arith.constant 0 : index
    %get3A_14 = vector.load %arg2[%get3A_11, %get3A_12, %get3A_13] : memref<2x512x128xf32, #tpu.memory_space<vmem>>, vector<1x512x128xf32>
    %get3A_15 = vector.shape_cast %get3A_14 : vector<1x512x128xf32> to vector<512x128xf32>
    %mul3A_16 = arith.mulf %get3A_15, %div3A_5 : vector<512x128xf32>
    %get3A_17 = arith.constant 0 : index
    %get3A_18 = arith.constant 0 : index
    %get3A_19 = arith.constant 0 : index
    %get3A_20 = vector.load %arg1[%get3A_17, %get3A_18, %get3A_19] : memref<2x512x128xf32, #tpu.memory_space<vmem>>, vector<1x512x128xf32>
    %get3A_21 = vector.shape_cast %get3A_20 : vector<1x512x128xf32> to vector<512x128xf32>
    %get3A_22 = arith.constant 0 : index
    %get3A_23 = arith.constant 0 : index
    %get3A_24 = vector.load %arg4[%get3A_22, %get3A_23] : memref<128x256xf32, #tpu.memory_space<vmem>>, vector<128x256xf32>
    %dot_general3A = arith.constant dense<0.000000e+00> : vector<512x256xf32>
    %dot_general3A_25 = tpu.matmul %get3A_21, %get3A_24, %dot_general3A {dimension_numbers = #tpu.dot_dimension_numbers<[1], [0], [0], [1], [0, 0, 1, 1], [], []>, transpose_lhs_hint = false} : vector<512x128xf32>, vector<128x256xf32>, vector<512x256xf32> -> vector<512x256xf32>
    %get3A_26 = arith.constant 1 : index
    %get3A_27 = arith.constant 0 : index
    %get3A_28 = arith.constant 0 : index
    %get3A_29 = vector.load %arg1[%get3A_26, %get3A_27, %get3A_28] : memref<2x512x128xf32, #tpu.memory_space<vmem>>, vector<1x512x128xf32>
    %get3A_30 = vector.shape_cast %get3A_29 : vector<1x512x128xf32> to vector<512x128xf32>
    %get3A_31 = arith.constant 0 : index
    %get3A_32 = arith.constant 0 : index
    %get3A_33 = vector.load %arg5[%get3A_31, %get3A_32] : memref<128x256xf32, #tpu.memory_space<vmem>>, vector<128x256xf32>
    %dot_general3A_34 = arith.constant dense<0.000000e+00> : vector<512x256xf32>
    %dot_general3A_35 = tpu.matmul %get3A_30, %get3A_33, %dot_general3A_34 {dimension_numbers = #tpu.dot_dimension_numbers<[1], [0], [0], [1], [0, 0, 1, 1], [], []>, transpose_lhs_hint = false} : vector<512x128xf32>, vector<128x256xf32>, vector<512x256xf32> -> vector<512x256xf32>
    %add3A = arith.addf %dot_general3A_25, %dot_general3A_35 : vector<512x256xf32>
    %get3A_36 = arith.constant 0 : index
    %get3A_37 = arith.constant 0 : index
    %get3A_38 = vector.load %arg6[%get3A_36, %get3A_37] : memref<128x256xf32, #tpu.memory_space<vmem>>, vector<128x256xf32>
    %dot_general3A_39 = arith.constant dense<0.000000e+00> : vector<512x256xf32>
    %dot_general3A_40 = tpu.matmul %mul3A, %get3A_38, %dot_general3A_39 {dimension_numbers = #tpu.dot_dimension_numbers<[1], [0], [0], [1], [0, 0, 1, 1], [], []>, transpose_lhs_hint = false} : vector<512x128xf32>, vector<128x256xf32>, vector<512x256xf32> -> vector<512x256xf32>
    %add3A_41 = arith.addf %add3A, %dot_general3A_40 : vector<512x256xf32>
    %get3A_42 = arith.constant 0 : index
    %get3A_43 = arith.constant 0 : index
    %get3A_44 = vector.load %arg7[%get3A_42, %get3A_43] : memref<128x256xf32, #tpu.memory_space<vmem>>, vector<128x256xf32>
    %dot_general3A_45 = arith.constant dense<0.000000e+00> : vector<512x256xf32>
    %dot_general3A_46 = tpu.matmul %mul3A_16, %get3A_44, %dot_general3A_45 {dimension_numbers = #tpu.dot_dimension_numbers<[1], [0], [0], [1], [0, 0, 1, 1], [], []>, transpose_lhs_hint = false} : vector<512x128xf32>, vector<128x256xf32>, vector<512x256xf32> -> vector<512x256xf32>
    %add3A_47 = arith.addf %add3A_41, %dot_general3A_46 : vector<512x256xf32>
    %get3A_48 = arith.constant 0 : index
    %get3A_49 = arith.constant 0 : index
    %get3A_50 = vector.load %arg8[%get3A_48, %get3A_49] : memref<1x256xf32, #tpu.memory_space<vmem>>, vector<1x256xf32>
    %add3A_51 = vector.broadcast %get3A_50 : vector<1x256xf32> to vector<512x256xf32>
    %add3A_52 = arith.addf %add3A_47, %add3A_51 : vector<512x256xf32>
    %max3A_53 = arith.constant 0.000000e+00 : f32
    %max3A_54 = vector.broadcast %max3A_53 : f32 to vector<512x256xf32>
    %max3A_55 = arith.maximumf %add3A_52, %max3A_54 : vector<512x256xf32>
    %slice3A = vector.extract_strided_slice %max3A_55 {offsets = [0, 0], sizes = [512, 32], strides = [1, 1]} : vector<512x256xf32> to vector<512x32xf32>
    %slice3A_56 = vector.extract_strided_slice %max3A_55 {offsets = [0, 64], sizes = [512, 32], strides = [1, 1]} : vector<512x256xf32> to vector<512x32xf32>
    %slice3A_57 = vector.extract_strided_slice %max3A_55 {offsets = [0, 128], sizes = [512, 32], strides = [1, 1]} : vector<512x256xf32> to vector<512x32xf32>
    %slice3A_58 = vector.extract_strided_slice %max3A_55 {offsets = [0, 192], sizes = [512, 32], strides = [1, 1]} : vector<512x256xf32> to vector<512x32xf32>
    %concatenate3A = tpu.concatenate %slice3A, %slice3A_56, %slice3A_57, %slice3A_58 in 1 : vector<512x32xf32>, vector<512x32xf32>, vector<512x32xf32>, vector<512x32xf32> -> vector<512x128xf32>
    %swap3A = arith.constant 0 : index
    %swap3A_59 = arith.constant 0 : index
    %swap3A_60 = arith.constant 0 : index
    %swap3A_61 = vector.load %arg9[%swap3A, %swap3A_59, %swap3A_60] : memref<2x512x128xf32, #tpu.memory_space<vmem>>, vector<1x512x128xf32>
    %swap3A_62 = vector.shape_cast %swap3A_61 : vector<1x512x128xf32> to vector<512x128xf32>
    %swap3A_63 = vector.shape_cast %concatenate3A : vector<512x128xf32> to vector<1x512x128xf32>
    tpu.vector_store %arg9[%swap3A, %swap3A_59, %swap3A_60], %swap3A_63 {strides = array<i32>} : memref<2x512x128xf32, #tpu.memory_space<vmem>>, vector<1x512x128xf32>,
    %slice3A_64 = vector.extract_strided_slice %max3A_55 {offsets = [0, 32], sizes = [512, 32], strides = [1, 1]} : vector<512x256xf32> to vector<512x32xf32>
    %slice3A_65 = vector.extract_strided_slice %max3A_55 {offsets = [0, 96], sizes = [512, 32], strides = [1, 1]} : vector<512x256xf32> to vector<512x32xf32>
    %slice3A_66 = vector.extract_strided_slice %max3A_55 {offsets = [0, 160], sizes = [512, 32], strides = [1, 1]} : vector<512x256xf32> to vector<512x32xf32>
    %slice3A_67 = vector.extract_strided_slice %max3A_55 {offsets = [0, 224], sizes = [512, 32], strides = [1, 1]} : vector<512x256xf32> to vector<512x32xf32>
    %concatenate3A_68 = tpu.concatenate %slice3A_64, %slice3A_65, %slice3A_66, %slice3A_67 in 1 : vector<512x32xf32>, vector<512x32xf32>, vector<512x32xf32>, vector<512x32xf32> -> vector<512x128xf32>
    %swap3A_69 = arith.constant 1 : index
    %swap3A_70 = arith.constant 0 : index
    %swap3A_71 = arith.constant 0 : index
    %swap3A_72 = vector.load %arg9[%swap3A_69, %swap3A_70, %swap3A_71] : memref<2x512x128xf32, #tpu.memory_space<vmem>>, vector<1x512x128xf32>
    %swap3A_73 = vector.shape_cast %swap3A_72 : vector<1x512x128xf32> to vector<512x128xf32>
    %swap3A_74 = vector.shape_cast %concatenate3A_68 : vector<512x128xf32> to vector<1x512x128xf32>
    tpu.vector_store %arg9[%swap3A_69, %swap3A_70, %swap3A_71], %swap3A_74 {strides = array<i32>} : memref<2x512x128xf32, #tpu.memory_space<vmem>>, vector<1x512x128xf32>,
    return
  }
  func.func @transform_0(%arg0: i32) -> (i32, i32, i32) {
    %c0_i32 = arith.constant 0 : i32
    %c0_i32_0 = arith.constant 0 : i32
    %c0_i32_1 = arith.constant 0 : i32
    return %c0_i32, %arg0, %c0_i32_0 : i32, i32, i32
  }
  func.func @transform_1(%arg0: i32) -> (i32, i32, i32) {
    %c0_i32 = arith.constant 0 : i32
    %c0_i32_0 = arith.constant 0 : i32
    %c0_i32_1 = arith.constant 0 : i32
    return %c0_i32, %arg0, %c0_i32_0 : i32, i32, i32
  }
  func.func @transform_2(%arg0: i32) -> (i32, i32) {
    %c0_i32 = arith.constant 0 : i32
    %c0_i32_0 = arith.constant 0 : i32
    return %arg0, %c0_i32 : i32, i32
  }
  func.func @transform_3(%arg0: i32) -> (i32, i32) {
    %c0_i32 = arith.constant 0 : i32
    %c0_i32_0 = arith.constant 0 : i32
    %c0_i32_1 = arith.constant 0 : i32
    return %c0_i32, %c0_i32_0 : i32, i32
  }
  func.func @transform_4(%arg0: i32) -> (i32, i32) {
    %c0_i32 = arith.constant 0 : i32
    %c0_i32_0 = arith.constant 0 : i32
    %c0_i32_1 = arith.constant 0 : i32
    return %c0_i32, %c0_i32_0 : i32, i32
  }
  func.func @transform_5(%arg0: i32) -> (i32, i32) {
    %c0_i32 = arith.constant 0 : i32
    %c0_i32_0 = arith.constant 0 : i32
    %c0_i32_1 = arith.constant 0 : i32
    return %c0_i32, %c0_i32_0 : i32, i32
  }
  func.func @transform_6(%arg0: i32) -> (i32, i32) {
    %c0_i32 = arith.constant 0 : i32
    %c0_i32_0 = arith.constant 0 : i32
    %c0_i32_1 = arith.constant 0 : i32
    return %c0_i32, %c0_i32_0 : i32, i32
  }
  func.func @transform_7(%arg0: i32) -> (i32, i32) {
    %c0_i32 = arith.constant 0 : i32
    %c0_i32_0 = arith.constant 0 : i32
    %c0_i32_1 = arith.constant 0 : i32
    return %c0_i32, %c0_i32_0 : i32, i32
  }
  func.func @transform_8(%arg0: i32) -> (i32, i32, i32) {
    %c0_i32 = arith.constant 0 : i32
    %c0_i32_0 = arith.constant 0 : i32
    %c0_i32_1 = arith.constant 0 : i32
    return %c0_i32, %arg0, %c0_i32_0 : i32, i32, i32
  }
}

module attributes {stable_mosaic.version = 14 : i64} {
  func.func @_pool_heads_body(%arg0: i32, %arg1: memref<2x512x128xf32, #tpu.memory_space<vmem>>, %arg2: memref<1x1x512xi32, #tpu.memory_space<vmem>>, %arg3: memref<1x1x512xi32, #tpu.memory_space<vmem>>, %arg4: memref<1x1x512xi32, #tpu.memory_space<vmem>>, %arg5: memref<1x1x512xi32, #tpu.memory_space<vmem>>, %arg6: memref<64x4xf32, #tpu.memory_space<vmem>>, %arg7: memref<1x4xf32, #tpu.memory_space<vmem>>, %arg8: memref<256x4xf32, #tpu.memory_space<vmem>>, %arg9: memref<256x64xf32, #tpu.memory_space<vmem>>, %arg10: memref<256x1xf32, #tpu.memory_space<vmem>>) attributes {dimension_semantics = [#tpu.dimension_semantics<arbitrary>], iteration_bounds = array<i64: 25>, scalar_prefetch = 0 : i64, scratch_operands = 2 : i64, tpu.core_type = #tpu.core_type<tc>, window_params = [{transform_indices = @transform_0, window_bounds = array<i64: 2, 512, 128>}, {transform_indices = @transform_1, window_bounds = array<i64: 1, 1, 512>}, {transform_indices = @transform_2, window_bounds = array<i64: 1, 1, 512>}, {transform_indices = @transform_3, window_bounds = array<i64: 1, 1, 512>}, {transform_indices = @transform_4, window_bounds = array<i64: 1, 1, 512>}, {pipeline_mode = #tpu.pipeline_mode<synchronous>, transform_indices = @transform_5, window_bounds = array<i64: 64, 4>}, {pipeline_mode = #tpu.pipeline_mode<synchronous>, transform_indices = @transform_6, window_bounds = array<i64: 1, 4>}, {pipeline_mode = #tpu.pipeline_mode<synchronous>, transform_indices = @transform_7, window_bounds = array<i64: 256, 4>}]} {
    %eq3A = arith.constant 0 : i32
    %eq3A_0 = arith.cmpi eq, %arg0, %eq3A : i32
    %convert_element_type3A = arith.extui %eq3A_0 : i1 to i32
    %cond3A = arith.constant 0 : i32
    %cond3A_1 = arith.cmpi ne, %convert_element_type3A, %cond3A : i32
    scf.if %cond3A_1 {
      %broadcast_in_dim3A_151 = arith.constant 0.000000e+00 : f32
      %broadcast_in_dim3A_152 = vector.broadcast %broadcast_in_dim3A_151 : f32 to vector<256x64xf32>
      %swap3A_153 = arith.constant 0 : index
      %swap3A_154 = arith.constant 0 : index
      %swap3A_155 = vector.load %arg9[%swap3A_153, %swap3A_154] : memref<256x64xf32, #tpu.memory_space<vmem>>, vector<256x64xf32>
      tpu.vector_store %arg9[%swap3A_153, %swap3A_154], %broadcast_in_dim3A_152 {strides = array<i32>} : memref<256x64xf32, #tpu.memory_space<vmem>>, vector<256x64xf32>,
      %broadcast_in_dim3A_156 = arith.constant 0.000000e+00 : f32
      %broadcast_in_dim3A_157 = vector.broadcast %broadcast_in_dim3A_156 : f32 to vector<256x1xf32>
      %swap3A_158 = arith.constant 0 : index
      %swap3A_159 = arith.constant 0 : index
      %swap3A_160 = vector.load %arg10[%swap3A_158, %swap3A_159] : memref<256x1xf32, #tpu.memory_space<vmem>>, vector<256x1xf32>
      tpu.vector_store %arg10[%swap3A_158, %swap3A_159], %broadcast_in_dim3A_157 {strides = array<i32>} : memref<256x1xf32, #tpu.memory_space<vmem>>, vector<256x1xf32>,
    } else {
    }
    %iota3A = tpu.iota {dimensions = array<i32: 0>} : vector<512x1xi32>
    %mul3A = arith.constant 512 : i32
    %mul3A_2 = arith.muli %arg0, %mul3A : i32
    %add3A = vector.broadcast %mul3A_2 : i32 to vector<512x1xi32>
    %add3A_3 = arith.addi %iota3A, %add3A : vector<512x1xi32>
    %lt3A = arith.constant 12500 : i32
    %lt3A_4 = vector.broadcast %lt3A : i32 to vector<512x1xi32>
    %lt3A_5 = arith.cmpi slt, %add3A_3, %lt3A_4 : vector<512x1xi32>
    %get3A = arith.constant 0 : index
    %get3A_6 = arith.constant 0 : index
    %get3A_7 = arith.constant 0 : index
    %get3A_8 = vector.load %arg1[%get3A, %get3A_6, %get3A_7] : memref<2x512x128xf32, #tpu.memory_space<vmem>>, vector<1x512x128xf32>
    %get3A_9 = vector.shape_cast %get3A_8 : vector<1x512x128xf32> to vector<512x128xf32>
    %jit3A = arith.constant 0.000000e+00 : f32
    %broadcast_in_dim3A = vector.shape_cast %lt3A_5 : vector<512x1xi1> to vector<512x1xi1>
    %broadcast_in_dim3A_10 = vector.broadcast %broadcast_in_dim3A : vector<512x1xi1> to vector<512x128xi1>
    %broadcast_in_dim3A_11 = vector.broadcast %jit3A : f32 to vector<512x128xf32>
    %select_n3A = arith.select %broadcast_in_dim3A_10, %get3A_9, %broadcast_in_dim3A_11 : vector<512x128xi1>, vector<512x128xf32>
    %get3A_12 = arith.constant 1 : index
    %get3A_13 = arith.constant 0 : index
    %get3A_14 = arith.constant 0 : index
    %get3A_15 = vector.load %arg1[%get3A_12, %get3A_13, %get3A_14] : memref<2x512x128xf32, #tpu.memory_space<vmem>>, vector<1x512x128xf32>
    %get3A_16 = vector.shape_cast %get3A_15 : vector<1x512x128xf32> to vector<512x128xf32>
    %jit3A_17 = arith.constant 0.000000e+00 : f32
    %broadcast_in_dim3A_18 = vector.shape_cast %lt3A_5 : vector<512x1xi1> to vector<512x1xi1>
    %broadcast_in_dim3A_19 = vector.broadcast %broadcast_in_dim3A_18 : vector<512x1xi1> to vector<512x128xi1>
    %broadcast_in_dim3A_20 = vector.broadcast %jit3A_17 : f32 to vector<512x128xf32>
    %select_n3A_21 = arith.select %broadcast_in_dim3A_19, %get3A_16, %broadcast_in_dim3A_20 : vector<512x128xi1>, vector<512x128xf32>
    %iota3A_22 = tpu.iota {dimensions = array<i32: 0>} : vector<256x512xi32>
    %get3A_23 = arith.constant 0 : index
    %get3A_24 = arith.constant 0 : index
    %get3A_25 = arith.constant 0 : index
    %get3A_26 = vector.load %arg2[%get3A_23, %get3A_24, %get3A_25] : memref<1x1x512xi32, #tpu.memory_space<vmem>>, vector<1x1x512xi32>
    %get3A_27 = vector.shape_cast %get3A_26 : vector<1x1x512xi32> to vector<512xi32>
    %broadcast_in_dim3A_28 = vector.shape_cast %get3A_27 : vector<512xi32> to vector<1x512xi32>
    %eq3A_29 = vector.broadcast %broadcast_in_dim3A_28 : vector<1x512xi32> to vector<256x512xi32>
    %eq3A_30 = arith.cmpi eq, %eq3A_29, %iota3A_22 : vector<256x512xi32>
    %convert_element_type3A_31 = arith.extui %eq3A_30 : vector<256x512xi1> to vector<256x512xi32>
    %convert_element_type3A_32 = arith.sitofp %convert_element_type3A_31 : vector<256x512xi32> to vector<256x512xf32>
    %slice3A = vector.extract_strided_slice %select_n3A {offsets = [0, 0], sizes = [512, 32], strides = [1, 1]} : vector<512x128xf32> to vector<512x32xf32>
    %slice3A_33 = vector.extract_strided_slice %select_n3A_21 {offsets = [0, 0], sizes = [512, 32], strides = [1, 1]} : vector<512x128xf32> to vector<512x32xf32>
    %concatenate3A = tpu.concatenate %slice3A, %slice3A_33 in 1 : vector<512x32xf32>, vector<512x32xf32> -> vector<512x64xf32>
    %get3A_34 = arith.constant 0 : index
    %get3A_35 = arith.constant 0 : index
    %get3A_36 = vector.load %arg9[%get3A_34, %get3A_35] : memref<256x64xf32, #tpu.memory_space<vmem>>, vector<256x64xf32>
    %dot_general3A = arith.constant dense<0.000000e+00> : vector<256x64xf32>
    %dot_general3A_37 = tpu.matmul %convert_element_type3A_32, %concatenate3A, %dot_general3A {dimension_numbers = #tpu.dot_dimension_numbers<[1], [0], [0], [1], [0, 0, 1, 1], [], []>, transpose_lhs_hint = false} : vector<256x512xf32>, vector<512x64xf32>, vector<256x64xf32> -> vector<256x64xf32>
    %add3A_38 = arith.addf %get3A_36, %dot_general3A_37 : vector<256x64xf32>
    %swap3A = arith.constant 0 : index
    %swap3A_39 = arith.constant 0 : index
    %swap3A_40 = vector.load %arg9[%swap3A, %swap3A_39] : memref<256x64xf32, #tpu.memory_space<vmem>>, vector<256x64xf32>
    tpu.vector_store %arg9[%swap3A, %swap3A_39], %add3A_38 {strides = array<i32>} : memref<256x64xf32, #tpu.memory_space<vmem>>, vector<256x64xf32>,
    %get3A_41 = arith.constant 0 : index
    %get3A_42 = arith.constant 0 : index
    %get3A_43 = vector.load %arg10[%get3A_41, %get3A_42] : memref<256x1xf32, #tpu.memory_space<vmem>>, vector<256x1xf32>
    %reduce_sum3A = arith.constant dense<0.000000e+00> : vector<256xf32>
    %reduce_sum3A_44 = vector.multi_reduction <add>, %convert_element_type3A_32, %reduce_sum3A [1] : vector<256x512xf32> to vector<256xf32>
    %broadcast_in_dim3A_45 = vector.shape_cast %reduce_sum3A_44 : vector<256xf32> to vector<256x1xf32>
    %add3A_46 = arith.addf %get3A_43, %broadcast_in_dim3A_45 : vector<256x1xf32>
    %swap3A_47 = arith.constant 0 : index
    %swap3A_48 = arith.constant 0 : index
    %swap3A_49 = vector.load %arg10[%swap3A_47, %swap3A_48] : memref<256x1xf32, #tpu.memory_space<vmem>>, vector<256x1xf32>
    tpu.vector_store %arg10[%swap3A_47, %swap3A_48], %add3A_46 {strides = array<i32>} : memref<256x1xf32, #tpu.memory_space<vmem>>, vector<256x1xf32>,
    %get3A_50 = arith.constant 0 : index
    %get3A_51 = arith.constant 0 : index
    %get3A_52 = arith.constant 0 : index
    %get3A_53 = vector.load %arg3[%get3A_50, %get3A_51, %get3A_52] : memref<1x1x512xi32, #tpu.memory_space<vmem>>, vector<1x1x512xi32>
    %get3A_54 = vector.shape_cast %get3A_53 : vector<1x1x512xi32> to vector<512xi32>
    %broadcast_in_dim3A_55 = vector.shape_cast %get3A_54 : vector<512xi32> to vector<1x512xi32>
    %eq3A_56 = vector.broadcast %broadcast_in_dim3A_55 : vector<1x512xi32> to vector<256x512xi32>
    %eq3A_57 = arith.cmpi eq, %eq3A_56, %iota3A_22 : vector<256x512xi32>
    %convert_element_type3A_58 = arith.extui %eq3A_57 : vector<256x512xi1> to vector<256x512xi32>
    %convert_element_type3A_59 = arith.sitofp %convert_element_type3A_58 : vector<256x512xi32> to vector<256x512xf32>
    %slice3A_60 = vector.extract_strided_slice %select_n3A {offsets = [0, 32], sizes = [512, 32], strides = [1, 1]} : vector<512x128xf32> to vector<512x32xf32>
    %slice3A_61 = vector.extract_strided_slice %select_n3A_21 {offsets = [0, 32], sizes = [512, 32], strides = [1, 1]} : vector<512x128xf32> to vector<512x32xf32>
    %concatenate3A_62 = tpu.concatenate %slice3A_60, %slice3A_61 in 1 : vector<512x32xf32>, vector<512x32xf32> -> vector<512x64xf32>
    %get3A_63 = arith.constant 0 : index
    %get3A_64 = arith.constant 0 : index
    %get3A_65 = vector.load %arg9[%get3A_63, %get3A_64] : memref<256x64xf32, #tpu.memory_space<vmem>>, vector<256x64xf32>
    %dot_general3A_66 = arith.constant dense<0.000000e+00> : vector<256x64xf32>
    %dot_general3A_67 = tpu.matmul %convert_element_type3A_59, %concatenate3A_62, %dot_general3A_66 {dimension_numbers = #tpu.dot_dimension_numbers<[1], [0], [0], [1], [0, 0, 1, 1], [], []>, transpose_lhs_hint = false} : vector<256x512xf32>, vector<512x64xf32>, vector<256x64xf32> -> vector<256x64xf32>
    %add3A_68 = arith.addf %get3A_65, %dot_general3A_67 : vector<256x64xf32>
    %swap3A_69 = arith.constant 0 : index
    %swap3A_70 = arith.constant 0 : index
    %swap3A_71 = vector.load %arg9[%swap3A_69, %swap3A_70] : memref<256x64xf32, #tpu.memory_space<vmem>>, vector<256x64xf32>
    tpu.vector_store %arg9[%swap3A_69, %swap3A_70], %add3A_68 {strides = array<i32>} : memref<256x64xf32, #tpu.memory_space<vmem>>, vector<256x64xf32>,
    %get3A_72 = arith.constant 0 : index
    %get3A_73 = arith.constant 0 : index
    %get3A_74 = vector.load %arg10[%get3A_72, %get3A_73] : memref<256x1xf32, #tpu.memory_space<vmem>>, vector<256x1xf32>
    %reduce_sum3A_75 = arith.constant dense<0.000000e+00> : vector<256xf32>
    %reduce_sum3A_76 = vector.multi_reduction <add>, %convert_element_type3A_59, %reduce_sum3A_75 [1] : vector<256x512xf32> to vector<256xf32>
    %broadcast_in_dim3A_77 = vector.shape_cast %reduce_sum3A_76 : vector<256xf32> to vector<256x1xf32>
    %add3A_78 = arith.addf %get3A_74, %broadcast_in_dim3A_77 : vector<256x1xf32>
    %swap3A_79 = arith.constant 0 : index
    %swap3A_80 = arith.constant 0 : index
    %swap3A_81 = vector.load %arg10[%swap3A_79, %swap3A_80] : memref<256x1xf32, #tpu.memory_space<vmem>>, vector<256x1xf32>
    tpu.vector_store %arg10[%swap3A_79, %swap3A_80], %add3A_78 {strides = array<i32>} : memref<256x1xf32, #tpu.memory_space<vmem>>, vector<256x1xf32>,
    %get3A_82 = arith.constant 0 : index
    %get3A_83 = arith.constant 0 : index
    %get3A_84 = arith.constant 0 : index
    %get3A_85 = vector.load %arg4[%get3A_82, %get3A_83, %get3A_84] : memref<1x1x512xi32, #tpu.memory_space<vmem>>, vector<1x1x512xi32>
    %get3A_86 = vector.shape_cast %get3A_85 : vector<1x1x512xi32> to vector<512xi32>
    %broadcast_in_dim3A_87 = vector.shape_cast %get3A_86 : vector<512xi32> to vector<1x512xi32>
    %eq3A_88 = vector.broadcast %broadcast_in_dim3A_87 : vector<1x512xi32> to vector<256x512xi32>
    %eq3A_89 = arith.cmpi eq, %eq3A_88, %iota3A_22 : vector<256x512xi32>
    %convert_element_type3A_90 = arith.extui %eq3A_89 : vector<256x512xi1> to vector<256x512xi32>
    %convert_element_type3A_91 = arith.sitofp %convert_element_type3A_90 : vector<256x512xi32> to vector<256x512xf32>
    %slice3A_92 = vector.extract_strided_slice %select_n3A {offsets = [0, 64], sizes = [512, 32], strides = [1, 1]} : vector<512x128xf32> to vector<512x32xf32>
    %slice3A_93 = vector.extract_strided_slice %select_n3A_21 {offsets = [0, 64], sizes = [512, 32], strides = [1, 1]} : vector<512x128xf32> to vector<512x32xf32>
    %concatenate3A_94 = tpu.concatenate %slice3A_92, %slice3A_93 in 1 : vector<512x32xf32>, vector<512x32xf32> -> vector<512x64xf32>
    %get3A_95 = arith.constant 0 : index
    %get3A_96 = arith.constant 0 : index
    %get3A_97 = vector.load %arg9[%get3A_95, %get3A_96] : memref<256x64xf32, #tpu.memory_space<vmem>>, vector<256x64xf32>
    %dot_general3A_98 = arith.constant dense<0.000000e+00> : vector<256x64xf32>
    %dot_general3A_99 = tpu.matmul %convert_element_type3A_91, %concatenate3A_94, %dot_general3A_98 {dimension_numbers = #tpu.dot_dimension_numbers<[1], [0], [0], [1], [0, 0, 1, 1], [], []>, transpose_lhs_hint = false} : vector<256x512xf32>, vector<512x64xf32>, vector<256x64xf32> -> vector<256x64xf32>
    %add3A_100 = arith.addf %get3A_97, %dot_general3A_99 : vector<256x64xf32>
    %swap3A_101 = arith.constant 0 : index
    %swap3A_102 = arith.constant 0 : index
    %swap3A_103 = vector.load %arg9[%swap3A_101, %swap3A_102] : memref<256x64xf32, #tpu.memory_space<vmem>>, vector<256x64xf32>
    tpu.vector_store %arg9[%swap3A_101, %swap3A_102], %add3A_100 {strides = array<i32>} : memref<256x64xf32, #tpu.memory_space<vmem>>, vector<256x64xf32>,
    %get3A_104 = arith.constant 0 : index
    %get3A_105 = arith.constant 0 : index
    %get3A_106 = vector.load %arg10[%get3A_104, %get3A_105] : memref<256x1xf32, #tpu.memory_space<vmem>>, vector<256x1xf32>
    %reduce_sum3A_107 = arith.constant dense<0.000000e+00> : vector<256xf32>
    %reduce_sum3A_108 = vector.multi_reduction <add>, %convert_element_type3A_91, %reduce_sum3A_107 [1] : vector<256x512xf32> to vector<256xf32>
    %broadcast_in_dim3A_109 = vector.shape_cast %reduce_sum3A_108 : vector<256xf32> to vector<256x1xf32>
    %add3A_110 = arith.addf %get3A_106, %broadcast_in_dim3A_109 : vector<256x1xf32>
    %swap3A_111 = arith.constant 0 : index
    %swap3A_112 = arith.constant 0 : index
    %swap3A_113 = vector.load %arg10[%swap3A_111, %swap3A_112] : memref<256x1xf32, #tpu.memory_space<vmem>>, vector<256x1xf32>
    tpu.vector_store %arg10[%swap3A_111, %swap3A_112], %add3A_110 {strides = array<i32>} : memref<256x1xf32, #tpu.memory_space<vmem>>, vector<256x1xf32>,
    %get3A_114 = arith.constant 0 : index
    %get3A_115 = arith.constant 0 : index
    %get3A_116 = arith.constant 0 : index
    %get3A_117 = vector.load %arg5[%get3A_114, %get3A_115, %get3A_116] : memref<1x1x512xi32, #tpu.memory_space<vmem>>, vector<1x1x512xi32>
    %get3A_118 = vector.shape_cast %get3A_117 : vector<1x1x512xi32> to vector<512xi32>
    %broadcast_in_dim3A_119 = vector.shape_cast %get3A_118 : vector<512xi32> to vector<1x512xi32>
    %eq3A_120 = vector.broadcast %broadcast_in_dim3A_119 : vector<1x512xi32> to vector<256x512xi32>
    %eq3A_121 = arith.cmpi eq, %eq3A_120, %iota3A_22 : vector<256x512xi32>
    %convert_element_type3A_122 = arith.extui %eq3A_121 : vector<256x512xi1> to vector<256x512xi32>
    %convert_element_type3A_123 = arith.sitofp %convert_element_type3A_122 : vector<256x512xi32> to vector<256x512xf32>
    %slice3A_124 = vector.extract_strided_slice %select_n3A {offsets = [0, 96], sizes = [512, 32], strides = [1, 1]} : vector<512x128xf32> to vector<512x32xf32>
    %slice3A_125 = vector.extract_strided_slice %select_n3A_21 {offsets = [0, 96], sizes = [512, 32], strides = [1, 1]} : vector<512x128xf32> to vector<512x32xf32>
    %concatenate3A_126 = tpu.concatenate %slice3A_124, %slice3A_125 in 1 : vector<512x32xf32>, vector<512x32xf32> -> vector<512x64xf32>
    %get3A_127 = arith.constant 0 : index
    %get3A_128 = arith.constant 0 : index
    %get3A_129 = vector.load %arg9[%get3A_127, %get3A_128] : memref<256x64xf32, #tpu.memory_space<vmem>>, vector<256x64xf32>
    %dot_general3A_130 = arith.constant dense<0.000000e+00> : vector<256x64xf32>
    %dot_general3A_131 = tpu.matmul %convert_element_type3A_123, %concatenate3A_126, %dot_general3A_130 {dimension_numbers = #tpu.dot_dimension_numbers<[1], [0], [0], [1], [0, 0, 1, 1], [], []>, transpose_lhs_hint = false} : vector<256x512xf32>, vector<512x64xf32>, vector<256x64xf32> -> vector<256x64xf32>
    %add3A_132 = arith.addf %get3A_129, %dot_general3A_131 : vector<256x64xf32>
    %swap3A_133 = arith.constant 0 : index
    %swap3A_134 = arith.constant 0 : index
    %swap3A_135 = vector.load %arg9[%swap3A_133, %swap3A_134] : memref<256x64xf32, #tpu.memory_space<vmem>>, vector<256x64xf32>
    tpu.vector_store %arg9[%swap3A_133, %swap3A_134], %add3A_132 {strides = array<i32>} : memref<256x64xf32, #tpu.memory_space<vmem>>, vector<256x64xf32>,
    %get3A_136 = arith.constant 0 : index
    %get3A_137 = arith.constant 0 : index
    %get3A_138 = vector.load %arg10[%get3A_136, %get3A_137] : memref<256x1xf32, #tpu.memory_space<vmem>>, vector<256x1xf32>
    %reduce_sum3A_139 = arith.constant dense<0.000000e+00> : vector<256xf32>
    %reduce_sum3A_140 = vector.multi_reduction <add>, %convert_element_type3A_123, %reduce_sum3A_139 [1] : vector<256x512xf32> to vector<256xf32>
    %broadcast_in_dim3A_141 = vector.shape_cast %reduce_sum3A_140 : vector<256xf32> to vector<256x1xf32>
    %add3A_142 = arith.addf %get3A_138, %broadcast_in_dim3A_141 : vector<256x1xf32>
    %swap3A_143 = arith.constant 0 : index
    %swap3A_144 = arith.constant 0 : index
    %swap3A_145 = vector.load %arg10[%swap3A_143, %swap3A_144] : memref<256x1xf32, #tpu.memory_space<vmem>>, vector<256x1xf32>
    tpu.vector_store %arg10[%swap3A_143, %swap3A_144], %add3A_142 {strides = array<i32>} : memref<256x1xf32, #tpu.memory_space<vmem>>, vector<256x1xf32>,
    %eq3A_146 = arith.constant 24 : i32
    %eq3A_147 = arith.cmpi eq, %arg0, %eq3A_146 : i32
    %convert_element_type3A_148 = arith.extui %eq3A_147 : i1 to i32
    %cond3A_149 = arith.constant 0 : i32
    %cond3A_150 = arith.cmpi ne, %convert_element_type3A_148, %cond3A_149 : i32
    scf.if %cond3A_150 {
      %get3A_151 = arith.constant 0 : index
      %get3A_152 = arith.constant 0 : index
      %get3A_153 = vector.load %arg9[%get3A_151, %get3A_152] : memref<256x64xf32, #tpu.memory_space<vmem>>, vector<256x64xf32>
      %get3A_154 = arith.constant 0 : index
      %get3A_155 = arith.constant 0 : index
      %get3A_156 = vector.load %arg10[%get3A_154, %get3A_155] : memref<256x1xf32, #tpu.memory_space<vmem>>, vector<256x1xf32>
      %max3A = arith.constant 1.000000e+00 : f32
      %max3A_157 = vector.broadcast %max3A : f32 to vector<256x1xf32>
      %max3A_158 = arith.maximumf %get3A_156, %max3A_157 : vector<256x1xf32>
      %div3A = vector.broadcast %max3A_158 : vector<256x1xf32> to vector<256x64xf32>
      %div3A_159 = arith.divf %get3A_153, %div3A : vector<256x64xf32>
      %get3A_160 = arith.constant 0 : index
      %get3A_161 = arith.constant 0 : index
      %get3A_162 = vector.load %arg6[%get3A_160, %get3A_161] : memref<64x4xf32, #tpu.memory_space<vmem>>, vector<64x4xf32>
      %dot_general3A_163 = arith.constant dense<0.000000e+00> : vector<256x4xf32>
      %dot_general3A_164 = tpu.matmul %div3A_159, %get3A_162, %dot_general3A_163 {dimension_numbers = #tpu.dot_dimension_numbers<[1], [0], [0], [1], [0, 0, 1, 1], [], []>, transpose_lhs_hint = false} : vector<256x64xf32>, vector<64x4xf32>, vector<256x4xf32> -> vector<256x4xf32>
      %get3A_165 = arith.constant 0 : index
      %get3A_166 = arith.constant 0 : index
      %get3A_167 = vector.load %arg7[%get3A_165, %get3A_166] : memref<1x4xf32, #tpu.memory_space<vmem>>, vector<1x4xf32>
      %add3A_168 = vector.broadcast %get3A_167 : vector<1x4xf32> to vector<256x4xf32>
      %add3A_169 = arith.addf %dot_general3A_164, %add3A_168 : vector<256x4xf32>
      %slice3A_170 = vector.extract_strided_slice %add3A_169 {offsets = [0, 1], sizes = [256, 1], strides = [1, 1]} : vector<256x4xf32> to vector<256x1xf32>
      %logistic3A = arith.negf %slice3A_170 : vector<256x1xf32>
      %logistic3A_171 = math.exp %logistic3A : vector<256x1xf32>
      %logistic3A_172 = arith.constant 1.000000e+00 : f32
      %logistic3A_173 = vector.broadcast %logistic3A_172 : f32 to vector<256x1xf32>
      %logistic3A_174 = arith.addf %logistic3A_173, %logistic3A_171 : vector<256x1xf32>
      %logistic3A_175 = arith.divf %logistic3A_173, %logistic3A_174 : vector<256x1xf32>
      %slice3A_176 = vector.extract_strided_slice %add3A_169 {offsets = [0, 0], sizes = [256, 1], strides = [1, 1]} : vector<256x4xf32> to vector<256x1xf32>
      %slice3A_177 = vector.extract_strided_slice %add3A_169 {offsets = [0, 2], sizes = [256, 2], strides = [1, 1]} : vector<256x4xf32> to vector<256x2xf32>
      %concatenate3A_178 = tpu.concatenate %slice3A_176, %logistic3A_175, %slice3A_177 in 1 : vector<256x1xf32>, vector<256x1xf32>, vector<256x2xf32> -> vector<256x4xf32>
      %swap3A_179 = arith.constant 0 : index
      %swap3A_180 = arith.constant 0 : index
      %swap3A_181 = vector.load %arg8[%swap3A_179, %swap3A_180] : memref<256x4xf32, #tpu.memory_space<vmem>>, vector<256x4xf32>
      tpu.vector_store %arg8[%swap3A_179, %swap3A_180], %concatenate3A_178 {strides = array<i32>} : memref<256x4xf32, #tpu.memory_space<vmem>>, vector<256x4xf32>,
    } else {
    }
    return
  }
  func.func @transform_0(%arg0: i32) -> (i32, i32, i32) {
    %c0_i32 = arith.constant 0 : i32
    %c0_i32_0 = arith.constant 0 : i32
    %c0_i32_1 = arith.constant 0 : i32
    return %c0_i32, %arg0, %c0_i32_0 : i32, i32, i32
  }
  func.func @transform_1(%arg0: i32) -> (i32, i32, i32) {
    %c0_i32 = arith.constant 0 : i32
    %c0_i32_0 = arith.constant 0 : i32
    %c0_i32_1 = arith.constant 0 : i32
    return %arg0, %c0_i32, %c0_i32_0 : i32, i32, i32
  }
  func.func @transform_2(%arg0: i32) -> (i32, i32, i32) {
    %c0_i32 = arith.constant 0 : i32
    %c0_i32_0 = arith.constant 0 : i32
    %c0_i32_1 = arith.constant 0 : i32
    return %arg0, %c0_i32, %c0_i32_0 : i32, i32, i32
  }
  func.func @transform_3(%arg0: i32) -> (i32, i32, i32) {
    %c0_i32 = arith.constant 0 : i32
    %c0_i32_0 = arith.constant 0 : i32
    %c0_i32_1 = arith.constant 0 : i32
    return %arg0, %c0_i32, %c0_i32_0 : i32, i32, i32
  }
  func.func @transform_4(%arg0: i32) -> (i32, i32, i32) {
    %c0_i32 = arith.constant 0 : i32
    %c0_i32_0 = arith.constant 0 : i32
    %c0_i32_1 = arith.constant 0 : i32
    return %arg0, %c0_i32, %c0_i32_0 : i32, i32, i32
  }
  func.func @transform_5(%arg0: i32) -> (i32, i32) {
    %c0_i32 = arith.constant 0 : i32
    %c0_i32_0 = arith.constant 0 : i32
    %c0_i32_1 = arith.constant 0 : i32
    return %c0_i32, %c0_i32_0 : i32, i32
  }
  func.func @transform_6(%arg0: i32) -> (i32, i32) {
    %c0_i32 = arith.constant 0 : i32
    %c0_i32_0 = arith.constant 0 : i32
    %c0_i32_1 = arith.constant 0 : i32
    return %c0_i32, %c0_i32_0 : i32, i32
  }
  func.func @transform_7(%arg0: i32) -> (i32, i32) {
    %c0_i32 = arith.constant 0 : i32
    %c0_i32_0 = arith.constant 0 : i32
    %c0_i32_1 = arith.constant 0 : i32
    return %c0_i32, %c0_i32_0 : i32, i32
  }
}

</mosaic_0001>

<sc_bundles>
// kernel: kernel.12.cloned.1.call-start
scs
__scs_entry_jumppad:
0x0: {  	(pc) =	sbr.rel $0x88, $3  }
0x1: {  	(tag) =	ssettag $0x0;
	lr =	simm.s32 $0x1  }
0x2: {  	[smem:$0x3F90] =	sst lr;
	_ =	strace $0xD0000000  }
0x3: {  	_ = 	snop  }
0x4: {  	_ = 	snop  }
0x5: {  	_ = 	snop  }
0x6: {  	_ = 	snop  }
0x7: {  	_ = 	snop  }
__scs_overlays_trampoline_lowered:
0x8: {  	[smem:$0x3F9F] =	sst s0  }
0x9: {  	[smem:$0x3FA0] =	sst s1  }
0xa: {  	[smem:$0x3FA1] =	sst s2  }
0xb: {  	[smem:$0x3FA2] =	sst s3  }
0xc: {  	[smem:$0x3FA3] =	sst s4  }
0xd: {  	[smem:$0x3FA4] =	sst s5  }
0xe: {  	[smem:$0x3FA5] =	sst s6  }
0xf: {  	[smem:$0x3FA6] =	sst s7  }
0x10: {  	[smem:$0x3FA7] =	sst s8  }
0x11: {  	[smem:$0x3FA8] =	sst s9;
	s0 =	simm.s32 @!p0 $0x0  }
0x12: {  	s1 =	sld [smem:$0x3F8E];
	s0 =	simm.s32 @p0 $0x1  }
0x13: {  	[smem:$0x3FA9] =	sst s0;
	s0 =	simm.s32 @!p1 $0x0  }
0x14: {  	s2 =	sld [smem:$0x3F8D];
	s0 =	simm.s32 @p1 $0x1  }
0x15: {  	[smem:$0x3FAA] =	sst s0;
	s0 =	simm.s32 @!p2 $0x0  }
0x16: {  	s3 =	sld [smem:$0x3FDB];
	s0 =	simm.s32 @p2 $0x1  }
0x17: {  	s4 =	simm.s32 $0x1BF5;
	[smem:$0x3FAC] =	sst s0  }
0x18: {  	s0 =	sld [smem:$0x3F8F];
	_ =	swait.ge [sflag:s4], $0x0  }
0x19: {  	s7 =	sld [smem:$0x3F90]  }
0x1a: {  	s8 =	sadd.s32 $0xFFFFE003, lr  }
0x1b: {  	s9 =	sadd.s32 $0xFFFFFEF7, lr;
	s5 =	simm.s32 $0xFFFFFFFF;
	p2 =	slt.u32 s8, $0xFFFFF086  }
0x1c: {  	p1 =	slt.u32 s9, $0xF7A;
	s5 =	simm.s32 @!p2 $0x0  }
0x1d: {  	s5 =	simm.s32 @p1 $0x1;
	p0 =	seq.s32 s7, s2  }
0x1e: {  	s7 =	smul.u32 @!p0 $0xF7A, s2;
	p2 =	seq.s32 @!p0 s5, $0x0  }
0x1f: {  	s9 =	smul.u32 $0xF7A, s1;
	s8 =	simm.s32 @!p0 $0x1BF5;
	p2 =	por !p2, p0  }
0x20: {  	[sflag:s8] =	ssyncset.s32 @!p0 $0xFFFFF086;
	s6 =	sadd.s32 @!p0 s3, s7;
	s7 =	simm.s32 @!p0 $0x108  }
0x21: {  	s3 =	sadd.s32 s3, s9;
	s6 =	sadd.s32 @!p0 $0x88, s6;
	s7 =	simm.s32 @p2 $0x1082  }
0x22: {  	[simem:s7], [sflag:s8] =	dma.local @!p0 [hbm:s6], $0xF7A  }
0x23: {  	s9 =	sor.u32 $0xD0000000, s2;
	s6 =	simm.s32 $0x108;
	_ =	swait.ge @!p0 [sflag:s8], $0x0  }
0x24: {  	s3 =	sadd.s32 $0x88, s3;
	s6 =	simm.s32 @!p1 $0x1082;
	[sflag:s4] =	ssyncset.s32 $0xFFFFF086  }
0x25: {  	[simem:s6], [sflag:s4] =	dma.local [hbm:s3], $0xF7A  }
0x26: {  	[smem:$0x3F90] =	sst s1;
	(tag) =	ssettag s2;
	_ =	strace s9  }
0x27: {  	s1 =	sld [smem:$0x3FA0]  }
0x28: {  	s2 =	sld [smem:$0x3FA1]  }
0x29: {  	s4 =	sld [smem:$0x3FA3]  }
0x2a: {  	p0 =	seq.s32 s5, $0x0;
	s5 =	sld [smem:$0x3FA4]  }
0x2b: {  	s6 =	sld [smem:$0x3FA5]  }
0x2c: {  	s7 =	sld [smem:$0x3FA6]  }
0x2d: {  	s3 =	simm.s32 $0x108;
	s8 =	sld [smem:$0x3FA7]  }
0x2e: {  	s3 =	simm.s32 @!p0 $0x1082;
	s9 =	sld [smem:$0x3FA8]  }
0x2f: {  	lr =	sadd.s32 s0, s3;
	s0 =	sld [smem:$0x3F9F]  }
0x30: {  	s3 =	sld [smem:$0x3FA2]  }
0x31: {  	[smem:$0x3FAB] =	sst s10  }
0x32: {  	s10 =	sld [smem:$0x3FA9];
	_ =	sdelay $0x3  }
0x33: {  	p0 =	seq.s32 s10, $0x1;
	s10 =	sld [smem:$0x3FAB];
	_ =	sdelay $0x3  }
0x34: {  	[smem:$0x3FAB] =	sst s10  }
0x35: {  	s10 =	sld [smem:$0x3FAA];
	_ =	sdelay $0x3  }
0x36: {  	p1 =	seq.s32 s10, $0x1;
	s10 =	sld [smem:$0x3FAB];
	_ =	sdelay $0x3  }
0x37: {  	[smem:$0x3FAB] =	sst s10  }
0x38: {  	s10 =	sld [smem:$0x3FAC]  }
0x39: {  	_ = 	snop;
	(pc) =	sbr.ind lr, $3  }
0x3a: {  	_ = 	snop  }
0x3b: {  	_ = 	snop  }
0x3c: {  	p2 =	seq.s32 s10, $0x1;
	s10 =	sld [smem:$0x3FAB]  }
0x3d: {  	_ =	shalt  }
0x3e: {  	_ =	shalt  }
0x3f: {  	_ =	shalt  }
0x40: {  	_ =	shalt  }
0x41: {  	_ =	shalt  }
0x42: {  	_ =	shalt  }
0x43: {  	_ =	shalt  }
0x44: {  	_ =	shalt  }
0x45: {  	_ =	shalt  }
0x46: {  	_ =	shalt  }
0x47: {  	_ =	shalt  }
0x48: {  	_ =	shalt  }
0x49: {  	_ =	shalt  }
0x4a: {  	_ =	shalt  }
0x4b: {  	_ =	shalt  }
0x4c: {  	_ =	shalt  }
0x4d: {  	_ =	shalt  }
0x4e: {  	_ =	shalt  }
0x4f: {  	_ =	shalt  }
0x50: {  	_ =	shalt  }
0x51: {  	_ =	shalt  }
0x52: {  	_ =	shalt  }
0x53: {  	_ =	shalt  }
0x54: {  	_ =	shalt  }
0x55: {  	_ =	shalt  }
0x56: {  	_ =	shalt  }
0x57: {  	_ =	shalt  }
0x58: {  	_ =	shalt  }
0x59: {  	_ =	shalt  }
0x5a: {  	_ =	shalt  }
0x5b: {  	_ =	shalt  }
0x5c: {  	_ =	shalt  }
0x5d: {  	_ =	shalt  }
0x5e: {  	_ =	shalt  }
0x5f: {  	_ =	shalt  }
0x60: {  	_ =	shalt  }
0x61: {  	_ =	shalt  }
0x62: {  	_ =	shalt  }
0x63: {  	_ =	shalt  }
0x64: {  	_ =	shalt  }
0x65: {  	_ =	shalt  }
0x66: {  	_ =	shalt  }
0x67: {  	_ =	shalt  }
0x68: {  	_ =	shalt  }
0x69: {  	_ =	shalt  }
0x6a: {  	_ =	shalt  }
0x6b: {  	_ =	shalt  }
0x6c: {  	_ =	shalt  }
0x6d: {  	_ =	shalt  }
0x6e: {  	_ =	shalt  }
0x6f: {  	_ =	shalt  }
0x70: {  	_ =	shalt  }
0x71: {  	_ =	shalt  }
0x72: {  	_ =	shalt  }
0x73: {  	_ =	shalt  }
0x74: {  	_ =	shalt  }
0x75: {  	_ =	shalt  }
0x76: {  	_ =	shalt  }
0x77: {  	_ =	shalt  }
0x78: {  	_ =	shalt  }
0x79: {  	_ =	shalt  }
0x7a: {  	_ =	shalt  }
0x7b: {  	_ =	shalt  }
0x7c: {  	_ =	shalt  }
0x7d: {  	_ =	shalt  }
0x7e: {  	_ =	shalt  }
0x7f: {  	_ =	shalt  }
0x80: {  	_ =	shalt  }
0x81: {  	_ =	shalt  }
0x82: {  	_ =	shalt  }
0x83: {  	_ =	shalt  }
0x84: {  	_ =	shalt  }
0x85: {  	_ =	shalt  }
0x86: {  	_ =	shalt  }
0x87: {  	_ =	shalt  }
.Lfunc_end0:
.L_simem_size_0:
called_computation.1_lowered:
.L_overlay_start_0:
0x88: {  	s2 =	sld [smem:$0x3FD9]  }
0x89: {  	s3 =	sld [smem:$0x3FFE];
	_ =	sdelay $0x1  }
0x8a: {  	s1 =	srdreg.scid  }
0x8b: {  	s0 =	sand.u32 $0x1, s1  }
0x8c: {  	s16 =	sshll.u32 s0, $0xA;
	s2 =	sadd.s32 s3, s2  }
0x8d: {  	s2 =	sadd.s32 s2, s16  }
0x8e: {  	[smem:$0x3FB7] =	sst s2  }
0x8f: {  	_ = 	snop  }
0x90: {  	(tm) =	ssettm $0x1  }
0x91: {  	s17 =	sld [smem:$0x3FFB];
	_ =	sdelay $0x3  }
0x92: {  	_ =	strace s17  }
0x93: {  	s2 =	sld [smem:$0x3FFC];
	_ =	sdelay $0x3  }
0x94: {  	_ =	strace s2  }
0x95: {  	s2 =	sld [smem:$0x3FFD];
	_ =	sdelay $0x3  }
0x96: {  	_ =	strace s2  }
0x97: {  	_ =	strace $0x8FFFFFFF  }
0x98: {  	s18 =	sld [smem:$0x3FDB];
	_ =	sdelay $0x1  }
0x99: {  	s19 =	simm.s32 $_scs_section_size  }
0x9a: {  	s4 =	simm.s32 $_size__tile_overlayer_lowered;
	s5 =	simm.s32 $_tile_overlayer_lowered  }
0x9b: {  	s22 =	simm.s32 $0x1BFF;
	s21 =	sshll.u32 s5, $0x1;
	s2 =	sadd.s32 s19, s18  }
0x9c: {  	s6 =	simm.s32 $0x0;
	s20 =	sshll.u32 s4, $0x1;
	s4 =	sadd.s32 s21, s2  }
0x9d: {  	[timem:s6], [sflag:s22] =	dma.local [hbm:s4], s20  }
0x9e: {  	_ =	swait.ge [sflag:s22], s20  }
0x9f: {  	s3 =	ssub.s32 $0x0, s20;
	[sflag:s22] =	ssyncset.done $0x0  }
0xa0: {  	[sflag:s22] =	ssyncadd.s32 s3;
	_ =	sdelay $0x1  }
0xa1: {  	s23 =	simm.s32 $0x1B8B  }
0xa2: {  	_ =	swait.ge [sflag:s23], $0x1  }
0xa3: {  	[sflag:s23] =	ssyncset.done $0x0  }
0xa4: {  	s25 =	simm.s32 $0x1B8E;
	s24 =	sld [smem:$0x3FFE];
	[sflag:s23] =	ssyncadd.s32 $0xFFFFFFFF  }
0xa5: {  	s26 =	simm.s32 $execute0_lowered;
	[smem:$0x3FD2] =	sst s25  }
0xa6: {  	s4 =	sshll.u32 s26, $0x1;
	_ =	strace $0x80000046;
	[dreg:$0x1] =	wrdreg $0xFFFFFFFF  }
0xa7: {  	s28 =	simm.s32 $_size_execute0_lowered;
	s2 =	sadd.s32 s2, s4;
	[dreg:$0x0] =	wrdreg $0x0  }
0xa8: {  	s4 =	sshll.u32 s28, $0x1;
	[dreg:$0x2] =	wrdreg s2  }
0xa9: {  	[dreg:$0x3] =	wrdreg s4  }
0xaa: {  	[dreg:$0x4] =	wrdreg $0xC0  }
0xab: {  	_ =	task [dreg:s6], $0x5FFFF  }
0xac: {  	[dreg:$0x1] =	wrdreg $0xFFFFFFFF  }
0xad: {  	[dreg:$0x0] =	wrdreg $0x60  }
0xae: {  	[dreg:$0x2] =	wrdreg s24  }
0xaf: {  	[dreg:$0x3] =	wrdreg $0x0  }
0xb0: {  	[dreg:$0x4] =	wrdreg $0xA  }
0xb1: {  	_ =	task.clear_ibuf [dreg:s6], $0x5FFFF;
	_ =	strace $0x90000046  }
0xb2: {  	s29 =	simm.s32 $0xA;
	_ =	strace $0x80000048  }
0xb3: {  	_ =	swait.ge [sflag:s29], $0x1  }
0xb4: {  	[sflag:s29] =	ssyncadd.s32 $0xFFFFFFFF  }
0xb5: {  	_ =	strace $0x90000048  }
0xb6: {  	_ =	sfence  }
0xb7: {  	s30 =	sld [smem:$0x0];
	_ =	sdelay $0x2  }
0xb8: {  	s31 =	sshll.u32 s1, $0xD;
	s1 =	sshrl.u32 s1, $0x2  }
0xb9: {  	s3 =	sand.u32 $0x4000, s31;
	s1 =	sadd.s32 s1, s30  }
0xba: {  	s0 =	sor.u32 s3, s0;
	s1 =	sshll.u32 s1, $0x11  }
0xbb: {  	s0 =	sor.u32 s1, s0  }
0xbc: {  	s0 =	sadd.s32 $0x8F2B, s0  }
0xbd: {  	[sflag:s0] =	ssyncadd.remote.s32 $0x1  }
0xbe: {  	_ =	sfence.sel $0xFFFF  }
0xbf: {  	[dreg:$0x0] =	wrdreg $0xFFFFFFFF;
	(pc) =	sbr.abs _section_cstart, $3  }
0xc0: {  	[dreg:$0x1] =	wrdreg $0xFFFFFFFF  }
0xc1: {  	_ =	task.clear_ibuf [dreg:s6], $0x2FFFF;
	_ =	strace $0x9FFFFFFF  }
0xc2: {  	(tm) =	ssettm $0x7FFFFFFF  }
0xc3: {  	_ =	shalt  }
tec
execute0_lowered:
.L_overlay_start_1:
0x0: {  	(tag) =	ssettag $0x1  }
0x1: {  	s0 =	rddreg [dreg:$0x0]  }
0x2: {  	s1 =	rddreg [dreg:$0x1];
	s2 =	srdreg.scid  }
0x3: {  	s3 =	simm.s32 $0x0;
	s15 =	simm.s32 $0x0;
	s7 =	sand.u32 $0x1, s2  }
0x4: {  	s2 =	stileid.u32;
	s11 =	sadd.s32 $0x126600, s0;
	s4 =	smul.u32 $0x30D40, s7  }
0x5: {  	[smem:$0x7FF] =	sst s3;
	s13 =	sadd.s32 $0x16E900, s1;
	s8 =	smul.u32 $0x18700, s2  }
0x6: {  	_ =	strace $0x80000047;
	s5 =	smul.u32 $0x1860, s2;
	s6 =	ssub.s32 $0x2, s7  }
0x7: {  	p0 =	slt.u32 s2, $0x5;
	s28 =	smul.u32 $0x186A00, s7;
	s29 =	smin.u32 s2, $0x5  }
0x8: {  	s25 =	sshrl.u32 s6, $0x1;
	s30 =	sshll.u32 s29, $0x5;
	s9 =	sadd.s32 s4, s0  }
0x9: {  	s24 =	sshrl.u32 s8, $0x3;
	s10 =	sadd.s32 s5, s0;
	s12 =	ssub.s32 s6, s25  }
0xa: {  	s14 =	sadd.s32 s8, s1;
	s5 =	sadd.s32 $0x123520, s0;
	s6 =	simm.s32 $0xC4  }
0xb: {  	s8 =	sadd.s32 s8, s28;
	s4 =	sadd.s32 s24, s0;
	s6 =	simm.s32 @!p0 $0xC3  }
0xc: {  	s9 =	sadd.s32 $0x62C00, s9;
	s0 =	sshrl.u32 s28, $0x3;
	s8 =	sshrl.u32 s8, $0x3  }
0xd: {  	s31 =	sadd.s32 s30, s10;
	p0 =	seq.s32 s2, $0xF;
	s26 =	sadd.s32 $0xF5800, s4  }
0xe: {  	[dreg:$0x3] =	wrdreg s9;
	s0 =	sadd.s32 s11, s0;
	s7 =	sadd.s32 s11, s8  }
0xf: {  	s9 =	smax.u32 s12, $0x1;
	s10 =	sadd.s32 $0xC4800, s31;
	s11 =	sadd.s32 $0xDD000, s31  }
0x10: {  	s12 =	sshrl.u32 @p0 s13, $0x3;
	s8 =	sadd.s32 $0x2DD20, s0;
	s0 =	sshll.u32 @!p0 s2, $0x6  }
0x11: {  	s14 =	sshrl.u32 @!p0 s14, $0x3;
	[dreg:$0x4] =	wrdreg s26;
	s13 =	sor.u32 @!p0 $0x1C0D, s0  }
.LBB2_1:
0x12: {  	s0 =	simm.s32 @p0 $0x1FCD  }
0x13: {  	[spmem:s12], [sflag:s0] =	dma.local @p0 [hbm:s5], $0x3020  }
0x14: {  	p4 =	sle.u32 s6, $0x0;
	s0 =	simm.s32 @p0 $0xD  }
0x15: {  	s2 =	simm.s32 $0x0;
	p1 =	por $0x1, $0x1;
	_ =	swait.ge @p0 [sflag:s0], $0x3020  }
0x16: {  	p2 =	sle.u32 s6, $0xFFFFFFFF;
	s17 =	simm.s32 $0xFFFFFFFE;
	[sflag:s0] =	ssyncset.done @p0 $0x0  }
0x17: {  	p3 =	sle.s32 @!p1 s6, $0xFFFFFFFE;
	[sflag:s0] =	ssyncadd.s32 @p0 $0xFFFFCFE0;
	s0 =	rddreg [dreg:$0x4]  }
0x18: {  	[spmem:s14], [sflag:s13] =	dma.local @!p0 [hbm:s0], $0x30E0  }
0x19: {  	s16 =	smul.u32 @!p4 $0xAB, s2;
	p1 =	por p3, p1;
	s0 =	simm.s32 @!p0 $0xD  }
0x1a: {  	s26 =	simm.s32 @!p4 $0x0;
	s17 =	sand.u32 @!p1 $0xFF, s17;
	_ =	swait.ge @!p0 [sflag:s0], $0x30E0  }
0x1b: {  	s30 =	simm.s32 @!p2 $0x100;
	s17 =	smul.u32 @!p1 $0xAB, s17;
	[sflag:s0] =	ssyncset.done @!p0 $0x0  }
0x1c: {  	[sflag:s0] =	ssyncadd.s32 @!p0 $0xFFFFCF20;
	s0 =	sshrl.u32 @!p4 s16, $0x9;
	s16 =	simm.s32 $0xFFFFFFFF  }
0x1d: {  	p3 =	por $0x1, $0x1;
	s0 =	sand.u32 @!p4 $0x7F, s0;
	s18 =	smul.u32 @!p2 $0xAB, s16  }
0x1e: {  	p5 =	sle.s32 @!p3 s6, $0xFFFFFFFD;
	s17 =	sshrl.u32 @!p1 s17, $0x9;
	s0 =	smul.u32 @!p4 $0x3, s0  }
0x1f: {  	p3 =	por p5, p3;
	s17 =	smul.u32 @!p1 $0x3, s17;
	s18 =	sshrl.u32 @!p2 s18, $0x9  }
0x20: {  	[bflag:$0x0] =	sbarrier.arrive $0xFFFF;
	s0 =	ssub.s32 @!p4 $0x0, s0;
	s18 =	sand.u32 @!p2 $0x7F, s18  }
0x21: {  	s16 =	simm.s32 $0x1;
	s0 =	sand.u32 @!p4 $0xFF, s0;
	s18 =	smul.u32 @!p2 $0x3, s18  }
0x22: {  	s29 =	ssub.s32 @!p1 $0xFFFFFFFE, s17;
	s19 =	sshll.u32 @!p4 s0, $0x8;
	s20 =	sadd.s32 @!p4 $0x7, s0  }
0x23: {  	s0 =	sor.u32 @!p4 $0x4, s0;
	s21 =	sadd.s32 @!p4 $0x1E9A0, s19;
	s18 =	ssub.s32 @!p2 $0xFFFFFFFF, s18  }
0x24: {  	s24 =	sadd.s32 @!p4 $0x186A0, s19;
	s19 =	simm.s32 $0xFFFFFFFD;
	s28 =	sand.u32 @!p2 $0xFF, s18  }
0x25: {  	[tilespmem:s21], [sflag:s20] =	stream.linear.gather @!p4 [hbm4b:s11+s26], $0x100, $0x38;
	[tilespmem:$0x1ECA0] =	vst v63  }
0x26: {  	s31 =	smulhi.u32 @!p3 $0x55555556, s19;
	s21 =	sand.u32 @!p1 $0xFF, s29;
	s17 =	sshll.u32 @!p2 s28, $0xD  }
0x27: {  	s18 =	sshll.u32 @!p2 s28, $0x8;
	s25 =	sadd.s32 @!p2 $0x1, s28;
	s20 =	sadd.s32 @!p2 $0x7, s28  }
0x28: {  	s28 =	sshll.u32 @!p1 s21, $0xD;
	s22 =	sor.u32 @!p2 $0x189A0, s17;
	s17 =	simm.s32 @!p3 $0xFFFFFFFF  }
0x29: {  	[tilespmem:s24], [sflag:s0] =	stream.linear.gather @!p4 [hbm4b:s10+s26], $0x100, $0x38;
	[tilespmem:$0x1ECA0] =	vst v63  }
0x2a: {  	s23 =	sadd.s32 @!p2 $0x1E9A0, s18;
	s18 =	sadd.s32 $0x20, s11;
	s2 =	smul.u32 @!p3 $0x55555556, s17  }
0x2b: {  	s24 =	sshll.u32 @!p1 s21, $0x8;
	s26 =	sor.u32 @!p1 $0x189A0, s28;
	s28 =	sadd.s32 @!p1 $0x1, s21  }
0x2c: {  	s17 =	sadd.s32 $0x20, s10;
	_ =	swait.ge @!p2 [sflag:s20], $0x100;
	s2 =	sadd.s32 @!p3 s2, s31  }
0x2d: {  	s29 =	sadd.s32 @!p1 $0x186A0, s24;
	[sflag:s20] =	ssyncset.done @!p2 $0x0;
	s31 =	sshrl.u32 @!p3 s2, $0x1F  }
0x2e: {  	s0 =	rddreg [dreg:$0x3];
	[sflag:s20] =	ssyncadd.s32 @!p2 $0xFFFFFF00;
	s31 =	sadd.s32 @!p3 s31, s2  }
.LBB2_2:
0x2f: {  	s2 =	sor.u32 @!p1 $0x4, s21;
	s3 =	sadd.s32 @!p1 $0xA, s21  }
0x30: {  	s24 =	smov.u32 s16;
	s16 =	sadd.s32 $0x1, s16;
	s20 =	smov.u32 s17  }
0x31: {  	[tilespmem:s22], [sflag:s25] =	stream.indirect.gather @!p2 [hbm4b:s0+s30], $0x20, s23, s30, $0xb8;
	[tilespmem:$0x1ECA0] =	vst v63  }
0x32: {  	s21 =	smov.u32 s18;
	s22 =	simm.s32 @!p1 $0x100;
	s17 =	sadd.s32 $0x20, s17  }
0x33: {  	s18 =	sadd.s32 $0x20, s18;
	p5 =	sge.u32 s24, s6;
	_ =	swait.ge @!p1 [sflag:s2], $0x100  }
0x34: {  	p4 =	sne.s32 s16, $0xC7;
	s23 =	sadd.s32 $0xFFFFFFFF, s24;
	[sflag:s2] =	ssyncset.done @!p1 $0x0  }
0x35: {  	s0 =	smul.u32 @!p5 $0xAB, s24;
	p2 =	sge.u32 s23, s6;
	[sflag:s2] =	ssyncadd.s32 @!p1 $0xFFFFFF00  }
0x36: {  	s2 =	smul.u32 @!p3 $0x3, s31;
	s31 =	simm.s32 @!p5 $0x0;
	_ =	swait.ge @!p1 [sflag:s28], $0x2000  }
0x37: {  	s30 =	simm.s32 @!p2 $0x100;
	s0 =	sshrl.u32 @!p5 s0, $0x9;
	[sflag:s28] =	ssyncset.done @!p1 $0x0  }
0x38: {  	s0 =	sand.u32 @!p5 $0x7F, s0;
	s2 =	ssub.s32 @!p3 s19, s2;
	s19 =	smul.u32 @!p2 $0xAB, s23  }
0x39: {  	[sflag:s28] =	ssyncadd.s32 @!p1 $0xFFFFE000;
	s2 =	sadd.s32 @!p3 $0xA, s2;
	s0 =	smul.u32 @!p5 $0x3, s0  }
0x3a: {  	[spmem:s1] =	stream.indirect.scatter.add.f32 @!p1 [tilespmem:s26], [sflag:s3], $0x20, s29, s22, $0xb8;
	[tilespmem:$0x1ECA0] =	vst v63  }
0x3b: {  	p1 =	slt.u32 s24, $0x2;
	s3 =	sadd.s32 $0xFFFFFFFE, s24;
	s19 =	sshrl.u32 @!p2 s19, $0x9  }
0x3c: {  	_ =	swait.ge @!p3 [sflag:s2], $0x2000;
	p6 =	sge.s32 @!p1 s3, s6;
	s0 =	ssub.s32 @!p5 s24, s0  }
0x3d: {  	s19 =	sand.u32 @!p2 $0x7F, s19;
	[sflag:s2] =	ssyncset.done @!p3 $0x0;
	p1 =	por p6, p1  }
0x3e: {  	s0 =	sand.u32 @!p5 $0xFF, s0;
	s19 =	smul.u32 @!p2 $0x3, s19;
	[sflag:s2] =	ssyncadd.s32 @!p3 $0xFFFFE000  }
0x3f: {  	s2 =	sand.u32 @!p1 $0xFF, s3;
	s22 =	sshll.u32 @!p5 s0, $0x8;
	s26 =	sadd.s32 @!p5 $0x7, s0  }
0x40: {  	s0 =	sor.u32 @!p5 $0x4, s0;
	p3 =	slt.u32 s24, $0x3;
	s28 =	sadd.s32 @!p5 $0x1E9A0, s22  }
0x41: {  	s29 =	sadd.s32 @!p5 $0x186A0, s22;
	s22 =	ssub.s32 @!p2 s23, s19;
	s19 =	sadd.s32 $0xFFFFFFFD, s24  }
0x42: {  	s2 =	smul.u32 @!p1 $0xAB, s2;
	s4 =	sand.u32 @!p2 $0xFF, s22;
	p6 =	sge.s32 @!p3 s19, s6  }
0x43: {  	[tilespmem:s28], [sflag:s26] =	stream.linear.gather @!p5 [hbm4b:s21+s31], $0x100, $0x38;
	[tilespmem:$0x1ECA0] =	vst v63  }
0x44: {  	s2 =	sshrl.u32 @!p1 s2, $0x9;
	s23 =	sshll.u32 @!p2 s4, $0x8;
	p3 =	por p6, p3  }
0x45: {  	s25 =	sadd.s32 @!p2 $0x1, s4;
	s2 =	smul.u32 @!p1 $0x3, s2;
	s24 =	sshra.s32 @!p3 s19, $0x1F  }
0x46: {  	[tilespmem:s29], [sflag:s0] =	stream.linear.gather @!p5 [hbm4b:s20+s31], $0x100, $0x38;
	[tilespmem:$0x1ECA0] =	vst v63  }
0x47: {  	s24 =	smul.u32 @!p3 $0x55555556, s24;
	s2 =	ssub.s32 @!p1 s3, s2;
	s3 =	sshll.u32 @!p2 s4, $0xD  }
0x48: {  	s22 =	sor.u32 @!p2 $0x189A0, s3;
	s3 =	smulhi.u32 @!p3 $0x55555556, s19;
	s21 =	sand.u32 @!p1 $0xFF, s2  }
.Ltmp0:
0x49: {  	s23 =	sadd.s32 @!p2 $0x1E9A0, s23;
	s20 =	sshll.u32 @!p1 s21, $0x8;
	(pc) =	sbr.rel @p4 .LBB2_2-.Ltmp0, $4  }
0x4a: {  	s28 =	sadd.s32 @!p1 $0x1, s21;
	s2 =	sadd.s32 @!p3 s24, s3;
	s3 =	sadd.s32 @!p2 $0x7, s4  }
0x4b: {  	s4 =	sshll.u32 @!p1 s21, $0xD;
	s29 =	sadd.s32 @!p1 $0x186A0, s20;
	_ =	swait.ge @!p2 [sflag:s3], $0x100  }
0x4c: {  	s24 =	sshrl.u32 @!p3 s2, $0x1F;
	s26 =	sor.u32 @!p1 $0x189A0, s4;
	[sflag:s3] =	ssyncset.done @!p2 $0x0  }
0x4d: {  	s0 =	rddreg [dreg:$0x3];
	s31 =	sadd.s32 @!p3 s24, s2;
	[sflag:s3] =	ssyncadd.s32 @!p2 $0xFFFFFF00  }
0x4e: {  	s2 =	sor.u32 @!p1 $0x4, s21  }
0x4f: {  	[tilespmem:s22], [sflag:s25] =	stream.indirect.gather @!p2 [hbm4b:s0+s30], $0x20, s23, s30, $0xb8;
	[tilespmem:$0x1ECA0] =	vst v63  }
0x50: {  	_ =	swait.ge @!p1 [sflag:s2], $0x100  }
0x51: {  	[sflag:s2] =	ssyncset.done @!p1 $0x0  }
0x52: {  	s0 =	smul.u32 @!p3 $0x3, s31;
	[sflag:s2] =	ssyncadd.s32 @!p1 $0xFFFFFF00  }
0x53: {  	_ =	swait.ge @!p1 [sflag:s28], $0x2000  }
0x54: {  	s3 =	simm.s32 @!p1 $0x100;
	s0 =	ssub.s32 @!p3 s19, s0;
	[sflag:s28] =	ssyncset.done @!p1 $0x0  }
0x55: {  	s2 =	sadd.s32 @!p1 $0xA, s21;
	s0 =	sadd.s32 @!p3 $0xA, s0;
	[sflag:s28] =	ssyncadd.s32 @!p1 $0xFFFFE000  }
0x56: {  	[spmem:s1] =	stream.indirect.scatter.add.f32 @!p1 [tilespmem:s26], [sflag:s2], $0x20, s29, s3, $0xb8;
	[tilespmem:$0x1ECA0] =	vst v63  }
0x57: {  	_ =	swait.ge @!p3 [sflag:s0], $0x2000  }
0x58: {  	[sflag:s0] =	ssyncset.done @!p3 $0x0  }
0x59: {  	[sflag:s0] =	ssyncadd.s32 @!p3 $0xFFFFE000  }
0x5a: {  	s0 =	simm.s32 @p0 $0x1FCD;
	[bflag:$0x0] =	sbarrier.arrive $0xFFFF  }
0x5b: {  	[hbm:s8], [sflag:s0] =	dma.local @p0 [spmem:s12], $0x3020  }
0x5c: {  	s0 =	simm.s32 @p0 $0xD  }
0x5d: {  	s15 =	sadd.s32 $0x1, s15;
	_ =	swait.ge @p0 [sflag:s0], $0x3020  }
0x5e: {  	p1 =	sne.s32 s15, s9;
	[sflag:s0] =	ssyncset.done @p0 $0x0  }
.Ltmp1:
0x5f: {  	[sflag:s0] =	ssyncadd.s32 @p0 $0xFFFFCFE0;
	s0 =	simm.s32 @!p0 $0xD;
	(pc) =	sbr.rel @p1 .LBB2_1-.Ltmp1, $4  }
0x60: {  	[hbm:s7], [sflag:s13] =	dma.local @!p0 [spmem:s14], $0x30E0  }
0x61: {  	_ =	swait.ge @!p0 [sflag:s0], $0x30E0  }
0x62: {  	[sflag:s0] =	ssyncset.done @!p0 $0x0  }
0x63: {  	[sflag:s0] =	ssyncadd.s32 @!p0 $0xFFFFCF20  }
0x64: {  	_ =	sfence.sel $0x180000  }
0x65: {  	[bflag:$0x0] =	sbarrier.arrive $0xFFFF  }
0x66: {  	_ =	strace $0x90000047  }
0x67: {  	s0 =	stileid.u32;
	[bflag:$0x2] =	sbarrier.arrive $0xFFFF  }
0x68: {  	p0 =	sne.s32 s0, $0x0;
	s0 =	rddreg [dreg:$0x2]  }
0x69: {  	s0 =	sadd.s32 @!p0 $0x100000, s0  }
0x6a: {  	[sflag:s0] =	ssyncadd.tile.s32 @!p0 $0x1;
	_ =	shalt  }
.Lfunc_end2:
_tile_overlayer_lowered:
.L_overlay_start_2:
0x6b: {  	(tag) =	ssettag $0x2  }
0x6c: {  	s0 =	rddreg [dreg:$0x0];
	s2 =	stileid.u32  }
0x6d: {  	s1 =	rddreg [dreg:$0x1];
	p0 =	sne.s32 s2, $0x0  }
0x6e: {  	s3 =	rddreg [dreg:$0x2];
	[bflag:$0x3] =	sbarrier.arrive $0xFFFF;
	s2 =	simm.s32 @!p0 $0x1C0D  }
0x6f: {  	[timem:s3], [sflag:s2] =	dma.local @!p0 [hbm:s0], s1  }
0x70: {  	s0 =	simm.s32 @!p0 $0xD  }
0x71: {  	_ =	swait.ge @!p0 [sflag:s0], s1  }
0x72: {  	s1 =	ssub.s32 @!p0 $0x0, s1;
	[sflag:s0] =	ssyncset.done @!p0 $0x0  }
0x73: {  	[sflag:s0] =	ssyncadd.s32 @!p0 s1  }
0x74: {  	[bflag:$0x3] =	sbarrier.arrive $0xFFFF  }
0x75: {  	_ =	shalt  }

// kernel: kernel.15.cloned.1.call-start
scs
__scs_entry_jumppad:
0x0: {  	(pc) =	sbr.rel $0x88, $3  }
0x1: {  	(tag) =	ssettag $0x0;
	lr =	simm.s32 $0x1  }
0x2: {  	[smem:$0x3F90] =	sst lr;
	_ =	strace $0xD0000000  }
0x3: {  	_ = 	snop  }
0x4: {  	_ = 	snop  }
0x5: {  	_ = 	snop  }
0x6: {  	_ = 	snop  }
0x7: {  	_ = 	snop  }
__scs_overlays_trampoline_lowered:
0x8: {  	[smem:$0x3F9F] =	sst s0  }
0x9: {  	[smem:$0x3FA0] =	sst s1  }
0xa: {  	[smem:$0x3FA1] =	sst s2  }
0xb: {  	[smem:$0x3FA2] =	sst s3  }
0xc: {  	[smem:$0x3FA3] =	sst s4  }
0xd: {  	[smem:$0x3FA4] =	sst s5  }
0xe: {  	[smem:$0x3FA5] =	sst s6  }
0xf: {  	[smem:$0x3FA6] =	sst s7  }
0x10: {  	[smem:$0x3FA7] =	sst s8  }
0x11: {  	[smem:$0x3FA8] =	sst s9;
	s0 =	simm.s32 @!p0 $0x0  }
0x12: {  	s1 =	sld [smem:$0x3F8E];
	s0 =	simm.s32 @p0 $0x1  }
0x13: {  	[smem:$0x3FA9] =	sst s0;
	s0 =	simm.s32 @!p1 $0x0  }
0x14: {  	s2 =	sld [smem:$0x3F8D];
	s0 =	simm.s32 @p1 $0x1  }
0x15: {  	[smem:$0x3FAA] =	sst s0;
	s0 =	simm.s32 @!p2 $0x0  }
0x16: {  	s3 =	sld [smem:$0x3FDB];
	s0 =	simm.s32 @p2 $0x1  }
0x17: {  	s4 =	simm.s32 $0x1BF5;
	[smem:$0x3FAC] =	sst s0  }
0x18: {  	s0 =	sld [smem:$0x3F8F];
	_ =	swait.ge [sflag:s4], $0x0  }
0x19: {  	s7 =	sld [smem:$0x3F90]  }
0x1a: {  	s8 =	sadd.s32 $0xFFFFE003, lr  }
0x1b: {  	s9 =	sadd.s32 $0xFFFFFEF7, lr;
	s5 =	simm.s32 $0xFFFFFFFF;
	p2 =	slt.u32 s8, $0xFFFFF086  }
0x1c: {  	p1 =	slt.u32 s9, $0xF7A;
	s5 =	simm.s32 @!p2 $0x0  }
0x1d: {  	s5 =	simm.s32 @p1 $0x1;
	p0 =	seq.s32 s7, s2  }
0x1e: {  	s7 =	smul.u32 @!p0 $0xF7A, s2;
	p2 =	seq.s32 @!p0 s5, $0x0  }
0x1f: {  	s9 =	smul.u32 $0xF7A, s1;
	s8 =	simm.s32 @!p0 $0x1BF5;
	p2 =	por !p2, p0  }
0x20: {  	[sflag:s8] =	ssyncset.s32 @!p0 $0xFFFFF086;
	s6 =	sadd.s32 @!p0 s3, s7;
	s7 =	simm.s32 @!p0 $0x108  }
0x21: {  	s3 =	sadd.s32 s3, s9;
	s6 =	sadd.s32 @!p0 $0x88, s6;
	s7 =	simm.s32 @p2 $0x1082  }
0x22: {  	[simem:s7], [sflag:s8] =	dma.local @!p0 [hbm:s6], $0xF7A  }
0x23: {  	s9 =	sor.u32 $0xD0000000, s2;
	s6 =	simm.s32 $0x108;
	_ =	swait.ge @!p0 [sflag:s8], $0x0  }
0x24: {  	s3 =	sadd.s32 $0x88, s3;
	s6 =	simm.s32 @!p1 $0x1082;
	[sflag:s4] =	ssyncset.s32 $0xFFFFF086  }
0x25: {  	[simem:s6], [sflag:s4] =	dma.local [hbm:s3], $0xF7A  }
0x26: {  	[smem:$0x3F90] =	sst s1;
	(tag) =	ssettag s2;
	_ =	strace s9  }
0x27: {  	s1 =	sld [smem:$0x3FA0]  }
0x28: {  	s2 =	sld [smem:$0x3FA1]  }
0x29: {  	s4 =	sld [smem:$0x3FA3]  }
0x2a: {  	p0 =	seq.s32 s5, $0x0;
	s5 =	sld [smem:$0x3FA4]  }
0x2b: {  	s6 =	sld [smem:$0x3FA5]  }
0x2c: {  	s7 =	sld [smem:$0x3FA6]  }
0x2d: {  	s3 =	simm.s32 $0x108;
	s8 =	sld [smem:$0x3FA7]  }
0x2e: {  	s3 =	simm.s32 @!p0 $0x1082;
	s9 =	sld [smem:$0x3FA8]  }
0x2f: {  	lr =	sadd.s32 s0, s3;
	s0 =	sld [smem:$0x3F9F]  }
0x30: {  	s3 =	sld [smem:$0x3FA2]  }
0x31: {  	[smem:$0x3FAB] =	sst s10  }
0x32: {  	s10 =	sld [smem:$0x3FA9];
	_ =	sdelay $0x3  }
0x33: {  	p0 =	seq.s32 s10, $0x1;
	s10 =	sld [smem:$0x3FAB];
	_ =	sdelay $0x3  }
0x34: {  	[smem:$0x3FAB] =	sst s10  }
0x35: {  	s10 =	sld [smem:$0x3FAA];
	_ =	sdelay $0x3  }
0x36: {  	p1 =	seq.s32 s10, $0x1;
	s10 =	sld [smem:$0x3FAB];
	_ =	sdelay $0x3  }
0x37: {  	[smem:$0x3FAB] =	sst s10  }
0x38: {  	s10 =	sld [smem:$0x3FAC]  }
0x39: {  	_ = 	snop;
	(pc) =	sbr.ind lr, $3  }
0x3a: {  	_ = 	snop  }
0x3b: {  	_ = 	snop  }
0x3c: {  	p2 =	seq.s32 s10, $0x1;
	s10 =	sld [smem:$0x3FAB]  }
0x3d: {  	_ =	shalt  }
0x3e: {  	_ =	shalt  }
0x3f: {  	_ =	shalt  }
0x40: {  	_ =	shalt  }
0x41: {  	_ =	shalt  }
0x42: {  	_ =	shalt  }
0x43: {  	_ =	shalt  }
0x44: {  	_ =	shalt  }
0x45: {  	_ =	shalt  }
0x46: {  	_ =	shalt  }
0x47: {  	_ =	shalt  }
0x48: {  	_ =	shalt  }
0x49: {  	_ =	shalt  }
0x4a: {  	_ =	shalt  }
0x4b: {  	_ =	shalt  }
0x4c: {  	_ =	shalt  }
0x4d: {  	_ =	shalt  }
0x4e: {  	_ =	shalt  }
0x4f: {  	_ =	shalt  }
0x50: {  	_ =	shalt  }
0x51: {  	_ =	shalt  }
0x52: {  	_ =	shalt  }
0x53: {  	_ =	shalt  }
0x54: {  	_ =	shalt  }
0x55: {  	_ =	shalt  }
0x56: {  	_ =	shalt  }
0x57: {  	_ =	shalt  }
0x58: {  	_ =	shalt  }
0x59: {  	_ =	shalt  }
0x5a: {  	_ =	shalt  }
0x5b: {  	_ =	shalt  }
0x5c: {  	_ =	shalt  }
0x5d: {  	_ =	shalt  }
0x5e: {  	_ =	shalt  }
0x5f: {  	_ =	shalt  }
0x60: {  	_ =	shalt  }
0x61: {  	_ =	shalt  }
0x62: {  	_ =	shalt  }
0x63: {  	_ =	shalt  }
0x64: {  	_ =	shalt  }
0x65: {  	_ =	shalt  }
0x66: {  	_ =	shalt  }
0x67: {  	_ =	shalt  }
0x68: {  	_ =	shalt  }
0x69: {  	_ =	shalt  }
0x6a: {  	_ =	shalt  }
0x6b: {  	_ =	shalt  }
0x6c: {  	_ =	shalt  }
0x6d: {  	_ =	shalt  }
0x6e: {  	_ =	shalt  }
0x6f: {  	_ =	shalt  }
0x70: {  	_ =	shalt  }
0x71: {  	_ =	shalt  }
0x72: {  	_ =	shalt  }
0x73: {  	_ =	shalt  }
0x74: {  	_ =	shalt  }
0x75: {  	_ =	shalt  }
0x76: {  	_ =	shalt  }
0x77: {  	_ =	shalt  }
0x78: {  	_ =	shalt  }
0x79: {  	_ =	shalt  }
0x7a: {  	_ =	shalt  }
0x7b: {  	_ =	shalt  }
0x7c: {  	_ =	shalt  }
0x7d: {  	_ =	shalt  }
0x7e: {  	_ =	shalt  }
0x7f: {  	_ =	shalt  }
0x80: {  	_ =	shalt  }
0x81: {  	_ =	shalt  }
0x82: {  	_ =	shalt  }
0x83: {  	_ =	shalt  }
0x84: {  	_ =	shalt  }
0x85: {  	_ =	shalt  }
0x86: {  	_ =	shalt  }
0x87: {  	_ =	shalt  }
.Lfunc_end0:
.L_simem_size_0:
called_computation.2_lowered:
.L_overlay_start_0:
0x88: {  	s2 =	sld [smem:$0x3FD9]  }
0x89: {  	s3 =	sld [smem:$0x3FFE];
	_ =	sdelay $0x1  }
0x8a: {  	s1 =	srdreg.scid  }
0x8b: {  	s0 =	sand.u32 $0x1, s1  }
0x8c: {  	s16 =	sshll.u32 s0, $0xA;
	s2 =	sadd.s32 s3, s2  }
0x8d: {  	s2 =	sadd.s32 s2, s16  }
0x8e: {  	[smem:$0x3FB7] =	sst s2  }
0x8f: {  	_ = 	snop  }
0x90: {  	(tm) =	ssettm $0x1  }
0x91: {  	s17 =	sld [smem:$0x3FFB];
	_ =	sdelay $0x3  }
0x92: {  	_ =	strace s17  }
0x93: {  	s2 =	sld [smem:$0x3FFC];
	_ =	sdelay $0x3  }
0x94: {  	_ =	strace s2  }
0x95: {  	s2 =	sld [smem:$0x3FFD];
	_ =	sdelay $0x3  }
0x96: {  	_ =	strace s2  }
0x97: {  	_ =	strace $0x8FFFFFFF  }
0x98: {  	s18 =	sld [smem:$0x3FDB];
	_ =	sdelay $0x1  }
0x99: {  	s19 =	simm.s32 $_scs_section_size  }
0x9a: {  	s4 =	simm.s32 $_size__tile_overlayer_lowered;
	s5 =	simm.s32 $_tile_overlayer_lowered  }
0x9b: {  	s22 =	simm.s32 $0x1BFF;
	s21 =	sshll.u32 s5, $0x1;
	s2 =	sadd.s32 s19, s18  }
0x9c: {  	s6 =	simm.s32 $0x0;
	s20 =	sshll.u32 s4, $0x1;
	s4 =	sadd.s32 s21, s2  }
0x9d: {  	[timem:s6], [sflag:s22] =	dma.local [hbm:s4], s20  }
0x9e: {  	_ =	swait.ge [sflag:s22], s20  }
0x9f: {  	s3 =	ssub.s32 $0x0, s20;
	[sflag:s22] =	ssyncset.done $0x0  }
0xa0: {  	[sflag:s22] =	ssyncadd.s32 s3;
	_ =	sdelay $0x1  }
0xa1: {  	s23 =	simm.s32 $0x1B8B  }
0xa2: {  	_ =	swait.ge [sflag:s23], $0x1  }
0xa3: {  	[sflag:s23] =	ssyncset.done $0x0  }
0xa4: {  	s25 =	simm.s32 $0x1B8E;
	s24 =	sld [smem:$0x3FFE];
	[sflag:s23] =	ssyncadd.s32 $0xFFFFFFFF  }
0xa5: {  	s26 =	simm.s32 $execute0_lowered;
	[smem:$0x3FD2] =	sst s25  }
0xa6: {  	s4 =	sshll.u32 s26, $0x1;
	_ =	strace $0x8000004C;
	[dreg:$0x1] =	wrdreg $0xFFFFFFFF  }
0xa7: {  	s28 =	simm.s32 $_size_execute0_lowered;
	s2 =	sadd.s32 s2, s4;
	[dreg:$0x0] =	wrdreg $0x0  }
0xa8: {  	s4 =	sshll.u32 s28, $0x1;
	[dreg:$0x2] =	wrdreg s2  }
0xa9: {  	[dreg:$0x3] =	wrdreg s4  }
0xaa: {  	[dreg:$0x4] =	wrdreg $0xC0  }
0xab: {  	_ =	task [dreg:s6], $0x5FFFF  }
0xac: {  	[dreg:$0x1] =	wrdreg $0xFFFFFFFF  }
0xad: {  	[dreg:$0x0] =	wrdreg $0x60  }
0xae: {  	[dreg:$0x2] =	wrdreg s24  }
0xaf: {  	[dreg:$0x3] =	wrdreg $0x0  }
0xb0: {  	[dreg:$0x4] =	wrdreg $0x9  }
0xb1: {  	_ =	task.clear_ibuf [dreg:s6], $0x5FFFF;
	_ =	strace $0x9000004C  }
0xb2: {  	s29 =	simm.s32 $0x9;
	_ =	strace $0x8000004E  }
0xb3: {  	_ =	swait.ge [sflag:s29], $0x1  }
0xb4: {  	[sflag:s29] =	ssyncadd.s32 $0xFFFFFFFF  }
0xb5: {  	_ =	strace $0x9000004E  }
0xb6: {  	_ =	sfence  }
0xb7: {  	s30 =	sld [smem:$0x0];
	_ =	sdelay $0x2  }
0xb8: {  	s31 =	sshll.u32 s1, $0xD;
	s1 =	sshrl.u32 s1, $0x2  }
0xb9: {  	s3 =	sand.u32 $0x4000, s31;
	s1 =	sadd.s32 s1, s30  }
0xba: {  	s0 =	sor.u32 s3, s0;
	s1 =	sshll.u32 s1, $0x11  }
0xbb: {  	s0 =	sor.u32 s1, s0  }
0xbc: {  	s0 =	sadd.s32 $0x8F2B, s0  }
0xbd: {  	[sflag:s0] =	ssyncadd.remote.s32 $0x1  }
0xbe: {  	_ =	sfence.sel $0xFFFF  }
0xbf: {  	[dreg:$0x0] =	wrdreg $0xFFFFFFFF;
	(pc) =	sbr.abs _section_cstart, $3  }
0xc0: {  	[dreg:$0x1] =	wrdreg $0xFFFFFFFF  }
0xc1: {  	_ =	task.clear_ibuf [dreg:s6], $0x2FFFF;
	_ =	strace $0x9FFFFFFF  }
0xc2: {  	(tm) =	ssettm $0x7FFFFFFF  }
0xc3: {  	_ =	shalt  }
tec
execute0_lowered:
.L_overlay_start_1:
0x0: {  	(tag) =	ssettag $0x1  }
0x1: {  	s0 =	rddreg [dreg:$0x0]  }
0x2: {  	s1 =	rddreg [dreg:$0x1];
	s2 =	srdreg.scid  }
0x3: {  	s3 =	simm.s32 $0x0;
	s15 =	simm.s32 $0x0;
	s7 =	sand.u32 $0x1, s2  }
0x4: {  	s2 =	stileid.u32;
	s11 =	sadd.s32 $0x126600, s0;
	s4 =	smul.u32 $0x30D40, s7  }
0x5: {  	[smem:$0x7FF] =	sst s3;
	s13 =	sadd.s32 $0x16E900, s1;
	s8 =	smul.u32 $0x18700, s2  }
0x6: {  	_ =	strace $0x8000004D;
	s5 =	smul.u32 $0x1860, s2;
	s6 =	ssub.s32 $0x2, s7  }
0x7: {  	p0 =	slt.u32 s2, $0x5;
	s28 =	smul.u32 $0x186A00, s7;
	s29 =	smin.u32 s2, $0x5  }
0x8: {  	s25 =	sshrl.u32 s6, $0x1;
	s30 =	sshll.u32 s29, $0x5;
	s9 =	sadd.s32 s4, s0  }
0x9: {  	s24 =	sshrl.u32 s8, $0x3;
	s10 =	sadd.s32 s5, s0;
	s12 =	ssub.s32 s6, s25  }
0xa: {  	s14 =	sadd.s32 s8, s1;
	s5 =	sadd.s32 $0x123520, s0;
	s6 =	simm.s32 $0xC4  }
0xb: {  	s8 =	sadd.s32 s8, s28;
	s4 =	sadd.s32 s24, s0;
	s6 =	simm.s32 @!p0 $0xC3  }
0xc: {  	s9 =	sadd.s32 $0x62C00, s9;
	s0 =	sshrl.u32 s28, $0x3;
	s8 =	sshrl.u32 s8, $0x3  }
0xd: {  	s31 =	sadd.s32 s30, s10;
	p0 =	seq.s32 s2, $0xF;
	s26 =	sadd.s32 $0xF5800, s4  }
0xe: {  	[dreg:$0x3] =	wrdreg s9;
	s0 =	sadd.s32 s11, s0;
	s7 =	sadd.s32 s11, s8  }
0xf: {  	s9 =	smax.u32 s12, $0x1;
	s10 =	sadd.s32 $0xC4800, s31;
	s11 =	sadd.s32 $0xDD000, s31  }
0x10: {  	s12 =	sshrl.u32 @p0 s13, $0x3;
	s8 =	sadd.s32 $0x2DD20, s0;
	s0 =	sshll.u32 @!p0 s2, $0x6  }
0x11: {  	s14 =	sshrl.u32 @!p0 s14, $0x3;
	[dreg:$0x4] =	wrdreg s26;
	s13 =	sor.u32 @!p0 $0x1C0D, s0  }
.LBB2_1:
0x12: {  	s0 =	simm.s32 @p0 $0x1FCD  }
0x13: {  	[spmem:s12], [sflag:s0] =	dma.local @p0 [hbm:s5], $0x3020  }
0x14: {  	p4 =	sle.u32 s6, $0x0;
	s0 =	simm.s32 @p0 $0xD  }
0x15: {  	s2 =	simm.s32 $0x0;
	p1 =	por $0x1, $0x1;
	_ =	swait.ge @p0 [sflag:s0], $0x3020  }
0x16: {  	p2 =	sle.u32 s6, $0xFFFFFFFF;
	s17 =	simm.s32 $0xFFFFFFFE;
	[sflag:s0] =	ssyncset.done @p0 $0x0  }
0x17: {  	p3 =	sle.s32 @!p1 s6, $0xFFFFFFFE;
	[sflag:s0] =	ssyncadd.s32 @p0 $0xFFFFCFE0;
	s0 =	rddreg [dreg:$0x4]  }
0x18: {  	[spmem:s14], [sflag:s13] =	dma.local @!p0 [hbm:s0], $0x30E0  }
0x19: {  	s16 =	smul.u32 @!p4 $0xAB, s2;
	p1 =	por p3, p1;
	s0 =	simm.s32 @!p0 $0xD  }
0x1a: {  	s26 =	simm.s32 @!p4 $0x0;
	s17 =	sand.u32 @!p1 $0xFF, s17;
	_ =	swait.ge @!p0 [sflag:s0], $0x30E0  }
0x1b: {  	s30 =	simm.s32 @!p2 $0x100;
	s17 =	smul.u32 @!p1 $0xAB, s17;
	[sflag:s0] =	ssyncset.done @!p0 $0x0  }
0x1c: {  	[sflag:s0] =	ssyncadd.s32 @!p0 $0xFFFFCF20;
	s0 =	sshrl.u32 @!p4 s16, $0x9;
	s16 =	simm.s32 $0xFFFFFFFF  }
0x1d: {  	p3 =	por $0x1, $0x1;
	s0 =	sand.u32 @!p4 $0x7F, s0;
	s18 =	smul.u32 @!p2 $0xAB, s16  }
0x1e: {  	p5 =	sle.s32 @!p3 s6, $0xFFFFFFFD;
	s17 =	sshrl.u32 @!p1 s17, $0x9;
	s0 =	smul.u32 @!p4 $0x3, s0  }
0x1f: {  	p3 =	por p5, p3;
	s17 =	smul.u32 @!p1 $0x3, s17;
	s18 =	sshrl.u32 @!p2 s18, $0x9  }
0x20: {  	[bflag:$0x0] =	sbarrier.arrive $0xFFFF;
	s0 =	ssub.s32 @!p4 $0x0, s0;
	s18 =	sand.u32 @!p2 $0x7F, s18  }
0x21: {  	s16 =	simm.s32 $0x1;
	s0 =	sand.u32 @!p4 $0xFF, s0;
	s18 =	smul.u32 @!p2 $0x3, s18  }
0x22: {  	s29 =	ssub.s32 @!p1 $0xFFFFFFFE, s17;
	s19 =	sshll.u32 @!p4 s0, $0x8;
	s20 =	sadd.s32 @!p4 $0x7, s0  }
0x23: {  	s0 =	sor.u32 @!p4 $0x4, s0;
	s21 =	sadd.s32 @!p4 $0x1E9A0, s19;
	s18 =	ssub.s32 @!p2 $0xFFFFFFFF, s18  }
0x24: {  	s24 =	sadd.s32 @!p4 $0x186A0, s19;
	s19 =	simm.s32 $0xFFFFFFFD;
	s28 =	sand.u32 @!p2 $0xFF, s18  }
0x25: {  	[tilespmem:s21], [sflag:s20] =	stream.linear.gather @!p4 [hbm4b:s11+s26], $0x100, $0x38;
	[tilespmem:$0x1ECA0] =	vst v63  }
0x26: {  	s31 =	smulhi.u32 @!p3 $0x55555556, s19;
	s21 =	sand.u32 @!p1 $0xFF, s29;
	s17 =	sshll.u32 @!p2 s28, $0xD  }
0x27: {  	s18 =	sshll.u32 @!p2 s28, $0x8;
	s25 =	sadd.s32 @!p2 $0x1, s28;
	s20 =	sadd.s32 @!p2 $0x7, s28  }
0x28: {  	s28 =	sshll.u32 @!p1 s21, $0xD;
	s22 =	sor.u32 @!p2 $0x189A0, s17;
	s17 =	simm.s32 @!p3 $0xFFFFFFFF  }
0x29: {  	[tilespmem:s24], [sflag:s0] =	stream.linear.gather @!p4 [hbm4b:s10+s26], $0x100, $0x38;
	[tilespmem:$0x1ECA0] =	vst v63  }
0x2a: {  	s23 =	sadd.s32 @!p2 $0x1E9A0, s18;
	s18 =	sadd.s32 $0x20, s11;
	s2 =	smul.u32 @!p3 $0x55555556, s17  }
0x2b: {  	s24 =	sshll.u32 @!p1 s21, $0x8;
	s26 =	sor.u32 @!p1 $0x189A0, s28;
	s28 =	sadd.s32 @!p1 $0x1, s21  }
0x2c: {  	s17 =	sadd.s32 $0x20, s10;
	_ =	swait.ge @!p2 [sflag:s20], $0x100;
	s2 =	sadd.s32 @!p3 s2, s31  }
0x2d: {  	s29 =	sadd.s32 @!p1 $0x186A0, s24;
	[sflag:s20] =	ssyncset.done @!p2 $0x0;
	s31 =	sshrl.u32 @!p3 s2, $0x1F  }
0x2e: {  	s0 =	rddreg [dreg:$0x3];
	[sflag:s20] =	ssyncadd.s32 @!p2 $0xFFFFFF00;
	s31 =	sadd.s32 @!p3 s31, s2  }
.LBB2_2:
0x2f: {  	s2 =	sor.u32 @!p1 $0x4, s21;
	s3 =	sadd.s32 @!p1 $0xA, s21  }
0x30: {  	s24 =	smov.u32 s16;
	s16 =	sadd.s32 $0x1, s16;
	s20 =	smov.u32 s17  }
0x31: {  	[tilespmem:s22], [sflag:s25] =	stream.indirect.gather @!p2 [hbm4b:s0+s30], $0x20, s23, s30, $0xb8;
	[tilespmem:$0x1ECA0] =	vst v63  }
0x32: {  	s21 =	smov.u32 s18;
	s22 =	simm.s32 @!p1 $0x100;
	s17 =	sadd.s32 $0x20, s17  }
0x33: {  	s18 =	sadd.s32 $0x20, s18;
	p5 =	sge.u32 s24, s6;
	_ =	swait.ge @!p1 [sflag:s2], $0x100  }
0x34: {  	p4 =	sne.s32 s16, $0xC7;
	s23 =	sadd.s32 $0xFFFFFFFF, s24;
	[sflag:s2] =	ssyncset.done @!p1 $0x0  }
0x35: {  	s0 =	smul.u32 @!p5 $0xAB, s24;
	p2 =	sge.u32 s23, s6;
	[sflag:s2] =	ssyncadd.s32 @!p1 $0xFFFFFF00  }
0x36: {  	s2 =	smul.u32 @!p3 $0x3, s31;
	s31 =	simm.s32 @!p5 $0x0;
	_ =	swait.ge @!p1 [sflag:s28], $0x2000  }
0x37: {  	s30 =	simm.s32 @!p2 $0x100;
	s0 =	sshrl.u32 @!p5 s0, $0x9;
	[sflag:s28] =	ssyncset.done @!p1 $0x0  }
0x38: {  	s0 =	sand.u32 @!p5 $0x7F, s0;
	s2 =	ssub.s32 @!p3 s19, s2;
	s19 =	smul.u32 @!p2 $0xAB, s23  }
0x39: {  	[sflag:s28] =	ssyncadd.s32 @!p1 $0xFFFFE000;
	s2 =	sadd.s32 @!p3 $0xA, s2;
	s0 =	smul.u32 @!p5 $0x3, s0  }
0x3a: {  	[spmem:s1] =	stream.indirect.scatter.add.f32 @!p1 [tilespmem:s26], [sflag:s3], $0x20, s29, s22, $0xb8;
	[tilespmem:$0x1ECA0] =	vst v63  }
0x3b: {  	p1 =	slt.u32 s24, $0x2;
	s3 =	sadd.s32 $0xFFFFFFFE, s24;
	s19 =	sshrl.u32 @!p2 s19, $0x9  }
0x3c: {  	_ =	swait.ge @!p3 [sflag:s2], $0x2000;
	p6 =	sge.s32 @!p1 s3, s6;
	s0 =	ssub.s32 @!p5 s24, s0  }
0x3d: {  	s19 =	sand.u32 @!p2 $0x7F, s19;
	[sflag:s2] =	ssyncset.done @!p3 $0x0;
	p1 =	por p6, p1  }
0x3e: {  	s0 =	sand.u32 @!p5 $0xFF, s0;
	s19 =	smul.u32 @!p2 $0x3, s19;
	[sflag:s2] =	ssyncadd.s32 @!p3 $0xFFFFE000  }
0x3f: {  	s2 =	sand.u32 @!p1 $0xFF, s3;
	s22 =	sshll.u32 @!p5 s0, $0x8;
	s26 =	sadd.s32 @!p5 $0x7, s0  }
0x40: {  	s0 =	sor.u32 @!p5 $0x4, s0;
	p3 =	slt.u32 s24, $0x3;
	s28 =	sadd.s32 @!p5 $0x1E9A0, s22  }
0x41: {  	s29 =	sadd.s32 @!p5 $0x186A0, s22;
	s22 =	ssub.s32 @!p2 s23, s19;
	s19 =	sadd.s32 $0xFFFFFFFD, s24  }
0x42: {  	s2 =	smul.u32 @!p1 $0xAB, s2;
	s4 =	sand.u32 @!p2 $0xFF, s22;
	p6 =	sge.s32 @!p3 s19, s6  }
0x43: {  	[tilespmem:s28], [sflag:s26] =	stream.linear.gather @!p5 [hbm4b:s21+s31], $0x100, $0x38;
	[tilespmem:$0x1ECA0] =	vst v63  }
0x44: {  	s2 =	sshrl.u32 @!p1 s2, $0x9;
	s23 =	sshll.u32 @!p2 s4, $0x8;
	p3 =	por p6, p3  }
0x45: {  	s25 =	sadd.s32 @!p2 $0x1, s4;
	s2 =	smul.u32 @!p1 $0x3, s2;
	s24 =	sshra.s32 @!p3 s19, $0x1F  }
0x46: {  	[tilespmem:s29], [sflag:s0] =	stream.linear.gather @!p5 [hbm4b:s20+s31], $0x100, $0x38;
	[tilespmem:$0x1ECA0] =	vst v63  }
0x47: {  	s24 =	smul.u32 @!p3 $0x55555556, s24;
	s2 =	ssub.s32 @!p1 s3, s2;
	s3 =	sshll.u32 @!p2 s4, $0xD  }
0x48: {  	s22 =	sor.u32 @!p2 $0x189A0, s3;
	s3 =	smulhi.u32 @!p3 $0x55555556, s19;
	s21 =	sand.u32 @!p1 $0xFF, s2  }
.Ltmp0:
0x49: {  	s23 =	sadd.s32 @!p2 $0x1E9A0, s23;
	s20 =	sshll.u32 @!p1 s21, $0x8;
	(pc) =	sbr.rel @p4 .LBB2_2-.Ltmp0, $4  }
0x4a: {  	s28 =	sadd.s32 @!p1 $0x1, s21;
	s2 =	sadd.s32 @!p3 s24, s3;
	s3 =	sadd.s32 @!p2 $0x7, s4  }
0x4b: {  	s4 =	sshll.u32 @!p1 s21, $0xD;
	s29 =	sadd.s32 @!p1 $0x186A0, s20;
	_ =	swait.ge @!p2 [sflag:s3], $0x100  }
0x4c: {  	s24 =	sshrl.u32 @!p3 s2, $0x1F;
	s26 =	sor.u32 @!p1 $0x189A0, s4;
	[sflag:s3] =	ssyncset.done @!p2 $0x0  }
0x4d: {  	s0 =	rddreg [dreg:$0x3];
	s31 =	sadd.s32 @!p3 s24, s2;
	[sflag:s3] =	ssyncadd.s32 @!p2 $0xFFFFFF00  }
0x4e: {  	s2 =	sor.u32 @!p1 $0x4, s21  }
0x4f: {  	[tilespmem:s22], [sflag:s25] =	stream.indirect.gather @!p2 [hbm4b:s0+s30], $0x20, s23, s30, $0xb8;
	[tilespmem:$0x1ECA0] =	vst v63  }
0x50: {  	_ =	swait.ge @!p1 [sflag:s2], $0x100  }
0x51: {  	[sflag:s2] =	ssyncset.done @!p1 $0x0  }
0x52: {  	s0 =	smul.u32 @!p3 $0x3, s31;
	[sflag:s2] =	ssyncadd.s32 @!p1 $0xFFFFFF00  }
0x53: {  	_ =	swait.ge @!p1 [sflag:s28], $0x2000  }
0x54: {  	s3 =	simm.s32 @!p1 $0x100;
	s0 =	ssub.s32 @!p3 s19, s0;
	[sflag:s28] =	ssyncset.done @!p1 $0x0  }
0x55: {  	s2 =	sadd.s32 @!p1 $0xA, s21;
	s0 =	sadd.s32 @!p3 $0xA, s0;
	[sflag:s28] =	ssyncadd.s32 @!p1 $0xFFFFE000  }
0x56: {  	[spmem:s1] =	stream.indirect.scatter.add.f32 @!p1 [tilespmem:s26], [sflag:s2], $0x20, s29, s3, $0xb8;
	[tilespmem:$0x1ECA0] =	vst v63  }
0x57: {  	_ =	swait.ge @!p3 [sflag:s0], $0x2000  }
0x58: {  	[sflag:s0] =	ssyncset.done @!p3 $0x0  }
0x59: {  	[sflag:s0] =	ssyncadd.s32 @!p3 $0xFFFFE000  }
0x5a: {  	s0 =	simm.s32 @p0 $0x1FCD;
	[bflag:$0x0] =	sbarrier.arrive $0xFFFF  }
0x5b: {  	[hbm:s8], [sflag:s0] =	dma.local @p0 [spmem:s12], $0x3020  }
0x5c: {  	s0 =	simm.s32 @p0 $0xD  }
0x5d: {  	s15 =	sadd.s32 $0x1, s15;
	_ =	swait.ge @p0 [sflag:s0], $0x3020  }
0x5e: {  	p1 =	sne.s32 s15, s9;
	[sflag:s0] =	ssyncset.done @p0 $0x0  }
.Ltmp1:
0x5f: {  	[sflag:s0] =	ssyncadd.s32 @p0 $0xFFFFCFE0;
	s0 =	simm.s32 @!p0 $0xD;
	(pc) =	sbr.rel @p1 .LBB2_1-.Ltmp1, $4  }
0x60: {  	[hbm:s7], [sflag:s13] =	dma.local @!p0 [spmem:s14], $0x30E0  }
0x61: {  	_ =	swait.ge @!p0 [sflag:s0], $0x30E0  }
0x62: {  	[sflag:s0] =	ssyncset.done @!p0 $0x0  }
0x63: {  	[sflag:s0] =	ssyncadd.s32 @!p0 $0xFFFFCF20  }
0x64: {  	_ =	sfence.sel $0x180000  }
0x65: {  	[bflag:$0x0] =	sbarrier.arrive $0xFFFF  }
0x66: {  	_ =	strace $0x9000004D  }
0x67: {  	s0 =	stileid.u32;
	[bflag:$0x2] =	sbarrier.arrive $0xFFFF  }
0x68: {  	p0 =	sne.s32 s0, $0x0;
	s0 =	rddreg [dreg:$0x2]  }
0x69: {  	s0 =	sadd.s32 @!p0 $0x100000, s0  }
0x6a: {  	[sflag:s0] =	ssyncadd.tile.s32 @!p0 $0x1;
	_ =	shalt  }
.Lfunc_end2:
_tile_overlayer_lowered:
.L_overlay_start_2:
0x6b: {  	(tag) =	ssettag $0x2  }
0x6c: {  	s0 =	rddreg [dreg:$0x0];
	s2 =	stileid.u32  }
0x6d: {  	s1 =	rddreg [dreg:$0x1];
	p0 =	sne.s32 s2, $0x0  }
0x6e: {  	s3 =	rddreg [dreg:$0x2];
	[bflag:$0x3] =	sbarrier.arrive $0xFFFF;
	s2 =	simm.s32 @!p0 $0x1C0D  }
0x6f: {  	[timem:s3], [sflag:s2] =	dma.local @!p0 [hbm:s0], s1  }
0x70: {  	s0 =	simm.s32 @!p0 $0xD  }
0x71: {  	_ =	swait.ge @!p0 [sflag:s0], s1  }
0x72: {  	s1 =	ssub.s32 @!p0 $0x0, s1;
	[sflag:s0] =	ssyncset.done @!p0 $0x0  }
0x73: {  	[sflag:s0] =	ssyncadd.s32 @!p0 s1  }
0x74: {  	[bflag:$0x3] =	sbarrier.arrive $0xFFFF  }
0x75: {  	_ =	shalt  }

// kernel: kernel.9.cloned.1.call-start
scs
__scs_entry_jumppad:
0x0: {  	(pc) =	sbr.rel $0x88, $3  }
0x1: {  	(tag) =	ssettag $0x0;
	lr =	simm.s32 $0x1  }
0x2: {  	[smem:$0x3F90] =	sst lr;
	_ =	strace $0xD0000000  }
0x3: {  	_ = 	snop  }
0x4: {  	_ = 	snop  }
0x5: {  	_ = 	snop  }
0x6: {  	_ = 	snop  }
0x7: {  	_ = 	snop  }
__scs_overlays_trampoline_lowered:
0x8: {  	[smem:$0x3F9F] =	sst s0  }
0x9: {  	[smem:$0x3FA0] =	sst s1  }
0xa: {  	[smem:$0x3FA1] =	sst s2  }
0xb: {  	[smem:$0x3FA2] =	sst s3  }
0xc: {  	[smem:$0x3FA3] =	sst s4  }
0xd: {  	[smem:$0x3FA4] =	sst s5  }
0xe: {  	[smem:$0x3FA5] =	sst s6  }
0xf: {  	[smem:$0x3FA6] =	sst s7  }
0x10: {  	[smem:$0x3FA7] =	sst s8  }
0x11: {  	[smem:$0x3FA8] =	sst s9;
	s0 =	simm.s32 @!p0 $0x0  }
0x12: {  	s1 =	sld [smem:$0x3F8E];
	s0 =	simm.s32 @p0 $0x1  }
0x13: {  	[smem:$0x3FA9] =	sst s0;
	s0 =	simm.s32 @!p1 $0x0  }
0x14: {  	s2 =	sld [smem:$0x3F8D];
	s0 =	simm.s32 @p1 $0x1  }
0x15: {  	[smem:$0x3FAA] =	sst s0;
	s0 =	simm.s32 @!p2 $0x0  }
0x16: {  	s3 =	sld [smem:$0x3FDB];
	s0 =	simm.s32 @p2 $0x1  }
0x17: {  	s4 =	simm.s32 $0x1BF5;
	[smem:$0x3FAC] =	sst s0  }
0x18: {  	s0 =	sld [smem:$0x3F8F];
	_ =	swait.ge [sflag:s4], $0x0  }
0x19: {  	s7 =	sld [smem:$0x3F90]  }
0x1a: {  	s8 =	sadd.s32 $0xFFFFE003, lr  }
0x1b: {  	s9 =	sadd.s32 $0xFFFFFEF7, lr;
	s5 =	simm.s32 $0xFFFFFFFF;
	p2 =	slt.u32 s8, $0xFFFFF086  }
0x1c: {  	p1 =	slt.u32 s9, $0xF7A;
	s5 =	simm.s32 @!p2 $0x0  }
0x1d: {  	s5 =	simm.s32 @p1 $0x1;
	p0 =	seq.s32 s7, s2  }
0x1e: {  	s7 =	smul.u32 @!p0 $0xF7A, s2;
	p2 =	seq.s32 @!p0 s5, $0x0  }
0x1f: {  	s9 =	smul.u32 $0xF7A, s1;
	s8 =	simm.s32 @!p0 $0x1BF5;
	p2 =	por !p2, p0  }
0x20: {  	[sflag:s8] =	ssyncset.s32 @!p0 $0xFFFFF086;
	s6 =	sadd.s32 @!p0 s3, s7;
	s7 =	simm.s32 @!p0 $0x108  }
0x21: {  	s3 =	sadd.s32 s3, s9;
	s6 =	sadd.s32 @!p0 $0x88, s6;
	s7 =	simm.s32 @p2 $0x1082  }
0x22: {  	[simem:s7], [sflag:s8] =	dma.local @!p0 [hbm:s6], $0xF7A  }
0x23: {  	s9 =	sor.u32 $0xD0000000, s2;
	s6 =	simm.s32 $0x108;
	_ =	swait.ge @!p0 [sflag:s8], $0x0  }
0x24: {  	s3 =	sadd.s32 $0x88, s3;
	s6 =	simm.s32 @!p1 $0x1082;
	[sflag:s4] =	ssyncset.s32 $0xFFFFF086  }
0x25: {  	[simem:s6], [sflag:s4] =	dma.local [hbm:s3], $0xF7A  }
0x26: {  	[smem:$0x3F90] =	sst s1;
	(tag) =	ssettag s2;
	_ =	strace s9  }
0x27: {  	s1 =	sld [smem:$0x3FA0]  }
0x28: {  	s2 =	sld [smem:$0x3FA1]  }
0x29: {  	s4 =	sld [smem:$0x3FA3]  }
0x2a: {  	p0 =	seq.s32 s5, $0x0;
	s5 =	sld [smem:$0x3FA4]  }
0x2b: {  	s6 =	sld [smem:$0x3FA5]  }
0x2c: {  	s7 =	sld [smem:$0x3FA6]  }
0x2d: {  	s3 =	simm.s32 $0x108;
	s8 =	sld [smem:$0x3FA7]  }
0x2e: {  	s3 =	simm.s32 @!p0 $0x1082;
	s9 =	sld [smem:$0x3FA8]  }
0x2f: {  	lr =	sadd.s32 s0, s3;
	s0 =	sld [smem:$0x3F9F]  }
0x30: {  	s3 =	sld [smem:$0x3FA2]  }
0x31: {  	[smem:$0x3FAB] =	sst s10  }
0x32: {  	s10 =	sld [smem:$0x3FA9];
	_ =	sdelay $0x3  }
0x33: {  	p0 =	seq.s32 s10, $0x1;
	s10 =	sld [smem:$0x3FAB];
	_ =	sdelay $0x3  }
0x34: {  	[smem:$0x3FAB] =	sst s10  }
0x35: {  	s10 =	sld [smem:$0x3FAA];
	_ =	sdelay $0x3  }
0x36: {  	p1 =	seq.s32 s10, $0x1;
	s10 =	sld [smem:$0x3FAB];
	_ =	sdelay $0x3  }
0x37: {  	[smem:$0x3FAB] =	sst s10  }
0x38: {  	s10 =	sld [smem:$0x3FAC]  }
0x39: {  	_ = 	snop;
	(pc) =	sbr.ind lr, $3  }
0x3a: {  	_ = 	snop  }
0x3b: {  	_ = 	snop  }
0x3c: {  	p2 =	seq.s32 s10, $0x1;
	s10 =	sld [smem:$0x3FAB]  }
0x3d: {  	_ =	shalt  }
0x3e: {  	_ =	shalt  }
0x3f: {  	_ =	shalt  }
0x40: {  	_ =	shalt  }
0x41: {  	_ =	shalt  }
0x42: {  	_ =	shalt  }
0x43: {  	_ =	shalt  }
0x44: {  	_ =	shalt  }
0x45: {  	_ =	shalt  }
0x46: {  	_ =	shalt  }
0x47: {  	_ =	shalt  }
0x48: {  	_ =	shalt  }
0x49: {  	_ =	shalt  }
0x4a: {  	_ =	shalt  }
0x4b: {  	_ =	shalt  }
0x4c: {  	_ =	shalt  }
0x4d: {  	_ =	shalt  }
0x4e: {  	_ =	shalt  }
0x4f: {  	_ =	shalt  }
0x50: {  	_ =	shalt  }
0x51: {  	_ =	shalt  }
0x52: {  	_ =	shalt  }
0x53: {  	_ =	shalt  }
0x54: {  	_ =	shalt  }
0x55: {  	_ =	shalt  }
0x56: {  	_ =	shalt  }
0x57: {  	_ =	shalt  }
0x58: {  	_ =	shalt  }
0x59: {  	_ =	shalt  }
0x5a: {  	_ =	shalt  }
0x5b: {  	_ =	shalt  }
0x5c: {  	_ =	shalt  }
0x5d: {  	_ =	shalt  }
0x5e: {  	_ =	shalt  }
0x5f: {  	_ =	shalt  }
0x60: {  	_ =	shalt  }
0x61: {  	_ =	shalt  }
0x62: {  	_ =	shalt  }
0x63: {  	_ =	shalt  }
0x64: {  	_ =	shalt  }
0x65: {  	_ =	shalt  }
0x66: {  	_ =	shalt  }
0x67: {  	_ =	shalt  }
0x68: {  	_ =	shalt  }
0x69: {  	_ =	shalt  }
0x6a: {  	_ =	shalt  }
0x6b: {  	_ =	shalt  }
0x6c: {  	_ =	shalt  }
0x6d: {  	_ =	shalt  }
0x6e: {  	_ =	shalt  }
0x6f: {  	_ =	shalt  }
0x70: {  	_ =	shalt  }
0x71: {  	_ =	shalt  }
0x72: {  	_ =	shalt  }
0x73: {  	_ =	shalt  }
0x74: {  	_ =	shalt  }
0x75: {  	_ =	shalt  }
0x76: {  	_ =	shalt  }
0x77: {  	_ =	shalt  }
0x78: {  	_ =	shalt  }
0x79: {  	_ =	shalt  }
0x7a: {  	_ =	shalt  }
0x7b: {  	_ =	shalt  }
0x7c: {  	_ =	shalt  }
0x7d: {  	_ =	shalt  }
0x7e: {  	_ =	shalt  }
0x7f: {  	_ =	shalt  }
0x80: {  	_ =	shalt  }
0x81: {  	_ =	shalt  }
0x82: {  	_ =	shalt  }
0x83: {  	_ =	shalt  }
0x84: {  	_ =	shalt  }
0x85: {  	_ =	shalt  }
0x86: {  	_ =	shalt  }
0x87: {  	_ =	shalt  }
.Lfunc_end0:
.L_simem_size_0:
called_computation_lowered:
.L_overlay_start_0:
0x88: {  	s2 =	sld [smem:$0x3FD9]  }
0x89: {  	s3 =	sld [smem:$0x3FFE];
	_ =	sdelay $0x1  }
0x8a: {  	s1 =	srdreg.scid  }
0x8b: {  	s0 =	sand.u32 $0x1, s1  }
0x8c: {  	s17 =	sshll.u32 s0, $0xA;
	s2 =	sadd.s32 s3, s2  }
0x8d: {  	s2 =	sadd.s32 s2, s17  }
0x8e: {  	[smem:$0x3FB7] =	sst s2  }
0x8f: {  	_ = 	snop  }
0x90: {  	(tm) =	ssettm $0x1  }
0x91: {  	s18 =	sld [smem:$0x3FFB];
	_ =	sdelay $0x3  }
0x92: {  	_ =	strace s18  }
0x93: {  	s2 =	sld [smem:$0x3FFC];
	_ =	sdelay $0x3  }
0x94: {  	_ =	strace s2  }
0x95: {  	s2 =	sld [smem:$0x3FFD];
	_ =	sdelay $0x3  }
0x96: {  	_ =	strace s2  }
0x97: {  	_ =	strace $0x8FFFFFFF  }
0x98: {  	s19 =	sld [smem:$0x3FDB];
	_ =	sdelay $0x1  }
0x99: {  	s20 =	simm.s32 $_scs_section_size  }
0x9a: {  	s4 =	simm.s32 $_size__tile_overlayer_lowered;
	s5 =	simm.s32 $_tile_overlayer_lowered  }
0x9b: {  	s6 =	simm.s32 $0x1BFF;
	s21 =	sshll.u32 s5, $0x1;
	s3 =	sadd.s32 s20, s19  }
0x9c: {  	s22 =	simm.s32 $0x0;
	s4 =	sshll.u32 s4, $0x1;
	s5 =	sadd.s32 s21, s3  }
0x9d: {  	[timem:s22], [sflag:s6] =	dma.local [hbm:s5], s4  }
0x9e: {  	_ =	swait.ge [sflag:s6], s4  }
0x9f: {  	s4 =	ssub.s32 $0x0, s4;
	[sflag:s6] =	ssyncset.done $0x0  }
0xa0: {  	[sflag:s6] =	ssyncadd.s32 s4;
	_ =	sdelay $0x1  }
0xa1: {  	s23 =	simm.s32 $0x1B8B  }
0xa2: {  	_ =	swait.ge [sflag:s23], $0x1  }
0xa3: {  	[sflag:s23] =	ssyncset.done $0x0  }
0xa4: {  	[sflag:s23] =	ssyncadd.s32 $0xFFFFFFFF  }
0xa5: {  	s4 =	sld [smem:$0x0]  }
0xa6: {  	s5 =	sand.u32 $0xFFFFFFFE, s1  }
0xa7: {  	p0 =	sne.s32 s1, s5  }
0xa8: {  	s5 =	sshll.u32 @p0 s5, $0xE  }
0xa9: {  	s5 =	sadd.s32 @p0 $0x11B8D, s5;
	s6 =	sshll.u32 @p0 s4, $0x11  }
0xaa: {  	s5 =	sor.u32 @p0 s6, s5  }
0xab: {  	[sflag:s5] =	ssyncadd.remote.s32 @p0 $0x1;
	_ =	sdelay $0x1  }
0xac: {  	s5 =	simm.s32 @p0 $0x1B8D  }
0xad: {  	_ =	swait.eq @p0 [sflag:s5], $0x1  }
0xae: {  	[sflag:s5] =	ssyncadd.s32 @p0 $0xFFFFFFFF  }
0xaf: {  	s6 =	sshll.u32 @!p0 s1, $0xE  }
0xb0: {  	s6 =	sor.u32 @!p0 $0x4000, s6;
	s5 =	simm.s32 @!p0 $0x1B8D  }
0xb1: {  	s4 =	sshll.u32 @!p0 s4, $0x11;
	s6 =	sadd.s32 @!p0 $0x11B8D, s6;
	_ =	swait.eq @!p0 [sflag:s5], $0x1  }
0xb2: {  	s4 =	sor.u32 @!p0 s4, s6;
	[sflag:s5] =	ssyncadd.s32 @!p0 $0xFFFFFFFF  }
0xb3: {  	s25 =	simm.s32 $0x1B8E;
	s24 =	sld [smem:$0x3FFE];
	[sflag:s4] =	ssyncadd.remote.s32 @!p0 $0x1  }
0xb4: {  	s26 =	simm.s32 $execute0_lowered;
	[smem:$0x3FD2] =	sst s25  }
0xb5: {  	s5 =	sshll.u32 s26, $0x1;
	_ =	strace $0x80000049;
	[dreg:$0x1] =	wrdreg $0xFFFFFFFF  }
0xb6: {  	s28 =	simm.s32 $_size_execute0_lowered;
	s3 =	sadd.s32 s3, s5;
	[dreg:$0x0] =	wrdreg $0x0  }
0xb7: {  	s5 =	sshll.u32 s28, $0x1;
	[dreg:$0x2] =	wrdreg s3  }
0xb8: {  	[dreg:$0x3] =	wrdreg s5  }
0xb9: {  	[dreg:$0x4] =	wrdreg $0xC0  }
0xba: {  	_ =	task [dreg:s22], $0x5FFFF  }
0xbb: {  	[dreg:$0x1] =	wrdreg $0xFFFFFFFF  }
0xbc: {  	[dreg:$0x0] =	wrdreg $0x60  }
0xbd: {  	[dreg:$0x2] =	wrdreg s24  }
0xbe: {  	[dreg:$0x3] =	wrdreg $0x0  }
0xbf: {  	[dreg:$0x4] =	wrdreg $0x9  }
0xc0: {  	_ =	task.clear_ibuf [dreg:s22], $0x5FFFF;
	_ =	strace $0x90000049  }
0xc1: {  	s29 =	simm.s32 $0x9;
	_ =	strace $0x8000004B  }
0xc2: {  	_ =	swait.ge [sflag:s29], $0x1  }
0xc3: {  	[sflag:s29] =	ssyncadd.s32 $0xFFFFFFFF  }
0xc4: {  	_ =	strace $0x9000004B  }
0xc5: {  	_ =	sfence  }
0xc6: {  	s30 =	sld [smem:$0x0];
	_ =	sdelay $0x2  }
0xc7: {  	s31 =	sshll.u32 s1, $0xD;
	s1 =	sshrl.u32 s1, $0x2  }
0xc8: {  	s4 =	sand.u32 $0x4000, s31;
	s1 =	sadd.s32 s1, s30  }
0xc9: {  	s0 =	sor.u32 s4, s0;
	s1 =	sshll.u32 s1, $0x11  }
0xca: {  	s0 =	sor.u32 s1, s0  }
0xcb: {  	s0 =	sadd.s32 $0x8F2B, s0  }
0xcc: {  	[sflag:s0] =	ssyncadd.remote.s32 $0x1  }
0xcd: {  	_ =	sfence.sel $0xFFFF  }
0xce: {  	[dreg:$0x0] =	wrdreg $0xFFFFFFFF;
	(pc) =	sbr.abs _section_cstart, $3  }
0xcf: {  	[dreg:$0x1] =	wrdreg $0xFFFFFFFF  }
0xd0: {  	_ =	task.clear_ibuf [dreg:s22], $0x2FFFF;
	_ =	strace $0x9FFFFFFF  }
0xd1: {  	(tm) =	ssettm $0x7FFFFFFF  }
tec
execute0_lowered:
.L_overlay_start_1:
0x0: {  	(tag) =	ssettag $0x1  }
0x1: {  	s0 =	srdreg.scid;
	s7 =	rddreg [dreg:$0x0]  }
0x2: {  	s2 =	rddreg [dreg:$0x1];
	s6 =	sand.u32 $0x1, s0  }
0x3: {  	s16 =	simm.s32 $0x7;
	s0 =	stileid.u32;
	s3 =	smul.u32 $0x130, s6  }
0x4: {  	s17 =	simm.s32 $0x0;
	s13 =	sadd.s32 $0x194800, s7;
	s5 =	smul.u32 $0x13, s0  }
0x5: {  	s15 =	sadd.s32 $0x5BA40, s2;
	s1 =	sshll.u32 s6, $0x4;
	s9 =	smul.u32 $0x61C0, s0  }
0x6: {  	s10 =	ssub.s32 $0x2, s6;
	s29 =	smul.u32 $0x61A80, s6;
	s8 =	sor.u32 s0, s1  }
0x7: {  	s6 =	sadd.s32 $0x193948, s7;
	s12 =	sshrl.u32 s10, $0x1;
	s4 =	smin.u32 s8, $0x11  }
0x8: {  	s28 =	sshrl.u32 s9, $0x3;
	s10 =	ssub.s32 s10, s12;
	s14 =	sadd.s32 s9, s2  }
0x9: {  	p0 =	slt.u32 s8, $0x11;
	s30 =	sadd.s32 s9, s29;
	s31 =	sshrl.u32 s29, $0x3  }
0xa: {  	s4 =	sadd.s32 s3, s4;
	s3 =	simm.s32 $0x0;
	s8 =	sshrl.u32 s30, $0x3  }
0xb: {  	s9 =	sadd.s32 s13, s31;
	s10 =	smax.u32 s10, $0x1;
	s4 =	sadd.s32 s5, s4  }
0xc: {  	[smem:$0x7FF] =	sst s3;
	s5 =	sadd.s32 s28, s7;
	s4 =	smul.u32 $0xA0, s4  }
0xd: {  	s8 =	sadd.s32 s13, s8;
	s9 =	sadd.s32 $0xB748, s9;
	_ =	strace $0x8000004A  }
0xe: {  	s11 =	sadd.s32 s4, s7;
	s4 =	sadd.s32 $0x194600, s7;
	s7 =	simm.s32 $0x14  }
0xf: {  	s5 =	sadd.s32 $0x188200, s5;
	s7 =	simm.s32 @!p0 $0x13;
	p0 =	seq.s32 s0, $0xF  }
0x10: {  	s11 =	sadd.s32 $0xC4800, s11;
	s13 =	sshll.u32 @!p0 s0, $0x6;
	s12 =	sshrl.u32 @p0 s15, $0x3  }
0x11: {  	s14 =	sshrl.u32 @!p0 s14, $0x3;
	s15 =	simm.s32 $0x61A8;
	s13 =	sor.u32 @!p0 $0x1C07, s13  }
.LBB2_1:
0x12: {  	s18 =	simm.s32 @p0 $0x1FC7  }
0x13: {  	[spmem:s12], [sflag:s18] =	dma.local @p0 [hbm:s6], $0xC08  }
0x14: {  	s18 =	simm.s32 @p0 $0x7  }
0x15: {  	_ =	swait.ge @p0 [sflag:s18], $0xC08  }
0x16: {  	[sflag:s18] =	ssyncset.done @p0 $0x0  }
0x17: {  	[sflag:s18] =	ssyncadd.s32 @p0 $0xFFFFF3F8;
	s18 =	simm.s32 @!p0 $0x7  }
0x18: {  	[spmem:s14], [sflag:s13] =	dma.local @!p0 [hbm:s5], $0xC38  }
0x19: {  	_ =	swait.ge @!p0 [sflag:s18], $0xC38  }
0x1a: {  	p3 =	sle.u32 s7, $0x0;
	s19 =	simm.s32 $0xFFFFFFFF;
	[sflag:s18] =	ssyncset.done @!p0 $0x0  }
0x1b: {  	p1 =	sle.u32 s7, $0xFFFFFFFF;
	[sflag:s18] =	ssyncadd.s32 @!p0 $0xFFFFF3C8;
	s18 =	smul.u32 @!p3 $0xAB, s3  }
0x1c: {  	p2 =	por $0x1, $0x1;
	s19 =	smul.u32 @!p1 $0xAB, s19  }
0x1d: {  	s20 =	simm.s32 $0xFFFFFFFE;
	p4 =	sle.s32 @!p2 s7, $0xFFFFFFFE;
	s18 =	sshrl.u32 @!p3 s18, $0x9  }
0x1e: {  	s22 =	simm.s32 @!p3 $0x0;
	s19 =	sshrl.u32 @!p1 s19, $0x9;
	s18 =	sand.u32 @!p3 $0x7F, s18  }
0x1f: {  	s25 =	simm.s32 @!p1 $0x100;
	s19 =	sand.u32 @!p1 $0x7F, s19;
	s18 =	smul.u32 @!p3 $0x3, s18  }
0x20: {  	[tilespmem:s15], [sflag:$0x7] =	stream.linear.gather [hbm4b:s4+s3], $0x800, $0x38;
	[tilespmem:$0x78A8] =	vst v63  }
0x21: {  	p2 =	por p4, p2;
	s19 =	smul.u32 @!p1 $0x3, s19;
	s18 =	ssub.s32 @!p3 $0x0, s18  }
0x22: {  	s21 =	simm.s32 @!p2 $0xFFFFFFFF;
	s20 =	smulhi.u32 @!p2 $0x55555556, s20;
	s18 =	sand.u32 @!p3 $0xFF, s18  }
0x23: {  	s19 =	ssub.s32 @!p1 $0xFFFFFFFF, s19;
	_ =	swait.ge [sflag:s16], $0x800;
	s23 =	smul.u32 @!p3 $0x1400, s18  }
0x24: {  	s24 =	smul.u32 @!p2 $0x55555556, s21;
	s19 =	sand.u32 @!p1 $0xFF, s19;
	[sflag:s16] =	ssyncset.done $0x0  }
0x25: {  	s28 =	smul.u32 @!p1 $0x1400, s19;
	[sflag:s16] =	ssyncadd.s32 $0xFFFFF800;
	s23 =	sshrl.u32 @!p3 s23, $0x2  }
0x26: {  	[bflag:$0x0] =	sbarrier.arrive $0xFFFF;
	s18 =	sadd.s32 @!p3 $0x1, s18;
	s23 =	sadd.s32 @!p3 $0x69A8, s23  }
0x27: {  	[tilespmem:s23], [sflag:s18] =	stream.linear.gather @!p3 [hbm4b:s11+s22], $0x500, $0x38;
	[tilespmem:$0x78A8] =	vst v63  }
0x28: {  	s21 =	simm.s32 @!p1 $0x61A8;
	s26 =	sadd.s32 @!p1 $0x1, s19;
	s23 =	sor.u32 @!p1 $0x4, s19  }
0x29: {  	s18 =	sshrl.u32 @!p1 s28, $0x2;
	s19 =	sadd.s32 @!p2 s24, s20;
	s24 =	simm.s32 $0x1  }
0x2a: {  	_ =	swait.ge @!p1 [sflag:s26], $0x500;
	s20 =	sadd.s32 @!p1 $0x69A8, s18;
	s22 =	sshrl.u32 @!p2 s19, $0x1F  }
0x2b: {  	s28 =	sadd.s32 @!p1 $0x6CA8, s18;
	[sflag:s26] =	ssyncset.done @!p1 $0x0;
	s19 =	sadd.s32 @!p2 s22, s19  }
0x2c: {  	[sflag:s26] =	ssyncadd.s32 @!p1 $0xFFFFFB00;
	s22 =	smul.u32 @!p2 $0x3, s19;
	s19 =	simm.s32 $0x2  }
0x2d: {  	[spmem:s2] =	stream.indirect.scatter.add.f32 @!p1 [tilespmem:s21], [sflag:s23], $0x8, s20, s25, $0xb8;
	[tilespmem:$0x78A8] =	vst v63  }
0x2e: {  	s26 =	sadd.s32 @!p1 $0x6DA8, s18;
	s20 =	sadd.s32 @!p1 $0x6AA8, s18;
	s22 =	ssub.s32 @!p2 $0xFFFFFFFE, s22  }
0x2f: {  	[spmem:s2] =	stream.indirect.scatter.add.f32 @!p1 [tilespmem:s21], [sflag:s23], $0x8, s20, s25, $0xb8;
	[tilespmem:$0x78A8] =	vst v63  }
0x30: {  	p2 =	por p2, p2;
	s20 =	sadd.s32 @!p1 $0x6BA8, s18;
	s18 =	smov.u32 s11  }
0x31: {  	[spmem:s2] =	stream.indirect.scatter.add.f32 @!p1 [tilespmem:s21], [sflag:s23], $0x8, s20, s25, $0xb8;
	[tilespmem:$0x78A8] =	vst v63  }
.LBB2_2:
0x32: {  	s18 =	sadd.s32 $0xA0, s18;
	s20 =	smov.u32 s19;
	s19 =	sadd.s32 $0x1, s19  }
0x33: {  	[spmem:s2] =	stream.indirect.scatter.add.f32 @!p1 [tilespmem:s21], [sflag:s23], $0x8, s28, s25, $0xb8;
	[tilespmem:$0x78A8] =	vst v63  }
0x34: {  	p3 =	sge.u32 s24, s7;
	s29 =	sadd.s32 @!p2 $0x4, s22;
	s28 =	sadd.s32 $0xFFFFFFFF, s24  }
0x35: {  	[spmem:s2] =	stream.indirect.scatter.add.f32 @!p1 [tilespmem:s21], [sflag:s23], $0x8, s26, s25, $0xb8;
	[tilespmem:$0x78A8] =	vst v63  }
0x36: {  	p5 =	slt.u32 s24, $0x2;
	s21 =	smul.u32 @!p3 $0xAB, s24;
	_ =	swait.ge @!p2 [sflag:s29], $0x800  }
0x37: {  	s22 =	sadd.s32 $0xFFFFFFFE, s24;
	p1 =	sge.u32 s28, s7;
	[sflag:s29] =	ssyncset.done @!p2 $0x0  }
0x38: {  	s23 =	smul.u32 @!p1 $0xAB, s28;
	s21 =	sshrl.u32 @!p3 s21, $0x9;
	[sflag:s29] =	ssyncadd.s32 @!p2 $0xFFFFF800  }
0x39: {  	p6 =	sge.s32 @!p5 s22, s7;
	s21 =	sand.u32 @!p3 $0x7F, s21;
	_ =	swait.ge @!p2 [sflag:s29], $0x800  }
0x3a: {  	s23 =	sshrl.u32 @!p1 s23, $0x9;
	s21 =	smul.u32 @!p3 $0x3, s21;
	[sflag:s29] =	ssyncset.done @!p2 $0x0  }
0x3b: {  	p4 =	sne.s32 s19, $0x16;
	s23 =	sand.u32 @!p1 $0x7F, s23;
	[sflag:s29] =	ssyncadd.s32 @!p2 $0xFFFFF800  }
0x3c: {  	s23 =	smul.u32 @!p1 $0x3, s23;
	s21 =	ssub.s32 @!p3 s24, s21;
	_ =	swait.ge @!p2 [sflag:s29], $0x800  }
0x3d: {  	s24 =	simm.s32 @!p3 $0x0;
	s21 =	sand.u32 @!p3 $0xFF, s21;
	[sflag:s29] =	ssyncset.done @!p2 $0x0  }
0x3e: {  	p5 =	por p6, p5;
	s23 =	ssub.s32 @!p1 s28, s23;
	[sflag:s29] =	ssyncadd.s32 @!p2 $0xFFFFF800  }
0x3f: {  	s26 =	sshra.s32 @!p5 s22, $0x1F;
	s25 =	smul.u32 @!p3 $0x1400, s21;
	_ =	swait.ge @!p2 [sflag:s29], $0x800  }
0x40: {  	s26 =	smul.u32 @!p5 $0x55555556, s26;
	s28 =	sadd.s32 @!p3 $0x1, s21;
	[sflag:s29] =	ssyncset.done @!p2 $0x0  }
0x41: {  	s23 =	sand.u32 @!p1 $0xFF, s23;
	s21 =	simm.s32 @!p1 $0x61A8;
	[sflag:s29] =	ssyncadd.s32 @!p2 $0xFFFFF800  }
0x42: {  	s31 =	smulhi.u32 @!p5 $0x55555556, s22;
	s30 =	sshrl.u32 @!p3 s25, $0x2;
	_ =	swait.ge @!p2 [sflag:s29], $0x800  }
0x43: {  	s1 =	sadd.s32 @!p1 $0x1, s23;
	s0 =	smul.u32 @!p1 $0x1400, s23;
	[sflag:s29] =	ssyncset.done @!p2 $0x0  }
0x44: {  	s23 =	sor.u32 @!p1 $0x4, s23;
	s25 =	simm.s32 @!p1 $0x100;
	[sflag:s29] =	ssyncadd.s32 @!p2 $0xFFFFF800  }
0x45: {  	s26 =	sadd.s32 @!p5 s26, s31;
	s0 =	sshrl.u32 @!p1 s0, $0x2;
	s29 =	sadd.s32 @!p3 $0x69A8, s30  }
0x46: {  	[tilespmem:s29], [sflag:s28] =	stream.linear.gather @!p3 [hbm4b:s18+s24], $0x500, $0x38;
	[tilespmem:$0x78A8] =	vst v63  }
0x47: {  	s24 =	sadd.s32 @!p1 $0x69A8, s0;
	s28 =	sshrl.u32 @!p5 s26, $0x1F;
	_ =	swait.ge @!p1 [sflag:s1], $0x500  }
0x48: {  	s29 =	sadd.s32 @!p1 $0x6BA8, s0;
	s26 =	sadd.s32 @!p5 s28, s26;
	[sflag:s1] =	ssyncset.done @!p1 $0x0  }
0x49: {  	s30 =	smul.u32 @!p5 $0x3, s26;
	[sflag:s1] =	ssyncadd.s32 @!p1 $0xFFFFFB00;
	s1 =	sadd.s32 @!p1 $0x6AA8, s0  }
0x4a: {  	[spmem:s2] =	stream.indirect.scatter.add.f32 @!p1 [tilespmem:s21], [sflag:s23], $0x8, s24, s25, $0xb8;
	[tilespmem:$0x78A8] =	vst v63  }
.Ltmp0:
0x4b: {  	_ = 	snop;
	(pc) =	sbr.rel @p4 .LBB2_2-.Ltmp0, $4  }
0x4c: {  	s28 =	sadd.s32 @!p1 $0x6CA8, s0;
	s26 =	sadd.s32 @!p1 $0x6DA8, s0;
	s22 =	ssub.s32 @!p5 s22, s30  }
0x4d: {  	[spmem:s2] =	stream.indirect.scatter.add.f32 @!p1 [tilespmem:s21], [sflag:s23], $0x8, s1, s25, $0xb8;
	[tilespmem:$0x78A8] =	vst v63  }
0x4e: {  	p2 =	por p5, p5;
	s24 =	smov.u32 s20  }
0x4f: {  	[spmem:s2] =	stream.indirect.scatter.add.f32 @!p1 [tilespmem:s21], [sflag:s23], $0x8, s29, s25, $0xb8;
	[tilespmem:$0x78A8] =	vst v63  }
0x50: {  	[spmem:s2] =	stream.indirect.scatter.add.f32 @!p1 [tilespmem:s21], [sflag:s23], $0x8, s28, s25, $0xb8;
	[tilespmem:$0x78A8] =	vst v63  }
0x51: {  	p3 =	sge.u32 s24, s7;
	s0 =	sadd.s32 @!p2 $0x4, s22  }
0x52: {  	[spmem:s2] =	stream.indirect.scatter.add.f32 @!p1 [tilespmem:s21], [sflag:s23], $0x8, s26, s25, $0xb8;
	[tilespmem:$0x78A8] =	vst v63  }
0x53: {  	s1 =	sadd.s32 $0xFFFFFFFF, s24;
	s18 =	sadd.s32 $0xA0, s18;
	_ =	swait.ge @!p2 [sflag:s0], $0x800  }
0x54: {  	p4 =	slt.u32 s24, $0x2;
	s19 =	smul.u32 @!p3 $0xAB, s24;
	[sflag:s0] =	ssyncset.done @!p2 $0x0  }
0x55: {  	s22 =	simm.s32 @!p3 $0x0;
	p1 =	sge.u32 s1, s7;
	[sflag:s0] =	ssyncadd.s32 @!p2 $0xFFFFF800  }
0x56: {  	s21 =	sadd.s32 $0xFFFFFFFE, s24;
	s19 =	sshrl.u32 @!p3 s19, $0x9;
	_ =	swait.ge @!p2 [sflag:s0], $0x800  }
0x57: {  	s20 =	smul.u32 @!p1 $0xAB, s1;
	p5 =	sge.s32 @!p4 s21, s7;
	[sflag:s0] =	ssyncset.done @!p2 $0x0  }
0x58: {  	s19 =	sand.u32 @!p3 $0x7F, s19;
	p4 =	por p5, p4;
	[sflag:s0] =	ssyncadd.s32 @!p2 $0xFFFFF800  }
0x59: {  	s19 =	smul.u32 @!p3 $0x3, s19;
	s20 =	sshrl.u32 @!p1 s20, $0x9;
	_ =	swait.ge @!p2 [sflag:s0], $0x800  }
0x5a: {  	s23 =	sshra.s32 @!p4 s21, $0x1F;
	s25 =	smulhi.u32 @!p4 $0x55555556, s21;
	[sflag:s0] =	ssyncset.done @!p2 $0x0  }
0x5b: {  	s20 =	sand.u32 @!p1 $0x7F, s20;
	s23 =	smul.u32 @!p4 $0x55555556, s23;
	[sflag:s0] =	ssyncadd.s32 @!p2 $0xFFFFF800  }
0x5c: {  	s19 =	ssub.s32 @!p3 s24, s19;
	s20 =	smul.u32 @!p1 $0x3, s20;
	_ =	swait.ge @!p2 [sflag:s0], $0x800  }
0x5d: {  	s24 =	simm.s32 @!p1 $0x61A8;
	s19 =	sand.u32 @!p3 $0xFF, s19;
	[sflag:s0] =	ssyncset.done @!p2 $0x0  }
0x5e: {  	s1 =	ssub.s32 @!p1 s1, s20;
	s20 =	smul.u32 @!p3 $0x1400, s19;
	[sflag:s0] =	ssyncadd.s32 @!p2 $0xFFFFF800  }
0x5f: {  	s19 =	sadd.s32 @!p3 $0x1, s19;
	s1 =	sand.u32 @!p1 $0xFF, s1;
	_ =	swait.ge @!p2 [sflag:s0], $0x800  }
0x60: {  	s20 =	sshrl.u32 @!p3 s20, $0x2;
	s26 =	sadd.s32 @!p1 $0x1, s1;
	[sflag:s0] =	ssyncset.done @!p2 $0x0  }
0x61: {  	s28 =	smul.u32 @!p1 $0x1400, s1;
	[sflag:s0] =	ssyncadd.s32 @!p2 $0xFFFFF800;
	s0 =	sadd.s32 @!p3 $0x69A8, s20  }
0x62: {  	[tilespmem:s0], [sflag:s19] =	stream.linear.gather @!p3 [hbm4b:s18+s22], $0x500, $0x38;
	[tilespmem:$0x78A8] =	vst v63  }
0x63: {  	s0 =	sor.u32 @!p1 $0x4, s1;
	s1 =	simm.s32 @!p1 $0x100;
	_ =	swait.ge @!p1 [sflag:s26], $0x500  }
0x64: {  	s18 =	sshrl.u32 @!p1 s28, $0x2;
	s19 =	sadd.s32 @!p4 s23, s25;
	[sflag:s26] =	ssyncset.done @!p1 $0x0  }
0x65: {  	s20 =	sadd.s32 @!p1 $0x69A8, s18;
	s22 =	sshrl.u32 @!p4 s19, $0x1F;
	[sflag:s26] =	ssyncadd.s32 @!p1 $0xFFFFFB00  }
0x66: {  	[spmem:s2] =	stream.indirect.scatter.add.f32 @!p1 [tilespmem:s24], [sflag:s0], $0x8, s20, s1, $0xb8;
	[tilespmem:$0x78A8] =	vst v63  }
0x67: {  	s19 =	sadd.s32 @!p4 s22, s19;
	s20 =	sadd.s32 @!p1 $0x6AA8, s18  }
0x68: {  	[spmem:s2] =	stream.indirect.scatter.add.f32 @!p1 [tilespmem:s24], [sflag:s0], $0x8, s20, s1, $0xb8;
	[tilespmem:$0x78A8] =	vst v63  }
0x69: {  	s19 =	smul.u32 @!p4 $0x3, s19;
	s20 =	sadd.s32 @!p1 $0x6BA8, s18  }
0x6a: {  	[spmem:s2] =	stream.indirect.scatter.add.f32 @!p1 [tilespmem:s24], [sflag:s0], $0x8, s20, s1, $0xb8;
	[tilespmem:$0x78A8] =	vst v63  }
0x6b: {  	p2 =	por p4, p4;
	s19 =	ssub.s32 @!p4 s21, s19;
	s20 =	sadd.s32 @!p1 $0x6CA8, s18  }
0x6c: {  	[spmem:s2] =	stream.indirect.scatter.add.f32 @!p1 [tilespmem:s24], [sflag:s0], $0x8, s20, s1, $0xb8;
	[tilespmem:$0x78A8] =	vst v63  }
0x6d: {  	s19 =	sadd.s32 @!p2 $0x4, s19;
	s18 =	sadd.s32 @!p1 $0x6DA8, s18  }
0x6e: {  	[spmem:s2] =	stream.indirect.scatter.add.f32 @!p1 [tilespmem:s24], [sflag:s0], $0x8, s18, s1, $0xb8;
	[tilespmem:$0x78A8] =	vst v63  }
0x6f: {  	_ =	swait.ge @!p2 [sflag:s19], $0x800  }
0x70: {  	[sflag:s19] =	ssyncset.done @!p2 $0x0  }
0x71: {  	[sflag:s19] =	ssyncadd.s32 @!p2 $0xFFFFF800  }
0x72: {  	_ =	swait.ge @!p2 [sflag:s19], $0x800  }
0x73: {  	[sflag:s19] =	ssyncset.done @!p2 $0x0  }
0x74: {  	[sflag:s19] =	ssyncadd.s32 @!p2 $0xFFFFF800  }
0x75: {  	_ =	swait.ge @!p2 [sflag:s19], $0x800  }
0x76: {  	[sflag:s19] =	ssyncset.done @!p2 $0x0  }
0x77: {  	[sflag:s19] =	ssyncadd.s32 @!p2 $0xFFFFF800  }
0x78: {  	_ =	swait.ge @!p2 [sflag:s19], $0x800  }
0x79: {  	[sflag:s19] =	ssyncset.done @!p2 $0x0  }
0x7a: {  	[sflag:s19] =	ssyncadd.s32 @!p2 $0xFFFFF800  }
0x7b: {  	_ =	swait.ge @!p2 [sflag:s19], $0x800  }
0x7c: {  	[sflag:s19] =	ssyncset.done @!p2 $0x0  }
0x7d: {  	[sflag:s19] =	ssyncadd.s32 @!p2 $0xFFFFF800  }
0x7e: {  	s0 =	simm.s32 @p0 $0x1FC7;
	[bflag:$0x0] =	sbarrier.arrive $0xFFFF  }
0x7f: {  	[hbm:s9], [sflag:s0] =	dma.local @p0 [spmem:s12], $0xC08  }
0x80: {  	s0 =	simm.s32 @p0 $0x7  }
0x81: {  	s17 =	sadd.s32 $0x1, s17;
	_ =	swait.ge @p0 [sflag:s0], $0xC08  }
0x82: {  	p1 =	sne.s32 s17, s10;
	[sflag:s0] =	ssyncset.done @p0 $0x0  }
.Ltmp1:
0x83: {  	[sflag:s0] =	ssyncadd.s32 @p0 $0xFFFFF3F8;
	s0 =	simm.s32 @!p0 $0x7;
	(pc) =	sbr.rel @p1 .LBB2_1-.Ltmp1, $4  }
0x84: {  	[hbm:s8], [sflag:s13] =	dma.local @!p0 [spmem:s14], $0xC38  }
0x85: {  	_ =	swait.ge @!p0 [sflag:s0], $0xC38  }
0x86: {  	[sflag:s0] =	ssyncset.done @!p0 $0x0  }
0x87: {  	[sflag:s0] =	ssyncadd.s32 @!p0 $0xFFFFF3C8  }
0x88: {  	_ =	sfence.sel $0x180000  }
0x89: {  	[bflag:$0x0] =	sbarrier.arrive $0xFFFF  }
0x8a: {  	_ =	strace $0x9000004A  }
0x8b: {  	s0 =	stileid.u32;
	[bflag:$0x2] =	sbarrier.arrive $0xFFFF  }
0x8c: {  	p0 =	sne.s32 s0, $0x0;
	s0 =	rddreg [dreg:$0x2]  }
0x8d: {  	s0 =	sadd.s32 @!p0 $0x100000, s0  }
0x8e: {  	[sflag:s0] =	ssyncadd.tile.s32 @!p0 $0x1;
	_ =	shalt  }
.Lfunc_end2:
_tile_overlayer_lowered:
.L_overlay_start_2:
0x8f: {  	(tag) =	ssettag $0x2  }
0x90: {  	s0 =	rddreg [dreg:$0x0];
	s2 =	stileid.u32  }
0x91: {  	s1 =	rddreg [dreg:$0x1];
	p0 =	sne.s32 s2, $0x0  }
0x92: {  	s3 =	rddreg [dreg:$0x2];
	[bflag:$0x3] =	sbarrier.arrive $0xFFFF;
	s2 =	simm.s32 @!p0 $0x1C07  }
0x93: {  	[timem:s3], [sflag:s2] =	dma.local @!p0 [hbm:s0], s1  }
0x94: {  	s0 =	simm.s32 @!p0 $0x7  }
0x95: {  	_ =	swait.ge @!p0 [sflag:s0], s1  }
0x96: {  	s1 =	ssub.s32 @!p0 $0x0, s1;
	[sflag:s0] =	ssyncset.done @!p0 $0x0  }
0x97: {  	[sflag:s0] =	ssyncadd.s32 @!p0 s1  }
0x98: {  	[bflag:$0x3] =	sbarrier.arrive $0xFFFF  }
0x99: {  	_ =	shalt  }

</sc_bundles>
